<compile_context>
chip_gen: v7x
topology: tpu7x:2x2x1
jax: 0.10.2.dev20260603
libtpu: 0.0.44.dev20260713+nightly
codegen_flags: <defaults>
</compile_context>

<pallas_src>
import jax
import jax.numpy as jnp
from jax import lax
from jax.experimental import pallas as pl
from jax.experimental.pallas import tpu as pltpu
from jax.experimental.pallas import tpu_sc as plsc

N = 10000
NP = 10240
D = 128
E = 320000
NW = 32
CH = 128
NCH = 80
EP = NW * NCH * CH
RPT = NP // 16
SEG = 40

_mesh = plsc.VectorSubcoreMesh(core_axis_name="core", subcore_axis_name="subcore")


def _deg_body(dst_hbm, ones_hbm, z1_hbm, deg_hbm, acc, dst_v, ones_v, zed_v):
    c = lax.axis_index("core")
    s = lax.axis_index("subcore")
    wid = s * 2 + c
    pltpu.sync_copy(ones_hbm, ones_v)
    pltpu.sync_copy(z1_hbm, zed_v)
    pltpu.sync_copy(dst_hbm.at[pl.ds(wid * NCH, NCH)], dst_v)
    pltpu.sync_copy(zed_v, acc.at[pl.ds(s * RPT, RPT)])
    plsc.subcore_barrier()

    @pl.loop(0, NCH)
    def _(j):
        pltpu.sync_copy(ones_v, acc.at[dst_v.at[j]], add=True)

    plsc.subcore_barrier()
    pltpu.sync_copy(acc.at[pl.ds(s * RPT, RPT)], deg_hbm.at[pl.ds(c * NP + s * RPT, RPT)])


def _deg_call(dst_p, ones_h, z1):
    return pl.kernel(
        _deg_body,
        out_type=jax.ShapeDtypeStruct((2 * NP,), jnp.float32),
        mesh=_mesh,
        scratch_types=[
            pltpu.VMEM_SHARED((NP,), jnp.float32),
            pltpu.VMEM((NCH, CH), jnp.int32),
            pltpu.VMEM((CH,), jnp.float32),
            pltpu.VMEM((RPT,), jnp.float32),
        ],
    )(dst_p, ones_h, z1)


def _agg_body(xs_hbm, src_hbm, dst_hbm, z2_hbm, out_hbm, acc,
              src_v, dst_v, rows0, rows1, gs0, gs1, ss0, ss1):
    c = lax.axis_index("core")
    s = lax.axis_index("subcore")
    wid = s * 2 + c
    pltpu.sync_copy(z2_hbm, rows0)
    for k in range(RPT // CH):
        pltpu.sync_copy(rows0, acc.at[pl.ds(s * RPT + k * CH, CH)])
    plsc.subcore_barrier()

    def run_segment(base):
        pltpu.sync_copy(src_hbm.at[pl.ds(base, SEG)], src_v)
        pltpu.sync_copy(dst_hbm.at[pl.ds(base, SEG)], dst_v)
        pltpu.async_copy(xs_hbm.at[src_v.at[0]], rows0, gs0)
        pltpu.async_copy(xs_hbm.at[src_v.at[1]], rows1, gs1)

        @pl.loop(0, SEG, step=2)
        def _(j):
            pltpu.make_async_copy(xs_hbm.at[src_v.at[j]], rows0, gs0).wait()
            sc0 = pltpu.async_copy(rows0, acc.at[dst_v.at[j]], ss0, add=True)
            pltpu.make_async_copy(xs_hbm.at[src_v.at[j + 1]], rows1, gs1).wait()
            sc1 = pltpu.async_copy(rows1, acc.at[dst_v.at[j + 1]], ss1, add=True)

            @pl.when(j + 2 < SEG)
            def _():
                sc0.wait()
                pltpu.async_copy(xs_hbm.at[src_v.at[j + 2]], rows0, gs0)
                sc1.wait()
                pltpu.async_copy(xs_hbm.at[src_v.at[j + 3]], rows1, gs1)

            @pl.when(j + 2 >= SEG)
            def _():
                sc0.wait()
                sc1.wait()

    for seg in range(NCH // SEG):
        run_segment(wid * NCH + seg * SEG)

    plsc.subcore_barrier()
    pltpu.sync_copy(acc.at[pl.ds(s * RPT, RPT)], out_hbm.at[c, pl.ds(s * RPT, RPT)])


def _agg_call(xs, src_p, dst_p, z2):
    return pl.kernel(
        _agg_body,
        out_type=jax.ShapeDtypeStruct((2, NP, D), jnp.float32),
        mesh=_mesh,
        scratch_types=[
            pltpu.VMEM_SHARED((NP, D), jnp.float32),
            pltpu.VMEM((SEG, CH), jnp.int32),
            pltpu.VMEM((SEG, CH), jnp.int32),
            pltpu.VMEM((CH, D), jnp.float32),
            pltpu.VMEM((CH, D), jnp.float32),
            pltpu.SemaphoreType.DMA,
            pltpu.SemaphoreType.DMA,
            pltpu.SemaphoreType.DMA,
            pltpu.SemaphoreType.DMA,
        ],
    )(xs, src_p, dst_p, z2)


def _tc_a_body(x_ref, w_ref, degp_ref, xs_ref, dinv_ref):
    deg = degp_ref[0] + degp_ref[1] + 1.0
    dinv = lax.rsqrt(deg)
    dinv_ref[...] = dinv
    xw = jnp.dot(x_ref[...], w_ref[...], preferred_element_type=jnp.float32)
    xs_ref[...] = xw * dinv


def _tc_b1_body(s_ref, xs_ref, dinv_ref, b_ref, w_ref, xs2_ref):
    agg = s_ref[0] + s_ref[1] + xs_ref[...]
    h = jnp.maximum(agg * dinv_ref[...] + b_ref[...], 0.0)
    xw = jnp.dot(h, w_ref[...], preferred_element_type=jnp.float32)
    xs2_ref[...] = xw * dinv_ref[...]


def _tc_b2_body(s_ref, xs_ref, dinv_ref, b_ref, h_ref, xs3_ref):
    agg = s_ref[0] + s_ref[1] + xs_ref[...]
    h = jnp.maximum(agg * dinv_ref[...] + b_ref[...], 0.0)
    h_ref[...] = h
    xs3_ref[...] = h * dinv_ref[...]


def _tc_c_body(s_ref, xs_ref, dinv_ref, w_ref, b_ref, out_ref):
    agg = (s_ref[0] + s_ref[1] + xs_ref[...]) * dinv_ref[...]
    out_ref[...] = jnp.dot(agg, w_ref[...], preferred_element_type=jnp.float32) + b_ref[...]


def kernel(x, edge_index, W1, b1, W2, b2, W3, b3):
    src = edge_index[0].astype(jnp.int32)
    dst = edge_index[1].astype(jnp.int32)
    pad = EP - E
    pad_idx = N + (jnp.arange(pad, dtype=jnp.int32) % (NP - N))
    src_p = jnp.concatenate([src, pad_idx]).reshape(NW * NCH, CH)
    dst_p = jnp.concatenate([dst, pad_idx]).reshape(NW * NCH, CH)
    x_p = jnp.pad(x, ((0, NP - N), (0, 0)))
    ones_h = jnp.ones((CH,), jnp.float32)
    z1 = jnp.zeros((RPT,), jnp.float32)
    z2 = jnp.zeros((CH, D), jnp.float32)

    deg_parts = _deg_call(dst_p, ones_h, z1)
    degp = deg_parts.reshape(2, NP, 1)

    xs1, dinv = pl.pallas_call(
        _tc_a_body,
        out_shape=[
            jax.ShapeDtypeStruct((NP, D), jnp.float32),
            jax.ShapeDtypeStruct((NP, 1), jnp.float32),
        ],
    )(x_p, W1, degp)

    s1 = _agg_call(xs1, src_p, dst_p, z2)

    xs2 = pl.pallas_call(
        _tc_b1_body,
        out_shape=jax.ShapeDtypeStruct((NP, D), jnp.float32),
    )(s1, xs1, dinv, b1.reshape(1, D), W2)

    s2 = _agg_call(xs2, src_p, dst_p, z2)

    h2, xs3 = pl.pallas_call(
        _tc_b2_body,
        out_shape=[
            jax.ShapeDtypeStruct((NP, D), jnp.float32),
            jax.ShapeDtypeStruct((NP, D), jnp.float32),
        ],
    )(s2, xs2, dinv, b2.reshape(1, D))

    s3 = _agg_call(xs3, src_p, dst_p, z2)

    out = pl.pallas_call(
        _tc_c_body,
        out_shape=jax.ShapeDtypeStruct((NP, W3.shape[1]), jnp.float32),
    )(s3, xs3, dinv, W3, b3.reshape(1, W3.shape[1]))

    return (out[:N], h2[:N])

# --- scband reference (transcript-rebuilt; emitter-appended) ---
"""Pipeline reference for scband-gcn-74345883894238 (READ-ONLY COPY).

The authoritative reference and input builder live on the scoring server;
editing this copy changes nothing except your own understanding.
"""

import jax, jax.numpy as jnp
import numpy as np

N_NODES = 10000

def gcn_conv(x, edge_index, W, b):
    n = x.shape[0]
    loop = jnp.arange(n, dtype=edge_index.dtype)
    src = jnp.concatenate([edge_index[0], loop])
    dst = jnp.concatenate([edge_index[1], loop])
    # linear transform first (as in PyG GCNConv)
    xw = x @ W
    # symmetric normalization D^{-1/2} (A+I) D^{-1/2}
    deg = jnp.zeros((n,), dtype=x.dtype).at[dst].add(1.0)
    dinv = jnp.where(deg > 0, jax.lax.rsqrt(deg), 0.0)
    norm = dinv[src] * dinv[dst]
    msg = xw[src] * norm[:, None]
    out = jnp.zeros((n, W.shape[1]), dtype=x.dtype).at[dst].add(msg)
    return out + b

def setup_inputs(seed: int = 0) -> dict:
    key = jax.random.key(seed)
    ks = jax.random.split(key, 8)
    x = jax.random.normal(ks[0], (N_NODES, 128), dtype=jnp.float32)
    edge_index = jax.random.randint(ks[1], (2, 320000), 0, N_NODES, dtype=jnp.int64)
    s1 = 1.0 / np.sqrt(128)
    W1 = jax.random.uniform(ks[2], (128, 128), jnp.float32, -s1, s1)
    b1 = jnp.zeros((128,), jnp.float32)
    W2 = jax.random.uniform(ks[3], (128, 128), jnp.float32, -s1, s1)
    b2 = jnp.zeros((128,), jnp.float32)
    W3 = jax.random.uniform(ks[4], (128, 40), jnp.float32, -s1, s1)
    b3 = jnp.zeros((40,), jnp.float32)
    return {"x": x, "edge_index": edge_index, "W1": W1, "b1": b1, "W2": W2, "b2": b2, "W3": W3, "b3": b3}

def reference(x, edge_index, W1, b1, W2, b2, W3, b3):
    h = gcn_conv(x, edge_index, W1, b1)
    h = jax.nn.relu(h)
    # dropout is identity in eval mode
    h = gcn_conv(h, edge_index, W2, b2)
    h = jax.nn.relu(h)
    x_latent = h
    out = gcn_conv(h, edge_index, W3, b3)
    return (out, x_latent)

if __name__ == "__main__":
    import jax
    _d = setup_inputs()
    print(jax.jit(kernel)(*tuple(_d.values())))

</pallas_src>

<mosaic_0001>
#map = affine_map<(d0, d1) -> (0, 0)>
#map1 = affine_map<(d0, d1) -> (0, 0, 0)>
module attributes {stable_mosaic.version = 14 : i64} {
  func.func @_agg_body(%arg0: i32, %arg1: i32, %arg2: memref<10240x128xf32, #tpu.memory_space<hbm>>, %arg3: memref<2560x128xi32, #tpu.memory_space<hbm>>, %arg4: memref<2560x128xi32, #tpu.memory_space<hbm>>, %arg5: memref<128x128xf32, #tpu.memory_space<hbm>>, %arg6: memref<2x10240x128xf32, #tpu.memory_space<hbm>>, %arg7: memref<10240x128xf32, #tpu.memory_space<vmem_shared>>, %arg8: memref<40x128xi32, #tpu.memory_space<vmem>>, %arg9: memref<40x128xi32, #tpu.memory_space<vmem>>, %arg10: memref<128x128xf32, #tpu.memory_space<vmem>>, %arg11: memref<128x128xf32, #tpu.memory_space<vmem>>, %arg12: memref<!tpu.dma_semaphore, #tpu.memory_space<semaphore_mem>>, %arg13: memref<!tpu.dma_semaphore, #tpu.memory_space<semaphore_mem>>, %arg14: memref<!tpu.dma_semaphore, #tpu.memory_space<semaphore_mem>>, %arg15: memref<!tpu.dma_semaphore, #tpu.memory_space<semaphore_mem>>) attributes {dimension_semantics = [#tpu.dimension_semantics<core_parallel>, #tpu.dimension_semantics<subcore_parallel>], iteration_bounds = array<i64: 2, 16>, scalar_prefetch = 0 : i64, scratch_operands = 9 : i64, tpu.core_type = #tpu.core_type<sc_vector_subcore>, window_params = [{transform_indices = #map}, {transform_indices = #map}, {transform_indices = #map}, {transform_indices = #map}, {transform_indices = #map1}]} {
    %mul3A = arith.constant 2 : i32
    %mul3A_0 = arith.muli %arg1, %mul3A : i32
    %add3A = arith.addi %mul3A_0, %arg0 : i32
    "tpu.region"() ({
      %run_scoped3A = tpu.sem_alloc : memref<!tpu.dma_semaphore, #tpu.memory_space<semaphore_mem>>
      tpu.enqueue_dma source(%arg5 : memref<128x128xf32, #tpu.memory_space<hbm>>) target(%arg10 : memref<128x128xf32, #tpu.memory_space<vmem>>) target_semaphore(%run_scoped3A : memref<!tpu.dma_semaphore, #tpu.memory_space<semaphore_mem>>)
      tpu.wait_dma2 semaphore(%run_scoped3A : memref<!tpu.dma_semaphore, #tpu.memory_space<semaphore_mem>>) src(%arg5 : memref<128x128xf32, #tpu.memory_space<hbm>>) dst(%arg10 : memref<128x128xf32, #tpu.memory_space<vmem>>)
      tpu.yield
    }) : () -> ()
    %mul3A_1 = arith.constant 640 : i32
    %mul3A_2 = arith.muli %arg1, %mul3A_1 : i32
    %add3A_3 = arith.constant 0 : i32
    %add3A_4 = arith.addi %mul3A_2, %add3A_3 : i32
    "tpu.region"() ({
      %run_scoped3A = tpu.sem_alloc : memref<!tpu.dma_semaphore, #tpu.memory_space<semaphore_mem>>
      %dma_start3A_70 = arith.constant 0 : i32
      %dma_start3A_71 = tpu.memref_slice %arg7[%add3A_4, %dma_start3A_70] : memref<10240x128xf32, #tpu.memory_space<vmem_shared>> -> memref<128x128xf32, #tpu.memory_space<vmem_shared>>
      %dma_start3A_72 = arith.constant 0 : i32
      %dma_start3A_73 = tpu.memref_slice %arg7[%add3A_4, %dma_start3A_72] : memref<10240x128xf32, #tpu.memory_space<vmem_shared>> -> memref<128x128xf32, #tpu.memory_space<vmem_shared>>
      tpu.enqueue_dma source(%arg10 : memref<128x128xf32, #tpu.memory_space<vmem>>) target(%dma_start3A_73 : memref<128x128xf32, #tpu.memory_space<vmem_shared>>) target_semaphore(%run_scoped3A : memref<!tpu.dma_semaphore, #tpu.memory_space<semaphore_mem>>)
      %dma_wait3A = arith.constant 0 : i32
      %dma_wait3A_74 = tpu.memref_slice %arg7[%add3A_4, %dma_wait3A] : memref<10240x128xf32, #tpu.memory_space<vmem_shared>> -> memref<128x128xf32, #tpu.memory_space<vmem_shared>>
      %dma_wait3A_75 = arith.constant 0 : i32
      %dma_wait3A_76 = tpu.memref_slice %arg7[%add3A_4, %dma_wait3A_75] : memref<10240x128xf32, #tpu.memory_space<vmem_shared>> -> memref<128x128xf32, #tpu.memory_space<vmem_shared>>
      tpu.wait_dma2 semaphore(%run_scoped3A : memref<!tpu.dma_semaphore, #tpu.memory_space<semaphore_mem>>) src(%arg10 : memref<128x128xf32, #tpu.memory_space<vmem>>) dst(%dma_wait3A_76 : memref<128x128xf32, #tpu.memory_space<vmem_shared>>)
      tpu.yield
    }) : () -> ()
    %mul3A_5 = arith.constant 640 : i32
    %mul3A_6 = arith.muli %arg1, %mul3A_5 : i32
    %add3A_7 = arith.constant 128 : i32
    %add3A_8 = arith.addi %mul3A_6, %add3A_7 : i32
    "tpu.region"() ({
      %run_scoped3A = tpu.sem_alloc : memref<!tpu.dma_semaphore, #tpu.memory_space<semaphore_mem>>
      %dma_start3A_70 = arith.constant 0 : i32
      %dma_start3A_71 = tpu.memref_slice %arg7[%add3A_8, %dma_start3A_70] : memref<10240x128xf32, #tpu.memory_space<vmem_shared>> -> memref<128x128xf32, #tpu.memory_space<vmem_shared>>
      %dma_start3A_72 = arith.constant 0 : i32
      %dma_start3A_73 = tpu.memref_slice %arg7[%add3A_8, %dma_start3A_72] : memref<10240x128xf32, #tpu.memory_space<vmem_shared>> -> memref<128x128xf32, #tpu.memory_space<vmem_shared>>
      tpu.enqueue_dma source(%arg10 : memref<128x128xf32, #tpu.memory_space<vmem>>) target(%dma_start3A_73 : memref<128x128xf32, #tpu.memory_space<vmem_shared>>) target_semaphore(%run_scoped3A : memref<!tpu.dma_semaphore, #tpu.memory_space<semaphore_mem>>)
      %dma_wait3A = arith.constant 0 : i32
      %dma_wait3A_74 = tpu.memref_slice %arg7[%add3A_8, %dma_wait3A] : memref<10240x128xf32, #tpu.memory_space<vmem_shared>> -> memref<128x128xf32, #tpu.memory_space<vmem_shared>>
      %dma_wait3A_75 = arith.constant 0 : i32
      %dma_wait3A_76 = tpu.memref_slice %arg7[%add3A_8, %dma_wait3A_75] : memref<10240x128xf32, #tpu.memory_space<vmem_shared>> -> memref<128x128xf32, #tpu.memory_space<vmem_shared>>
      tpu.wait_dma2 semaphore(%run_scoped3A : memref<!tpu.dma_semaphore, #tpu.memory_space<semaphore_mem>>) src(%arg10 : memref<128x128xf32, #tpu.memory_space<vmem>>) dst(%dma_wait3A_76 : memref<128x128xf32, #tpu.memory_space<vmem_shared>>)
      tpu.yield
    }) : () -> ()
    %mul3A_9 = arith.constant 640 : i32
    %mul3A_10 = arith.muli %arg1, %mul3A_9 : i32
    %add3A_11 = arith.constant 256 : i32
    %add3A_12 = arith.addi %mul3A_10, %add3A_11 : i32
    "tpu.region"() ({
      %run_scoped3A = tpu.sem_alloc : memref<!tpu.dma_semaphore, #tpu.memory_space<semaphore_mem>>
      %dma_start3A_70 = arith.constant 0 : i32
      %dma_start3A_71 = tpu.memref_slice %arg7[%add3A_12, %dma_start3A_70] : memref<10240x128xf32, #tpu.memory_space<vmem_shared>> -> memref<128x128xf32, #tpu.memory_space<vmem_shared>>
      %dma_start3A_72 = arith.constant 0 : i32
      %dma_start3A_73 = tpu.memref_slice %arg7[%add3A_12, %dma_start3A_72] : memref<10240x128xf32, #tpu.memory_space<vmem_shared>> -> memref<128x128xf32, #tpu.memory_space<vmem_shared>>
      tpu.enqueue_dma source(%arg10 : memref<128x128xf32, #tpu.memory_space<vmem>>) target(%dma_start3A_73 : memref<128x128xf32, #tpu.memory_space<vmem_shared>>) target_semaphore(%run_scoped3A : memref<!tpu.dma_semaphore, #tpu.memory_space<semaphore_mem>>)
      %dma_wait3A = arith.constant 0 : i32
      %dma_wait3A_74 = tpu.memref_slice %arg7[%add3A_12, %dma_wait3A] : memref<10240x128xf32, #tpu.memory_space<vmem_shared>> -> memref<128x128xf32, #tpu.memory_space<vmem_shared>>
      %dma_wait3A_75 = arith.constant 0 : i32
      %dma_wait3A_76 = tpu.memref_slice %arg7[%add3A_12, %dma_wait3A_75] : memref<10240x128xf32, #tpu.memory_space<vmem_shared>> -> memref<128x128xf32, #tpu.memory_space<vmem_shared>>
      tpu.wait_dma2 semaphore(%run_scoped3A : memref<!tpu.dma_semaphore, #tpu.memory_space<semaphore_mem>>) src(%arg10 : memref<128x128xf32, #tpu.memory_space<vmem>>) dst(%dma_wait3A_76 : memref<128x128xf32, #tpu.memory_space<vmem_shared>>)
      tpu.yield
    }) : () -> ()
    %mul3A_13 = arith.constant 640 : i32
    %mul3A_14 = arith.muli %arg1, %mul3A_13 : i32
    %add3A_15 = arith.constant 384 : i32
    %add3A_16 = arith.addi %mul3A_14, %add3A_15 : i32
    "tpu.region"() ({
      %run_scoped3A = tpu.sem_alloc : memref<!tpu.dma_semaphore, #tpu.memory_space<semaphore_mem>>
      %dma_start3A_70 = arith.constant 0 : i32
      %dma_start3A_71 = tpu.memref_slice %arg7[%add3A_16, %dma_start3A_70] : memref<10240x128xf32, #tpu.memory_space<vmem_shared>> -> memref<128x128xf32, #tpu.memory_space<vmem_shared>>
      %dma_start3A_72 = arith.constant 0 : i32
      %dma_start3A_73 = tpu.memref_slice %arg7[%add3A_16, %dma_start3A_72] : memref<10240x128xf32, #tpu.memory_space<vmem_shared>> -> memref<128x128xf32, #tpu.memory_space<vmem_shared>>
      tpu.enqueue_dma source(%arg10 : memref<128x128xf32, #tpu.memory_space<vmem>>) target(%dma_start3A_73 : memref<128x128xf32, #tpu.memory_space<vmem_shared>>) target_semaphore(%run_scoped3A : memref<!tpu.dma_semaphore, #tpu.memory_space<semaphore_mem>>)
      %dma_wait3A = arith.constant 0 : i32
      %dma_wait3A_74 = tpu.memref_slice %arg7[%add3A_16, %dma_wait3A] : memref<10240x128xf32, #tpu.memory_space<vmem_shared>> -> memref<128x128xf32, #tpu.memory_space<vmem_shared>>
      %dma_wait3A_75 = arith.constant 0 : i32
      %dma_wait3A_76 = tpu.memref_slice %arg7[%add3A_16, %dma_wait3A_75] : memref<10240x128xf32, #tpu.memory_space<vmem_shared>> -> memref<128x128xf32, #tpu.memory_space<vmem_shared>>
      tpu.wait_dma2 semaphore(%run_scoped3A : memref<!tpu.dma_semaphore, #tpu.memory_space<semaphore_mem>>) src(%arg10 : memref<128x128xf32, #tpu.memory_space<vmem>>) dst(%dma_wait3A_76 : memref<128x128xf32, #tpu.memory_space<vmem_shared>>)
      tpu.yield
    }) : () -> ()
    %mul3A_17 = arith.constant 640 : i32
    %mul3A_18 = arith.muli %arg1, %mul3A_17 : i32
    %add3A_19 = arith.constant 512 : i32
    %add3A_20 = arith.addi %mul3A_18, %add3A_19 : i32
    "tpu.region"() ({
      %run_scoped3A = tpu.sem_alloc : memref<!tpu.dma_semaphore, #tpu.memory_space<semaphore_mem>>
      %dma_start3A_70 = arith.constant 0 : i32
      %dma_start3A_71 = tpu.memref_slice %arg7[%add3A_20, %dma_start3A_70] : memref<10240x128xf32, #tpu.memory_space<vmem_shared>> -> memref<128x128xf32, #tpu.memory_space<vmem_shared>>
      %dma_start3A_72 = arith.constant 0 : i32
      %dma_start3A_73 = tpu.memref_slice %arg7[%add3A_20, %dma_start3A_72] : memref<10240x128xf32, #tpu.memory_space<vmem_shared>> -> memref<128x128xf32, #tpu.memory_space<vmem_shared>>
      tpu.enqueue_dma source(%arg10 : memref<128x128xf32, #tpu.memory_space<vmem>>) target(%dma_start3A_73 : memref<128x128xf32, #tpu.memory_space<vmem_shared>>) target_semaphore(%run_scoped3A : memref<!tpu.dma_semaphore, #tpu.memory_space<semaphore_mem>>)
      %dma_wait3A = arith.constant 0 : i32
      %dma_wait3A_74 = tpu.memref_slice %arg7[%add3A_20, %dma_wait3A] : memref<10240x128xf32, #tpu.memory_space<vmem_shared>> -> memref<128x128xf32, #tpu.memory_space<vmem_shared>>
      %dma_wait3A_75 = arith.constant 0 : i32
      %dma_wait3A_76 = tpu.memref_slice %arg7[%add3A_20, %dma_wait3A_75] : memref<10240x128xf32, #tpu.memory_space<vmem_shared>> -> memref<128x128xf32, #tpu.memory_space<vmem_shared>>
      tpu.wait_dma2 semaphore(%run_scoped3A : memref<!tpu.dma_semaphore, #tpu.memory_space<semaphore_mem>>) src(%arg10 : memref<128x128xf32, #tpu.memory_space<vmem>>) dst(%dma_wait3A_76 : memref<128x128xf32, #tpu.memory_space<vmem_shared>>)
      tpu.yield
    }) : () -> ()
    %barrier3A = arith.constant 0 : index
    tpu.barrier barrier_id(%barrier3A)
    %mul3A_21 = arith.constant 80 : i32
    %mul3A_22 = arith.muli %add3A, %mul3A_21 : i32
    %add3A_23 = arith.constant 0 : i32
    %add3A_24 = arith.addi %mul3A_22, %add3A_23 : i32
    "tpu.region"() ({
      %run_scoped3A = tpu.sem_alloc : memref<!tpu.dma_semaphore, #tpu.memory_space<semaphore_mem>>
      %dma_start3A_70 = arith.constant 0 : i32
      %dma_start3A_71 = tpu.memref_slice %arg3[%add3A_24, %dma_start3A_70] : memref<2560x128xi32, #tpu.memory_space<hbm>> -> memref<40x128xi32, #tpu.memory_space<hbm>>
      %dma_start3A_72 = arith.constant 0 : i32
      %dma_start3A_73 = tpu.memref_slice %arg3[%add3A_24, %dma_start3A_72] : memref<2560x128xi32, #tpu.memory_space<hbm>> -> memref<40x128xi32, #tpu.memory_space<hbm>>
      tpu.enqueue_dma source(%dma_start3A_73 : memref<40x128xi32, #tpu.memory_space<hbm>>) target(%arg8 : memref<40x128xi32, #tpu.memory_space<vmem>>) target_semaphore(%run_scoped3A : memref<!tpu.dma_semaphore, #tpu.memory_space<semaphore_mem>>)
      %dma_wait3A = arith.constant 0 : i32
      %dma_wait3A_74 = tpu.memref_slice %arg3[%add3A_24, %dma_wait3A] : memref<2560x128xi32, #tpu.memory_space<hbm>> -> memref<40x128xi32, #tpu.memory_space<hbm>>
      %dma_wait3A_75 = arith.constant 0 : i32
      %dma_wait3A_76 = tpu.memref_slice %arg3[%add3A_24, %dma_wait3A_75] : memref<2560x128xi32, #tpu.memory_space<hbm>> -> memref<40x128xi32, #tpu.memory_space<hbm>>
      tpu.wait_dma2 semaphore(%run_scoped3A : memref<!tpu.dma_semaphore, #tpu.memory_space<semaphore_mem>>) src(%dma_wait3A_76 : memref<40x128xi32, #tpu.memory_space<hbm>>) dst(%arg8 : memref<40x128xi32, #tpu.memory_space<vmem>>)
      tpu.yield
    }) : () -> ()
    "tpu.region"() ({
      %run_scoped3A = tpu.sem_alloc : memref<!tpu.dma_semaphore, #tpu.memory_space<semaphore_mem>>
      %dma_start3A_70 = arith.constant 0 : i32
      %dma_start3A_71 = tpu.memref_slice %arg4[%add3A_24, %dma_start3A_70] : memref<2560x128xi32, #tpu.memory_space<hbm>> -> memref<40x128xi32, #tpu.memory_space<hbm>>
      %dma_start3A_72 = arith.constant 0 : i32
      %dma_start3A_73 = tpu.memref_slice %arg4[%add3A_24, %dma_start3A_72] : memref<2560x128xi32, #tpu.memory_space<hbm>> -> memref<40x128xi32, #tpu.memory_space<hbm>>
      tpu.enqueue_dma source(%dma_start3A_73 : memref<40x128xi32, #tpu.memory_space<hbm>>) target(%arg9 : memref<40x128xi32, #tpu.memory_space<vmem>>) target_semaphore(%run_scoped3A : memref<!tpu.dma_semaphore, #tpu.memory_space<semaphore_mem>>)
      %dma_wait3A = arith.constant 0 : i32
      %dma_wait3A_74 = tpu.memref_slice %arg4[%add3A_24, %dma_wait3A] : memref<2560x128xi32, #tpu.memory_space<hbm>> -> memref<40x128xi32, #tpu.memory_space<hbm>>
      %dma_wait3A_75 = arith.constant 0 : i32
      %dma_wait3A_76 = tpu.memref_slice %arg4[%add3A_24, %dma_wait3A_75] : memref<2560x128xi32, #tpu.memory_space<hbm>> -> memref<40x128xi32, #tpu.memory_space<hbm>>
      tpu.wait_dma2 semaphore(%run_scoped3A : memref<!tpu.dma_semaphore, #tpu.memory_space<semaphore_mem>>) src(%dma_wait3A_76 : memref<40x128xi32, #tpu.memory_space<hbm>>) dst(%arg9 : memref<40x128xi32, #tpu.memory_space<vmem>>)
      tpu.yield
    }) : () -> ()
    %dma_start3A = arith.constant 0 : i32
    %dma_start3A_25 = arith.constant 0 : i32
    %dma_start3A_26 = tpu.memref_slice %arg8[%dma_start3A, %dma_start3A_25] : memref<40x128xi32, #tpu.memory_space<vmem>> -> memref<1x128xi32, #tpu.memory_space<vmem>>
    %dma_start3A_27 = tpu.memref_squeeze %dma_start3A_26 : memref<1x128xi32, #tpu.memory_space<vmem>> -> memref<128xi32, #tpu.memory_space<vmem>>
    %dma_start3A_28 = arith.constant 0 : i32
    %dma_start3A_29 = arith.constant 0 : i32
    %dma_start3A_30 = tpu.memref_slice %arg2[%dma_start3A_28, %dma_start3A_29] : memref<10240x128xf32, #tpu.memory_space<hbm>> -> memref<10240x128xf32, #tpu.memory_space<hbm>>
    tpu.enqueue_indirect_dma source(%dma_start3A_30 : memref<10240x128xf32, #tpu.memory_space<hbm>>) target(%arg10 : memref<128x128xf32, #tpu.memory_space<vmem>>) offsets(%dma_start3A_27 : memref<128xi32, #tpu.memory_space<vmem>>) semaphore(%arg12 : memref<!tpu.dma_semaphore, #tpu.memory_space<semaphore_mem>>)
    %dma_start3A_31 = arith.constant 1 : i32
    %dma_start3A_32 = arith.constant 0 : i32
    %dma_start3A_33 = tpu.memref_slice %arg8[%dma_start3A_31, %dma_start3A_32] : memref<40x128xi32, #tpu.memory_space<vmem>> -> memref<1x128xi32, #tpu.memory_space<vmem>>
    %dma_start3A_34 = tpu.memref_squeeze %dma_start3A_33 : memref<1x128xi32, #tpu.memory_space<vmem>> -> memref<128xi32, #tpu.memory_space<vmem>>
    %dma_start3A_35 = arith.constant 0 : i32
    %dma_start3A_36 = arith.constant 0 : i32
    %dma_start3A_37 = tpu.memref_slice %arg2[%dma_start3A_35, %dma_start3A_36] : memref<10240x128xf32, #tpu.memory_space<hbm>> -> memref<10240x128xf32, #tpu.memory_space<hbm>>
    tpu.enqueue_indirect_dma source(%dma_start3A_37 : memref<10240x128xf32, #tpu.memory_space<hbm>>) target(%arg11 : memref<128x128xf32, #tpu.memory_space<vmem>>) offsets(%dma_start3A_34 : memref<128xi32, #tpu.memory_space<vmem>>) semaphore(%arg13 : memref<!tpu.dma_semaphore, #tpu.memory_space<semaphore_mem>>)
    %scan3A = arith.constant 0 : i32
    %scan3A_38 = arith.constant 20 : i32
    %scan3A_39 = arith.addi %scan3A, %scan3A_38 : i32
    %scan3A_40 = arith.constant 1 : i32
    scf.for %scan3A_70 = %scan3A to %scan3A_39 step %scan3A_40  : i32 {
      %mul3A_71 = arith.constant 2 : i32
      %mul3A_72 = arith.muli %scan3A_70, %mul3A_71 : i32
      %add3A_73 = arith.constant 0 : i32
      %add3A_74 = arith.addi %add3A_73, %mul3A_72 : i32
      %dma_wait3A = arith.constant 0 : i32
      %dma_wait3A_75 = tpu.memref_slice %arg8[%add3A_74, %dma_wait3A] : memref<40x128xi32, #tpu.memory_space<vmem>> -> memref<1x128xi32, #tpu.memory_space<vmem>>
      %dma_wait3A_76 = tpu.memref_squeeze %dma_wait3A_75 : memref<1x128xi32, #tpu.memory_space<vmem>> -> memref<128xi32, #tpu.memory_space<vmem>>
      %dma_wait3A_77 = arith.constant 0 : i32
      %dma_wait3A_78 = arith.constant 0 : i32
      %dma_wait3A_79 = tpu.memref_slice %arg2[%dma_wait3A_77, %dma_wait3A_78] : memref<10240x128xf32, #tpu.memory_space<hbm>> -> memref<10240x128xf32, #tpu.memory_space<hbm>>
      tpu.wait_indirect_dma semaphore(%arg12 : memref<!tpu.dma_semaphore, #tpu.memory_space<semaphore_mem>>) src(%dma_wait3A_79 : memref<10240x128xf32, #tpu.memory_space<hbm>>) dst(%arg10 : memref<128x128xf32, #tpu.memory_space<vmem>>)
      %dma_start3A_80 = arith.constant 0 : i32
      %dma_start3A_81 = tpu.memref_slice %arg9[%add3A_74, %dma_start3A_80] : memref<40x128xi32, #tpu.memory_space<vmem>> -> memref<1x128xi32, #tpu.memory_space<vmem>>
      %dma_start3A_82 = tpu.memref_squeeze %dma_start3A_81 : memref<1x128xi32, #tpu.memory_space<vmem>> -> memref<128xi32, #tpu.memory_space<vmem>>
      %dma_start3A_83 = arith.constant 0 : i32
      %dma_start3A_84 = arith.constant 0 : i32
      %dma_start3A_85 = tpu.memref_slice %arg7[%dma_start3A_83, %dma_start3A_84] : memref<10240x128xf32, #tpu.memory_space<vmem_shared>> -> memref<10240x128xf32, #tpu.memory_space<vmem_shared>>
      tpu.enqueue_indirect_dma source(%arg10 : memref<128x128xf32, #tpu.memory_space<vmem>>) target(%dma_start3A_85 : memref<10240x128xf32, #tpu.memory_space<vmem_shared>>) offsets(%dma_start3A_82 : memref<128xi32, #tpu.memory_space<vmem>>) semaphore(%arg14 : memref<!tpu.dma_semaphore, #tpu.memory_space<semaphore_mem>>) {add = true}
      %add3A_86 = arith.constant 1 : i32
      %add3A_87 = arith.addi %add3A_74, %add3A_86 : i32
      %dma_wait3A_88 = arith.constant 0 : i32
      %dma_wait3A_89 = tpu.memref_slice %arg8[%add3A_87, %dma_wait3A_88] : memref<40x128xi32, #tpu.memory_space<vmem>> -> memref<1x128xi32, #tpu.memory_space<vmem>>
      %dma_wait3A_90 = tpu.memref_squeeze %dma_wait3A_89 : memref<1x128xi32, #tpu.memory_space<vmem>> -> memref<128xi32, #tpu.memory_space<vmem>>
      %dma_wait3A_91 = arith.constant 0 : i32
      %dma_wait3A_92 = arith.constant 0 : i32
      %dma_wait3A_93 = tpu.memref_slice %arg2[%dma_wait3A_91, %dma_wait3A_92] : memref<10240x128xf32, #tpu.memory_space<hbm>> -> memref<10240x128xf32, #tpu.memory_space<hbm>>
      tpu.wait_indirect_dma semaphore(%arg13 : memref<!tpu.dma_semaphore, #tpu.memory_space<semaphore_mem>>) src(%dma_wait3A_93 : memref<10240x128xf32, #tpu.memory_space<hbm>>) dst(%arg11 : memref<128x128xf32, #tpu.memory_space<vmem>>)
      %add3A_94 = arith.constant 1 : i32
      %add3A_95 = arith.addi %add3A_74, %add3A_94 : i32
      %dma_start3A_96 = arith.constant 0 : i32
      %dma_start3A_97 = tpu.memref_slice %arg9[%add3A_95, %dma_start3A_96] : memref<40x128xi32, #tpu.memory_space<vmem>> -> memref<1x128xi32, #tpu.memory_space<vmem>>
      %dma_start3A_98 = tpu.memref_squeeze %dma_start3A_97 : memref<1x128xi32, #tpu.memory_space<vmem>> -> memref<128xi32, #tpu.memory_space<vmem>>
      %dma_start3A_99 = arith.constant 0 : i32
      %dma_start3A_100 = arith.constant 0 : i32
      %dma_start3A_101 = tpu.memref_slice %arg7[%dma_start3A_99, %dma_start3A_100] : memref<10240x128xf32, #tpu.memory_space<vmem_shared>> -> memref<10240x128xf32, #tpu.memory_space<vmem_shared>>
      tpu.enqueue_indirect_dma source(%arg11 : memref<128x128xf32, #tpu.memory_space<vmem>>) target(%dma_start3A_101 : memref<10240x128xf32, #tpu.memory_space<vmem_shared>>) offsets(%dma_start3A_98 : memref<128xi32, #tpu.memory_space<vmem>>) semaphore(%arg15 : memref<!tpu.dma_semaphore, #tpu.memory_space<semaphore_mem>>) {add = true}
      %add3A_102 = arith.constant 2 : i32
      %add3A_103 = arith.addi %add3A_74, %add3A_102 : i32
      %lt3A = arith.constant 40 : i32
      %lt3A_104 = arith.cmpi slt, %add3A_103, %lt3A : i32
      %convert_element_type3A = arith.extui %lt3A_104 : i1 to i32
      %cond3A = arith.constant 0 : i32
      %cond3A_105 = arith.cmpi ne, %convert_element_type3A, %cond3A : i32
      scf.if %cond3A_105 {
        %dma_wait3A_112 = arith.constant 0 : i32
        %dma_wait3A_113 = tpu.memref_slice %arg9[%add3A_74, %dma_wait3A_112] : memref<40x128xi32, #tpu.memory_space<vmem>> -> memref<1x128xi32, #tpu.memory_space<vmem>>
        %dma_wait3A_114 = tpu.memref_squeeze %dma_wait3A_113 : memref<1x128xi32, #tpu.memory_space<vmem>> -> memref<128xi32, #tpu.memory_space<vmem>>
        %dma_wait3A_115 = arith.constant 0 : i32
        %dma_wait3A_116 = arith.constant 0 : i32
        %dma_wait3A_117 = tpu.memref_slice %arg7[%dma_wait3A_115, %dma_wait3A_116] : memref<10240x128xf32, #tpu.memory_space<vmem_shared>> -> memref<10240x128xf32, #tpu.memory_space<vmem_shared>>
        tpu.wait_indirect_dma semaphore(%arg14 : memref<!tpu.dma_semaphore, #tpu.memory_space<semaphore_mem>>) src(%arg10 : memref<128x128xf32, #tpu.memory_space<vmem>>) dst(%dma_wait3A_117 : memref<10240x128xf32, #tpu.memory_space<vmem_shared>>)
        %add3A_118 = arith.constant 2 : i32
        %add3A_119 = arith.addi %add3A_74, %add3A_118 : i32
        %dma_start3A_120 = arith.constant 0 : i32
        %dma_start3A_121 = tpu.memref_slice %arg8[%add3A_119, %dma_start3A_120] : memref<40x128xi32, #tpu.memory_space<vmem>> -> memref<1x128xi32, #tpu.memory_space<vmem>>
        %dma_start3A_122 = tpu.memref_squeeze %dma_start3A_121 : memref<1x128xi32, #tpu.memory_space<vmem>> -> memref<128xi32, #tpu.memory_space<vmem>>
        %dma_start3A_123 = arith.constant 0 : i32
        %dma_start3A_124 = arith.constant 0 : i32
        %dma_start3A_125 = tpu.memref_slice %arg2[%dma_start3A_123, %dma_start3A_124] : memref<10240x128xf32, #tpu.memory_space<hbm>> -> memref<10240x128xf32, #tpu.memory_space<hbm>>
        tpu.enqueue_indirect_dma source(%dma_start3A_125 : memref<10240x128xf32, #tpu.memory_space<hbm>>) target(%arg10 : memref<128x128xf32, #tpu.memory_space<vmem>>) offsets(%dma_start3A_122 : memref<128xi32, #tpu.memory_space<vmem>>) semaphore(%arg12 : memref<!tpu.dma_semaphore, #tpu.memory_space<semaphore_mem>>)
        %dma_wait3A_126 = arith.constant 0 : i32
        %dma_wait3A_127 = tpu.memref_slice %arg9[%add3A_95, %dma_wait3A_126] : memref<40x128xi32, #tpu.memory_space<vmem>> -> memref<1x128xi32, #tpu.memory_space<vmem>>
        %dma_wait3A_128 = tpu.memref_squeeze %dma_wait3A_127 : memref<1x128xi32, #tpu.memory_space<vmem>> -> memref<128xi32, #tpu.memory_space<vmem>>
        %dma_wait3A_129 = arith.constant 0 : i32
        %dma_wait3A_130 = arith.constant 0 : i32
        %dma_wait3A_131 = tpu.memref_slice %arg7[%dma_wait3A_129, %dma_wait3A_130] : memref<10240x128xf32, #tpu.memory_space<vmem_shared>> -> memref<10240x128xf32, #tpu.memory_space<vmem_shared>>
        tpu.wait_indirect_dma semaphore(%arg15 : memref<!tpu.dma_semaphore, #tpu.memory_space<semaphore_mem>>) src(%arg11 : memref<128x128xf32, #tpu.memory_space<vmem>>) dst(%dma_wait3A_131 : memref<10240x128xf32, #tpu.memory_space<vmem_shared>>)
        %add3A_132 = arith.constant 3 : i32
        %add3A_133 = arith.addi %add3A_74, %add3A_132 : i32
        %dma_start3A_134 = arith.constant 0 : i32
        %dma_start3A_135 = tpu.memref_slice %arg8[%add3A_133, %dma_start3A_134] : memref<40x128xi32, #tpu.memory_space<vmem>> -> memref<1x128xi32, #tpu.memory_space<vmem>>
        %dma_start3A_136 = tpu.memref_squeeze %dma_start3A_135 : memref<1x128xi32, #tpu.memory_space<vmem>> -> memref<128xi32, #tpu.memory_space<vmem>>
        %dma_start3A_137 = arith.constant 0 : i32
        %dma_start3A_138 = arith.constant 0 : i32
        %dma_start3A_139 = tpu.memref_slice %arg2[%dma_start3A_137, %dma_start3A_138] : memref<10240x128xf32, #tpu.memory_space<hbm>> -> memref<10240x128xf32, #tpu.memory_space<hbm>>
        tpu.enqueue_indirect_dma source(%dma_start3A_139 : memref<10240x128xf32, #tpu.memory_space<hbm>>) target(%arg11 : memref<128x128xf32, #tpu.memory_space<vmem>>) offsets(%dma_start3A_136 : memref<128xi32, #tpu.memory_space<vmem>>) semaphore(%arg13 : memref<!tpu.dma_semaphore, #tpu.memory_space<semaphore_mem>>)
      } else {
      }
      %add3A_106 = arith.constant 2 : i32
      %add3A_107 = arith.addi %add3A_74, %add3A_106 : i32
      %ge3A = arith.constant 40 : i32
      %ge3A_108 = arith.cmpi sge, %add3A_107, %ge3A : i32
      %convert_element_type3A_109 = arith.extui %ge3A_108 : i1 to i32
      %cond3A_110 = arith.constant 0 : i32
      %cond3A_111 = arith.cmpi ne, %convert_element_type3A_109, %cond3A_110 : i32
      scf.if %cond3A_111 {
        %dma_wait3A_112 = arith.constant 0 : i32
        %dma_wait3A_113 = tpu.memref_slice %arg9[%add3A_74, %dma_wait3A_112] : memref<40x128xi32, #tpu.memory_space<vmem>> -> memref<1x128xi32, #tpu.memory_space<vmem>>
        %dma_wait3A_114 = tpu.memref_squeeze %dma_wait3A_113 : memref<1x128xi32, #tpu.memory_space<vmem>> -> memref<128xi32, #tpu.memory_space<vmem>>
        %dma_wait3A_115 = arith.constant 0 : i32
        %dma_wait3A_116 = arith.constant 0 : i32
        %dma_wait3A_117 = tpu.memref_slice %arg7[%dma_wait3A_115, %dma_wait3A_116] : memref<10240x128xf32, #tpu.memory_space<vmem_shared>> -> memref<10240x128xf32, #tpu.memory_space<vmem_shared>>
        tpu.wait_indirect_dma semaphore(%arg14 : memref<!tpu.dma_semaphore, #tpu.memory_space<semaphore_mem>>) src(%arg10 : memref<128x128xf32, #tpu.memory_space<vmem>>) dst(%dma_wait3A_117 : memref<10240x128xf32, #tpu.memory_space<vmem_shared>>)
        %dma_wait3A_118 = arith.constant 0 : i32
        %dma_wait3A_119 = tpu.memref_slice %arg9[%add3A_95, %dma_wait3A_118] : memref<40x128xi32, #tpu.memory_space<vmem>> -> memref<1x128xi32, #tpu.memory_space<vmem>>
        %dma_wait3A_120 = tpu.memref_squeeze %dma_wait3A_119 : memref<1x128xi32, #tpu.memory_space<vmem>> -> memref<128xi32, #tpu.memory_space<vmem>>
        %dma_wait3A_121 = arith.constant 0 : i32
        %dma_wait3A_122 = arith.constant 0 : i32
        %dma_wait3A_123 = tpu.memref_slice %arg7[%dma_wait3A_121, %dma_wait3A_122] : memref<10240x128xf32, #tpu.memory_space<vmem_shared>> -> memref<10240x128xf32, #tpu.memory_space<vmem_shared>>
        tpu.wait_indirect_dma semaphore(%arg15 : memref<!tpu.dma_semaphore, #tpu.memory_space<semaphore_mem>>) src(%arg11 : memref<128x128xf32, #tpu.memory_space<vmem>>) dst(%dma_wait3A_123 : memref<10240x128xf32, #tpu.memory_space<vmem_shared>>)
      } else {
      }
    }
    %scan3A_41 = arith.constant 20 : i32
    %mul3A_42 = arith.constant 80 : i32
    %mul3A_43 = arith.muli %add3A, %mul3A_42 : i32
    %add3A_44 = arith.constant 40 : i32
    %add3A_45 = arith.addi %mul3A_43, %add3A_44 : i32
    "tpu.region"() ({
      %run_scoped3A = tpu.sem_alloc : memref<!tpu.dma_semaphore, #tpu.memory_space<semaphore_mem>>
      %dma_start3A_70 = arith.constant 0 : i32
      %dma_start3A_71 = tpu.memref_slice %arg3[%add3A_45, %dma_start3A_70] : memref<2560x128xi32, #tpu.memory_space<hbm>> -> memref<40x128xi32, #tpu.memory_space<hbm>>
      %dma_start3A_72 = arith.constant 0 : i32
      %dma_start3A_73 = tpu.memref_slice %arg3[%add3A_45, %dma_start3A_72] : memref<2560x128xi32, #tpu.memory_space<hbm>> -> memref<40x128xi32, #tpu.memory_space<hbm>>
      tpu.enqueue_dma source(%dma_start3A_73 : memref<40x128xi32, #tpu.memory_space<hbm>>) target(%arg8 : memref<40x128xi32, #tpu.memory_space<vmem>>) target_semaphore(%run_scoped3A : memref<!tpu.dma_semaphore, #tpu.memory_space<semaphore_mem>>)
      %dma_wait3A = arith.constant 0 : i32
      %dma_wait3A_74 = tpu.memref_slice %arg3[%add3A_45, %dma_wait3A] : memref<2560x128xi32, #tpu.memory_space<hbm>> -> memref<40x128xi32, #tpu.memory_space<hbm>>
      %dma_wait3A_75 = arith.constant 0 : i32
      %dma_wait3A_76 = tpu.memref_slice %arg3[%add3A_45, %dma_wait3A_75] : memref<2560x128xi32, #tpu.memory_space<hbm>> -> memref<40x128xi32, #tpu.memory_space<hbm>>
      tpu.wait_dma2 semaphore(%run_scoped3A : memref<!tpu.dma_semaphore, #tpu.memory_space<semaphore_mem>>) src(%dma_wait3A_76 : memref<40x128xi32, #tpu.memory_space<hbm>>) dst(%arg8 : memref<40x128xi32, #tpu.memory_space<vmem>>)
      tpu.yield
    }) : () -> ()
    "tpu.region"() ({
      %run_scoped3A = tpu.sem_alloc : memref<!tpu.dma_semaphore, #tpu.memory_space<semaphore_mem>>
      %dma_start3A_70 = arith.constant 0 : i32
      %dma_start3A_71 = tpu.memref_slice %arg4[%add3A_45, %dma_start3A_70] : memref<2560x128xi32, #tpu.memory_space<hbm>> -> memref<40x128xi32, #tpu.memory_space<hbm>>
      %dma_start3A_72 = arith.constant 0 : i32
      %dma_start3A_73 = tpu.memref_slice %arg4[%add3A_45, %dma_start3A_72] : memref<2560x128xi32, #tpu.memory_space<hbm>> -> memref<40x128xi32, #tpu.memory_space<hbm>>
      tpu.enqueue_dma source(%dma_start3A_73 : memref<40x128xi32, #tpu.memory_space<hbm>>) target(%arg9 : memref<40x128xi32, #tpu.memory_space<vmem>>) target_semaphore(%run_scoped3A : memref<!tpu.dma_semaphore, #tpu.memory_space<semaphore_mem>>)
      %dma_wait3A = arith.constant 0 : i32
      %dma_wait3A_74 = tpu.memref_slice %arg4[%add3A_45, %dma_wait3A] : memref<2560x128xi32, #tpu.memory_space<hbm>> -> memref<40x128xi32, #tpu.memory_space<hbm>>
      %dma_wait3A_75 = arith.constant 0 : i32
      %dma_wait3A_76 = tpu.memref_slice %arg4[%add3A_45, %dma_wait3A_75] : memref<2560x128xi32, #tpu.memory_space<hbm>> -> memref<40x128xi32, #tpu.memory_space<hbm>>
      tpu.wait_dma2 semaphore(%run_scoped3A : memref<!tpu.dma_semaphore, #tpu.memory_space<semaphore_mem>>) src(%dma_wait3A_76 : memref<40x128xi32, #tpu.memory_space<hbm>>) dst(%arg9 : memref<40x128xi32, #tpu.memory_space<vmem>>)
      tpu.yield
    }) : () -> ()
    %dma_start3A_46 = arith.constant 0 : i32
    %dma_start3A_47 = arith.constant 0 : i32
    %dma_start3A_48 = tpu.memref_slice %arg8[%dma_start3A_46, %dma_start3A_47] : memref<40x128xi32, #tpu.memory_space<vmem>> -> memref<1x128xi32, #tpu.memory_space<vmem>>
    %dma_start3A_49 = tpu.memref_squeeze %dma_start3A_48 : memref<1x128xi32, #tpu.memory_space<vmem>> -> memref<128xi32, #tpu.memory_space<vmem>>
    %dma_start3A_50 = arith.constant 0 : i32
    %dma_start3A_51 = arith.constant 0 : i32
    %dma_start3A_52 = tpu.memref_slice %arg2[%dma_start3A_50, %dma_start3A_51] : memref<10240x128xf32, #tpu.memory_space<hbm>> -> memref<10240x128xf32, #tpu.memory_space<hbm>>
    tpu.enqueue_indirect_dma source(%dma_start3A_52 : memref<10240x128xf32, #tpu.memory_space<hbm>>) target(%arg10 : memref<128x128xf32, #tpu.memory_space<vmem>>) offsets(%dma_start3A_49 : memref<128xi32, #tpu.memory_space<vmem>>) semaphore(%arg12 : memref<!tpu.dma_semaphore, #tpu.memory_space<semaphore_mem>>)
    %dma_start3A_53 = arith.constant 1 : i32
    %dma_start3A_54 = arith.constant 0 : i32
    %dma_start3A_55 = tpu.memref_slice %arg8[%dma_start3A_53, %dma_start3A_54] : memref<40x128xi32, #tpu.memory_space<vmem>> -> memref<1x128xi32, #tpu.memory_space<vmem>>
    %dma_start3A_56 = tpu.memref_squeeze %dma_start3A_55 : memref<1x128xi32, #tpu.memory_space<vmem>> -> memref<128xi32, #tpu.memory_space<vmem>>
    %dma_start3A_57 = arith.constant 0 : i32
    %dma_start3A_58 = arith.constant 0 : i32
    %dma_start3A_59 = tpu.memref_slice %arg2[%dma_start3A_57, %dma_start3A_58] : memref<10240x128xf32, #tpu.memory_space<hbm>> -> memref<10240x128xf32, #tpu.memory_space<hbm>>
    tpu.enqueue_indirect_dma source(%dma_start3A_59 : memref<10240x128xf32, #tpu.memory_space<hbm>>) target(%arg11 : memref<128x128xf32, #tpu.memory_space<vmem>>) offsets(%dma_start3A_56 : memref<128xi32, #tpu.memory_space<vmem>>) semaphore(%arg13 : memref<!tpu.dma_semaphore, #tpu.memory_space<semaphore_mem>>)
    %scan3A_60 = arith.constant 0 : i32
    %scan3A_61 = arith.constant 20 : i32
    %scan3A_62 = arith.addi %scan3A_60, %scan3A_61 : i32
    %scan3A_63 = arith.constant 1 : i32
    scf.for %scan3A_70 = %scan3A_60 to %scan3A_62 step %scan3A_63  : i32 {
      %mul3A_71 = arith.constant 2 : i32
      %mul3A_72 = arith.muli %scan3A_70, %mul3A_71 : i32
      %add3A_73 = arith.constant 0 : i32
      %add3A_74 = arith.addi %add3A_73, %mul3A_72 : i32
      %dma_wait3A = arith.constant 0 : i32
      %dma_wait3A_75 = tpu.memref_slice %arg8[%add3A_74, %dma_wait3A] : memref<40x128xi32, #tpu.memory_space<vmem>> -> memref<1x128xi32, #tpu.memory_space<vmem>>
      %dma_wait3A_76 = tpu.memref_squeeze %dma_wait3A_75 : memref<1x128xi32, #tpu.memory_space<vmem>> -> memref<128xi32, #tpu.memory_space<vmem>>
      %dma_wait3A_77 = arith.constant 0 : i32
      %dma_wait3A_78 = arith.constant 0 : i32
      %dma_wait3A_79 = tpu.memref_slice %arg2[%dma_wait3A_77, %dma_wait3A_78] : memref<10240x128xf32, #tpu.memory_space<hbm>> -> memref<10240x128xf32, #tpu.memory_space<hbm>>
      tpu.wait_indirect_dma semaphore(%arg12 : memref<!tpu.dma_semaphore, #tpu.memory_space<semaphore_mem>>) src(%dma_wait3A_79 : memref<10240x128xf32, #tpu.memory_space<hbm>>) dst(%arg10 : memref<128x128xf32, #tpu.memory_space<vmem>>)
      %dma_start3A_80 = arith.constant 0 : i32
      %dma_start3A_81 = tpu.memref_slice %arg9[%add3A_74, %dma_start3A_80] : memref<40x128xi32, #tpu.memory_space<vmem>> -> memref<1x128xi32, #tpu.memory_space<vmem>>
      %dma_start3A_82 = tpu.memref_squeeze %dma_start3A_81 : memref<1x128xi32, #tpu.memory_space<vmem>> -> memref<128xi32, #tpu.memory_space<vmem>>
      %dma_start3A_83 = arith.constant 0 : i32
      %dma_start3A_84 = arith.constant 0 : i32
      %dma_start3A_85 = tpu.memref_slice %arg7[%dma_start3A_83, %dma_start3A_84] : memref<10240x128xf32, #tpu.memory_space<vmem_shared>> -> memref<10240x128xf32, #tpu.memory_space<vmem_shared>>
      tpu.enqueue_indirect_dma source(%arg10 : memref<128x128xf32, #tpu.memory_space<vmem>>) target(%dma_start3A_85 : memref<10240x128xf32, #tpu.memory_space<vmem_shared>>) offsets(%dma_start3A_82 : memref<128xi32, #tpu.memory_space<vmem>>) semaphore(%arg14 : memref<!tpu.dma_semaphore, #tpu.memory_space<semaphore_mem>>) {add = true}
      %add3A_86 = arith.constant 1 : i32
      %add3A_87 = arith.addi %add3A_74, %add3A_86 : i32
      %dma_wait3A_88 = arith.constant 0 : i32
      %dma_wait3A_89 = tpu.memref_slice %arg8[%add3A_87, %dma_wait3A_88] : memref<40x128xi32, #tpu.memory_space<vmem>> -> memref<1x128xi32, #tpu.memory_space<vmem>>
      %dma_wait3A_90 = tpu.memref_squeeze %dma_wait3A_89 : memref<1x128xi32, #tpu.memory_space<vmem>> -> memref<128xi32, #tpu.memory_space<vmem>>
      %dma_wait3A_91 = arith.constant 0 : i32
      %dma_wait3A_92 = arith.constant 0 : i32
      %dma_wait3A_93 = tpu.memref_slice %arg2[%dma_wait3A_91, %dma_wait3A_92] : memref<10240x128xf32, #tpu.memory_space<hbm>> -> memref<10240x128xf32, #tpu.memory_space<hbm>>
      tpu.wait_indirect_dma semaphore(%arg13 : memref<!tpu.dma_semaphore, #tpu.memory_space<semaphore_mem>>) src(%dma_wait3A_93 : memref<10240x128xf32, #tpu.memory_space<hbm>>) dst(%arg11 : memref<128x128xf32, #tpu.memory_space<vmem>>)
      %add3A_94 = arith.constant 1 : i32
      %add3A_95 = arith.addi %add3A_74, %add3A_94 : i32
      %dma_start3A_96 = arith.constant 0 : i32
      %dma_start3A_97 = tpu.memref_slice %arg9[%add3A_95, %dma_start3A_96] : memref<40x128xi32, #tpu.memory_space<vmem>> -> memref<1x128xi32, #tpu.memory_space<vmem>>
      %dma_start3A_98 = tpu.memref_squeeze %dma_start3A_97 : memref<1x128xi32, #tpu.memory_space<vmem>> -> memref<128xi32, #tpu.memory_space<vmem>>
      %dma_start3A_99 = arith.constant 0 : i32
      %dma_start3A_100 = arith.constant 0 : i32
      %dma_start3A_101 = tpu.memref_slice %arg7[%dma_start3A_99, %dma_start3A_100] : memref<10240x128xf32, #tpu.memory_space<vmem_shared>> -> memref<10240x128xf32, #tpu.memory_space<vmem_shared>>
      tpu.enqueue_indirect_dma source(%arg11 : memref<128x128xf32, #tpu.memory_space<vmem>>) target(%dma_start3A_101 : memref<10240x128xf32, #tpu.memory_space<vmem_shared>>) offsets(%dma_start3A_98 : memref<128xi32, #tpu.memory_space<vmem>>) semaphore(%arg15 : memref<!tpu.dma_semaphore, #tpu.memory_space<semaphore_mem>>) {add = true}
      %add3A_102 = arith.constant 2 : i32
      %add3A_103 = arith.addi %add3A_74, %add3A_102 : i32
      %lt3A = arith.constant 40 : i32
      %lt3A_104 = arith.cmpi slt, %add3A_103, %lt3A : i32
      %convert_element_type3A = arith.extui %lt3A_104 : i1 to i32
      %cond3A = arith.constant 0 : i32
      %cond3A_105 = arith.cmpi ne, %convert_element_type3A, %cond3A : i32
      scf.if %cond3A_105 {
        %dma_wait3A_112 = arith.constant 0 : i32
        %dma_wait3A_113 = tpu.memref_slice %arg9[%add3A_74, %dma_wait3A_112] : memref<40x128xi32, #tpu.memory_space<vmem>> -> memref<1x128xi32, #tpu.memory_space<vmem>>
        %dma_wait3A_114 = tpu.memref_squeeze %dma_wait3A_113 : memref<1x128xi32, #tpu.memory_space<vmem>> -> memref<128xi32, #tpu.memory_space<vmem>>
        %dma_wait3A_115 = arith.constant 0 : i32
        %dma_wait3A_116 = arith.constant 0 : i32
        %dma_wait3A_117 = tpu.memref_slice %arg7[%dma_wait3A_115, %dma_wait3A_116] : memref<10240x128xf32, #tpu.memory_space<vmem_shared>> -> memref<10240x128xf32, #tpu.memory_space<vmem_shared>>
        tpu.wait_indirect_dma semaphore(%arg14 : memref<!tpu.dma_semaphore, #tpu.memory_space<semaphore_mem>>) src(%arg10 : memref<128x128xf32, #tpu.memory_space<vmem>>) dst(%dma_wait3A_117 : memref<10240x128xf32, #tpu.memory_space<vmem_shared>>)
        %add3A_118 = arith.constant 2 : i32
        %add3A_119 = arith.addi %add3A_74, %add3A_118 : i32
        %dma_start3A_120 = arith.constant 0 : i32
        %dma_start3A_121 = tpu.memref_slice %arg8[%add3A_119, %dma_start3A_120] : memref<40x128xi32, #tpu.memory_space<vmem>> -> memref<1x128xi32, #tpu.memory_space<vmem>>
        %dma_start3A_122 = tpu.memref_squeeze %dma_start3A_121 : memref<1x128xi32, #tpu.memory_space<vmem>> -> memref<128xi32, #tpu.memory_space<vmem>>
        %dma_start3A_123 = arith.constant 0 : i32
        %dma_start3A_124 = arith.constant 0 : i32
        %dma_start3A_125 = tpu.memref_slice %arg2[%dma_start3A_123, %dma_start3A_124] : memref<10240x128xf32, #tpu.memory_space<hbm>> -> memref<10240x128xf32, #tpu.memory_space<hbm>>
        tpu.enqueue_indirect_dma source(%dma_start3A_125 : memref<10240x128xf32, #tpu.memory_space<hbm>>) target(%arg10 : memref<128x128xf32, #tpu.memory_space<vmem>>) offsets(%dma_start3A_122 : memref<128xi32, #tpu.memory_space<vmem>>) semaphore(%arg12 : memref<!tpu.dma_semaphore, #tpu.memory_space<semaphore_mem>>)
        %dma_wait3A_126 = arith.constant 0 : i32
        %dma_wait3A_127 = tpu.memref_slice %arg9[%add3A_95, %dma_wait3A_126] : memref<40x128xi32, #tpu.memory_space<vmem>> -> memref<1x128xi32, #tpu.memory_space<vmem>>
        %dma_wait3A_128 = tpu.memref_squeeze %dma_wait3A_127 : memref<1x128xi32, #tpu.memory_space<vmem>> -> memref<128xi32, #tpu.memory_space<vmem>>
        %dma_wait3A_129 = arith.constant 0 : i32
        %dma_wait3A_130 = arith.constant 0 : i32
        %dma_wait3A_131 = tpu.memref_slice %arg7[%dma_wait3A_129, %dma_wait3A_130] : memref<10240x128xf32, #tpu.memory_space<vmem_shared>> -> memref<10240x128xf32, #tpu.memory_space<vmem_shared>>
        tpu.wait_indirect_dma semaphore(%arg15 : memref<!tpu.dma_semaphore, #tpu.memory_space<semaphore_mem>>) src(%arg11 : memref<128x128xf32, #tpu.memory_space<vmem>>) dst(%dma_wait3A_131 : memref<10240x128xf32, #tpu.memory_space<vmem_shared>>)
        %add3A_132 = arith.constant 3 : i32
        %add3A_133 = arith.addi %add3A_74, %add3A_132 : i32
        %dma_start3A_134 = arith.constant 0 : i32
        %dma_start3A_135 = tpu.memref_slice %arg8[%add3A_133, %dma_start3A_134] : memref<40x128xi32, #tpu.memory_space<vmem>> -> memref<1x128xi32, #tpu.memory_space<vmem>>
        %dma_start3A_136 = tpu.memref_squeeze %dma_start3A_135 : memref<1x128xi32, #tpu.memory_space<vmem>> -> memref<128xi32, #tpu.memory_space<vmem>>
        %dma_start3A_137 = arith.constant 0 : i32
        %dma_start3A_138 = arith.constant 0 : i32
        %dma_start3A_139 = tpu.memref_slice %arg2[%dma_start3A_137, %dma_start3A_138] : memref<10240x128xf32, #tpu.memory_space<hbm>> -> memref<10240x128xf32, #tpu.memory_space<hbm>>
        tpu.enqueue_indirect_dma source(%dma_start3A_139 : memref<10240x128xf32, #tpu.memory_space<hbm>>) target(%arg11 : memref<128x128xf32, #tpu.memory_space<vmem>>) offsets(%dma_start3A_136 : memref<128xi32, #tpu.memory_space<vmem>>) semaphore(%arg13 : memref<!tpu.dma_semaphore, #tpu.memory_space<semaphore_mem>>)
      } else {
      }
      %add3A_106 = arith.constant 2 : i32
      %add3A_107 = arith.addi %add3A_74, %add3A_106 : i32
      %ge3A = arith.constant 40 : i32
      %ge3A_108 = arith.cmpi sge, %add3A_107, %ge3A : i32
      %convert_element_type3A_109 = arith.extui %ge3A_108 : i1 to i32
      %cond3A_110 = arith.constant 0 : i32
      %cond3A_111 = arith.cmpi ne, %convert_element_type3A_109, %cond3A_110 : i32
      scf.if %cond3A_111 {
        %dma_wait3A_112 = arith.constant 0 : i32
        %dma_wait3A_113 = tpu.memref_slice %arg9[%add3A_74, %dma_wait3A_112] : memref<40x128xi32, #tpu.memory_space<vmem>> -> memref<1x128xi32, #tpu.memory_space<vmem>>
        %dma_wait3A_114 = tpu.memref_squeeze %dma_wait3A_113 : memref<1x128xi32, #tpu.memory_space<vmem>> -> memref<128xi32, #tpu.memory_space<vmem>>
        %dma_wait3A_115 = arith.constant 0 : i32
        %dma_wait3A_116 = arith.constant 0 : i32
        %dma_wait3A_117 = tpu.memref_slice %arg7[%dma_wait3A_115, %dma_wait3A_116] : memref<10240x128xf32, #tpu.memory_space<vmem_shared>> -> memref<10240x128xf32, #tpu.memory_space<vmem_shared>>
        tpu.wait_indirect_dma semaphore(%arg14 : memref<!tpu.dma_semaphore, #tpu.memory_space<semaphore_mem>>) src(%arg10 : memref<128x128xf32, #tpu.memory_space<vmem>>) dst(%dma_wait3A_117 : memref<10240x128xf32, #tpu.memory_space<vmem_shared>>)
        %dma_wait3A_118 = arith.constant 0 : i32
        %dma_wait3A_119 = tpu.memref_slice %arg9[%add3A_95, %dma_wait3A_118] : memref<40x128xi32, #tpu.memory_space<vmem>> -> memref<1x128xi32, #tpu.memory_space<vmem>>
        %dma_wait3A_120 = tpu.memref_squeeze %dma_wait3A_119 : memref<1x128xi32, #tpu.memory_space<vmem>> -> memref<128xi32, #tpu.memory_space<vmem>>
        %dma_wait3A_121 = arith.constant 0 : i32
        %dma_wait3A_122 = arith.constant 0 : i32
        %dma_wait3A_123 = tpu.memref_slice %arg7[%dma_wait3A_121, %dma_wait3A_122] : memref<10240x128xf32, #tpu.memory_space<vmem_shared>> -> memref<10240x128xf32, #tpu.memory_space<vmem_shared>>
        tpu.wait_indirect_dma semaphore(%arg15 : memref<!tpu.dma_semaphore, #tpu.memory_space<semaphore_mem>>) src(%arg11 : memref<128x128xf32, #tpu.memory_space<vmem>>) dst(%dma_wait3A_123 : memref<10240x128xf32, #tpu.memory_space<vmem_shared>>)
      } else {
      }
    }
    %scan3A_64 = arith.constant 20 : i32
    %barrier3A_65 = arith.constant 0 : index
    tpu.barrier barrier_id(%barrier3A_65)
    %mul3A_66 = arith.constant 640 : i32
    %mul3A_67 = arith.muli %arg1, %mul3A_66 : i32
    %mul3A_68 = arith.constant 640 : i32
    %mul3A_69 = arith.muli %arg1, %mul3A_68 : i32
    "tpu.region"() ({
      %run_scoped3A = tpu.sem_alloc : memref<!tpu.dma_semaphore, #tpu.memory_space<semaphore_mem>>
      %dma_start3A_70 = arith.constant 0 : i32
      %dma_start3A_71 = tpu.memref_slice %arg6[%arg0, %mul3A_69, %dma_start3A_70] : memref<2x10240x128xf32, #tpu.memory_space<hbm>> -> memref<1x640x128xf32, #tpu.memory_space<hbm>>
      %dma_start3A_72 = tpu.memref_squeeze %dma_start3A_71 : memref<1x640x128xf32, #tpu.memory_space<hbm>> -> memref<640x128xf32, #tpu.memory_space<hbm>>
      %dma_start3A_73 = arith.constant 0 : i32
      %dma_start3A_74 = tpu.memref_slice %arg7[%mul3A_67, %dma_start3A_73] : memref<10240x128xf32, #tpu.memory_space<vmem_shared>> -> memref<640x128xf32, #tpu.memory_space<vmem_shared>>
      tpu.enqueue_dma source(%dma_start3A_74 : memref<640x128xf32, #tpu.memory_space<vmem_shared>>) target(%dma_start3A_72 : memref<640x128xf32, #tpu.memory_space<hbm>>) target_semaphore(%run_scoped3A : memref<!tpu.dma_semaphore, #tpu.memory_space<semaphore_mem>>)
      %dma_wait3A = arith.constant 0 : i32
      %dma_wait3A_75 = tpu.memref_slice %arg6[%arg0, %mul3A_69, %dma_wait3A] : memref<2x10240x128xf32, #tpu.memory_space<hbm>> -> memref<1x640x128xf32, #tpu.memory_space<hbm>>
      %dma_wait3A_76 = tpu.memref_squeeze %dma_wait3A_75 : memref<1x640x128xf32, #tpu.memory_space<hbm>> -> memref<640x128xf32, #tpu.memory_space<hbm>>
      %dma_wait3A_77 = arith.constant 0 : i32
      %dma_wait3A_78 = tpu.memref_slice %arg7[%mul3A_67, %dma_wait3A_77] : memref<10240x128xf32, #tpu.memory_space<vmem_shared>> -> memref<640x128xf32, #tpu.memory_space<vmem_shared>>
      tpu.wait_dma2 semaphore(%run_scoped3A : memref<!tpu.dma_semaphore, #tpu.memory_space<semaphore_mem>>) src(%dma_wait3A_78 : memref<640x128xf32, #tpu.memory_space<vmem_shared>>) dst(%dma_wait3A_76 : memref<640x128xf32, #tpu.memory_space<hbm>>)
      tpu.yield
    }) : () -> ()
    return
  }
}

#map = affine_map<(d0, d1) -> (0, 0)>
#map1 = affine_map<(d0, d1) -> (0, 0, 0)>
module attributes {stable_mosaic.version = 14 : i64} {
  func.func @_agg_body(%arg0: i32, %arg1: i32, %arg2: memref<10240x128xf32, #tpu.memory_space<hbm>>, %arg3: memref<2560x128xi32, #tpu.memory_space<hbm>>, %arg4: memref<2560x128xi32, #tpu.memory_space<hbm>>, %arg5: memref<128x128xf32, #tpu.memory_space<hbm>>, %arg6: memref<2x10240x128xf32, #tpu.memory_space<hbm>>, %arg7: memref<10240x128xf32, #tpu.memory_space<vmem_shared>>, %arg8: memref<40x128xi32, #tpu.memory_space<vmem>>, %arg9: memref<40x128xi32, #tpu.memory_space<vmem>>, %arg10: memref<128x128xf32, #tpu.memory_space<vmem>>, %arg11: memref<128x128xf32, #tpu.memory_space<vmem>>, %arg12: memref<!tpu.dma_semaphore, #tpu.memory_space<semaphore_mem>>, %arg13: memref<!tpu.dma_semaphore, #tpu.memory_space<semaphore_mem>>, %arg14: memref<!tpu.dma_semaphore, #tpu.memory_space<semaphore_mem>>, %arg15: memref<!tpu.dma_semaphore, #tpu.memory_space<semaphore_mem>>) attributes {dimension_semantics = [#tpu.dimension_semantics<core_parallel>, #tpu.dimension_semantics<subcore_parallel>], iteration_bounds = array<i64: 2, 16>, scalar_prefetch = 0 : i64, scratch_operands = 9 : i64, tpu.core_type = #tpu.core_type<sc_vector_subcore>, window_params = [{transform_indices = #map}, {transform_indices = #map}, {transform_indices = #map}, {transform_indices = #map}, {transform_indices = #map1}]} {
    %mul3A = arith.constant 2 : i32
    %mul3A_0 = arith.muli %arg1, %mul3A : i32
    %add3A = arith.addi %mul3A_0, %arg0 : i32
    "tpu.region"() ({
      %run_scoped3A = tpu.sem_alloc : memref<!tpu.dma_semaphore, #tpu.memory_space<semaphore_mem>>
      tpu.enqueue_dma source(%arg5 : memref<128x128xf32, #tpu.memory_space<hbm>>) target(%arg10 : memref<128x128xf32, #tpu.memory_space<vmem>>) target_semaphore(%run_scoped3A : memref<!tpu.dma_semaphore, #tpu.memory_space<semaphore_mem>>)
      tpu.wait_dma2 semaphore(%run_scoped3A : memref<!tpu.dma_semaphore, #tpu.memory_space<semaphore_mem>>) src(%arg5 : memref<128x128xf32, #tpu.memory_space<hbm>>) dst(%arg10 : memref<128x128xf32, #tpu.memory_space<vmem>>)
      tpu.yield
    }) : () -> ()
    %mul3A_1 = arith.constant 640 : i32
    %mul3A_2 = arith.muli %arg1, %mul3A_1 : i32
    %add3A_3 = arith.constant 0 : i32
    %add3A_4 = arith.addi %mul3A_2, %add3A_3 : i32
    "tpu.region"() ({
      %run_scoped3A = tpu.sem_alloc : memref<!tpu.dma_semaphore, #tpu.memory_space<semaphore_mem>>
      %dma_start3A_70 = arith.constant 0 : i32
      %dma_start3A_71 = tpu.memref_slice %arg7[%add3A_4, %dma_start3A_70] : memref<10240x128xf32, #tpu.memory_space<vmem_shared>> -> memref<128x128xf32, #tpu.memory_space<vmem_shared>>
      %dma_start3A_72 = arith.constant 0 : i32
      %dma_start3A_73 = tpu.memref_slice %arg7[%add3A_4, %dma_start3A_72] : memref<10240x128xf32, #tpu.memory_space<vmem_shared>> -> memref<128x128xf32, #tpu.memory_space<vmem_shared>>
      tpu.enqueue_dma source(%arg10 : memref<128x128xf32, #tpu.memory_space<vmem>>) target(%dma_start3A_73 : memref<128x128xf32, #tpu.memory_space<vmem_shared>>) target_semaphore(%run_scoped3A : memref<!tpu.dma_semaphore, #tpu.memory_space<semaphore_mem>>)
      %dma_wait3A = arith.constant 0 : i32
      %dma_wait3A_74 = tpu.memref_slice %arg7[%add3A_4, %dma_wait3A] : memref<10240x128xf32, #tpu.memory_space<vmem_shared>> -> memref<128x128xf32, #tpu.memory_space<vmem_shared>>
      %dma_wait3A_75 = arith.constant 0 : i32
      %dma_wait3A_76 = tpu.memref_slice %arg7[%add3A_4, %dma_wait3A_75] : memref<10240x128xf32, #tpu.memory_space<vmem_shared>> -> memref<128x128xf32, #tpu.memory_space<vmem_shared>>
      tpu.wait_dma2 semaphore(%run_scoped3A : memref<!tpu.dma_semaphore, #tpu.memory_space<semaphore_mem>>) src(%arg10 : memref<128x128xf32, #tpu.memory_space<vmem>>) dst(%dma_wait3A_76 : memref<128x128xf32, #tpu.memory_space<vmem_shared>>)
      tpu.yield
    }) : () -> ()
    %mul3A_5 = arith.constant 640 : i32
    %mul3A_6 = arith.muli %arg1, %mul3A_5 : i32
    %add3A_7 = arith.constant 128 : i32
    %add3A_8 = arith.addi %mul3A_6, %add3A_7 : i32
    "tpu.region"() ({
      %run_scoped3A = tpu.sem_alloc : memref<!tpu.dma_semaphore, #tpu.memory_space<semaphore_mem>>
      %dma_start3A_70 = arith.constant 0 : i32
      %dma_start3A_71 = tpu.memref_slice %arg7[%add3A_8, %dma_start3A_70] : memref<10240x128xf32, #tpu.memory_space<vmem_shared>> -> memref<128x128xf32, #tpu.memory_space<vmem_shared>>
      %dma_start3A_72 = arith.constant 0 : i32
      %dma_start3A_73 = tpu.memref_slice %arg7[%add3A_8, %dma_start3A_72] : memref<10240x128xf32, #tpu.memory_space<vmem_shared>> -> memref<128x128xf32, #tpu.memory_space<vmem_shared>>
      tpu.enqueue_dma source(%arg10 : memref<128x128xf32, #tpu.memory_space<vmem>>) target(%dma_start3A_73 : memref<128x128xf32, #tpu.memory_space<vmem_shared>>) target_semaphore(%run_scoped3A : memref<!tpu.dma_semaphore, #tpu.memory_space<semaphore_mem>>)
      %dma_wait3A = arith.constant 0 : i32
      %dma_wait3A_74 = tpu.memref_slice %arg7[%add3A_8, %dma_wait3A] : memref<10240x128xf32, #tpu.memory_space<vmem_shared>> -> memref<128x128xf32, #tpu.memory_space<vmem_shared>>
      %dma_wait3A_75 = arith.constant 0 : i32
      %dma_wait3A_76 = tpu.memref_slice %arg7[%add3A_8, %dma_wait3A_75] : memref<10240x128xf32, #tpu.memory_space<vmem_shared>> -> memref<128x128xf32, #tpu.memory_space<vmem_shared>>
      tpu.wait_dma2 semaphore(%run_scoped3A : memref<!tpu.dma_semaphore, #tpu.memory_space<semaphore_mem>>) src(%arg10 : memref<128x128xf32, #tpu.memory_space<vmem>>) dst(%dma_wait3A_76 : memref<128x128xf32, #tpu.memory_space<vmem_shared>>)
      tpu.yield
    }) : () -> ()
    %mul3A_9 = arith.constant 640 : i32
    %mul3A_10 = arith.muli %arg1, %mul3A_9 : i32
    %add3A_11 = arith.constant 256 : i32
    %add3A_12 = arith.addi %mul3A_10, %add3A_11 : i32
    "tpu.region"() ({
      %run_scoped3A = tpu.sem_alloc : memref<!tpu.dma_semaphore, #tpu.memory_space<semaphore_mem>>
      %dma_start3A_70 = arith.constant 0 : i32
      %dma_start3A_71 = tpu.memref_slice %arg7[%add3A_12, %dma_start3A_70] : memref<10240x128xf32, #tpu.memory_space<vmem_shared>> -> memref<128x128xf32, #tpu.memory_space<vmem_shared>>
      %dma_start3A_72 = arith.constant 0 : i32
      %dma_start3A_73 = tpu.memref_slice %arg7[%add3A_12, %dma_start3A_72] : memref<10240x128xf32, #tpu.memory_space<vmem_shared>> -> memref<128x128xf32, #tpu.memory_space<vmem_shared>>
      tpu.enqueue_dma source(%arg10 : memref<128x128xf32, #tpu.memory_space<vmem>>) target(%dma_start3A_73 : memref<128x128xf32, #tpu.memory_space<vmem_shared>>) target_semaphore(%run_scoped3A : memref<!tpu.dma_semaphore, #tpu.memory_space<semaphore_mem>>)
      %dma_wait3A = arith.constant 0 : i32
      %dma_wait3A_74 = tpu.memref_slice %arg7[%add3A_12, %dma_wait3A] : memref<10240x128xf32, #tpu.memory_space<vmem_shared>> -> memref<128x128xf32, #tpu.memory_space<vmem_shared>>
      %dma_wait3A_75 = arith.constant 0 : i32
      %dma_wait3A_76 = tpu.memref_slice %arg7[%add3A_12, %dma_wait3A_75] : memref<10240x128xf32, #tpu.memory_space<vmem_shared>> -> memref<128x128xf32, #tpu.memory_space<vmem_shared>>
      tpu.wait_dma2 semaphore(%run_scoped3A : memref<!tpu.dma_semaphore, #tpu.memory_space<semaphore_mem>>) src(%arg10 : memref<128x128xf32, #tpu.memory_space<vmem>>) dst(%dma_wait3A_76 : memref<128x128xf32, #tpu.memory_space<vmem_shared>>)
      tpu.yield
    }) : () -> ()
    %mul3A_13 = arith.constant 640 : i32
    %mul3A_14 = arith.muli %arg1, %mul3A_13 : i32
    %add3A_15 = arith.constant 384 : i32
    %add3A_16 = arith.addi %mul3A_14, %add3A_15 : i32
    "tpu.region"() ({
      %run_scoped3A = tpu.sem_alloc : memref<!tpu.dma_semaphore, #tpu.memory_space<semaphore_mem>>
      %dma_start3A_70 = arith.constant 0 : i32
      %dma_start3A_71 = tpu.memref_slice %arg7[%add3A_16, %dma_start3A_70] : memref<10240x128xf32, #tpu.memory_space<vmem_shared>> -> memref<128x128xf32, #tpu.memory_space<vmem_shared>>
      %dma_start3A_72 = arith.constant 0 : i32
      %dma_start3A_73 = tpu.memref_slice %arg7[%add3A_16, %dma_start3A_72] : memref<10240x128xf32, #tpu.memory_space<vmem_shared>> -> memref<128x128xf32, #tpu.memory_space<vmem_shared>>
      tpu.enqueue_dma source(%arg10 : memref<128x128xf32, #tpu.memory_space<vmem>>) target(%dma_start3A_73 : memref<128x128xf32, #tpu.memory_space<vmem_shared>>) target_semaphore(%run_scoped3A : memref<!tpu.dma_semaphore, #tpu.memory_space<semaphore_mem>>)
      %dma_wait3A = arith.constant 0 : i32
      %dma_wait3A_74 = tpu.memref_slice %arg7[%add3A_16, %dma_wait3A] : memref<10240x128xf32, #tpu.memory_space<vmem_shared>> -> memref<128x128xf32, #tpu.memory_space<vmem_shared>>
      %dma_wait3A_75 = arith.constant 0 : i32
      %dma_wait3A_76 = tpu.memref_slice %arg7[%add3A_16, %dma_wait3A_75] : memref<10240x128xf32, #tpu.memory_space<vmem_shared>> -> memref<128x128xf32, #tpu.memory_space<vmem_shared>>
      tpu.wait_dma2 semaphore(%run_scoped3A : memref<!tpu.dma_semaphore, #tpu.memory_space<semaphore_mem>>) src(%arg10 : memref<128x128xf32, #tpu.memory_space<vmem>>) dst(%dma_wait3A_76 : memref<128x128xf32, #tpu.memory_space<vmem_shared>>)
      tpu.yield
    }) : () -> ()
    %mul3A_17 = arith.constant 640 : i32
    %mul3A_18 = arith.muli %arg1, %mul3A_17 : i32
    %add3A_19 = arith.constant 512 : i32
    %add3A_20 = arith.addi %mul3A_18, %add3A_19 : i32
    "tpu.region"() ({
      %run_scoped3A = tpu.sem_alloc : memref<!tpu.dma_semaphore, #tpu.memory_space<semaphore_mem>>
      %dma_start3A_70 = arith.constant 0 : i32
      %dma_start3A_71 = tpu.memref_slice %arg7[%add3A_20, %dma_start3A_70] : memref<10240x128xf32, #tpu.memory_space<vmem_shared>> -> memref<128x128xf32, #tpu.memory_space<vmem_shared>>
      %dma_start3A_72 = arith.constant 0 : i32
      %dma_start3A_73 = tpu.memref_slice %arg7[%add3A_20, %dma_start3A_72] : memref<10240x128xf32, #tpu.memory_space<vmem_shared>> -> memref<128x128xf32, #tpu.memory_space<vmem_shared>>
      tpu.enqueue_dma source(%arg10 : memref<128x128xf32, #tpu.memory_space<vmem>>) target(%dma_start3A_73 : memref<128x128xf32, #tpu.memory_space<vmem_shared>>) target_semaphore(%run_scoped3A : memref<!tpu.dma_semaphore, #tpu.memory_space<semaphore_mem>>)
      %dma_wait3A = arith.constant 0 : i32
      %dma_wait3A_74 = tpu.memref_slice %arg7[%add3A_20, %dma_wait3A] : memref<10240x128xf32, #tpu.memory_space<vmem_shared>> -> memref<128x128xf32, #tpu.memory_space<vmem_shared>>
      %dma_wait3A_75 = arith.constant 0 : i32
      %dma_wait3A_76 = tpu.memref_slice %arg7[%add3A_20, %dma_wait3A_75] : memref<10240x128xf32, #tpu.memory_space<vmem_shared>> -> memref<128x128xf32, #tpu.memory_space<vmem_shared>>
      tpu.wait_dma2 semaphore(%run_scoped3A : memref<!tpu.dma_semaphore, #tpu.memory_space<semaphore_mem>>) src(%arg10 : memref<128x128xf32, #tpu.memory_space<vmem>>) dst(%dma_wait3A_76 : memref<128x128xf32, #tpu.memory_space<vmem_shared>>)
      tpu.yield
    }) : () -> ()
    %barrier3A = arith.constant 0 : index
    tpu.barrier barrier_id(%barrier3A)
    %mul3A_21 = arith.constant 80 : i32
    %mul3A_22 = arith.muli %add3A, %mul3A_21 : i32
    %add3A_23 = arith.constant 0 : i32
    %add3A_24 = arith.addi %mul3A_22, %add3A_23 : i32
    "tpu.region"() ({
      %run_scoped3A = tpu.sem_alloc : memref<!tpu.dma_semaphore, #tpu.memory_space<semaphore_mem>>
      %dma_start3A_70 = arith.constant 0 : i32
      %dma_start3A_71 = tpu.memref_slice %arg3[%add3A_24, %dma_start3A_70] : memref<2560x128xi32, #tpu.memory_space<hbm>> -> memref<40x128xi32, #tpu.memory_space<hbm>>
      %dma_start3A_72 = arith.constant 0 : i32
      %dma_start3A_73 = tpu.memref_slice %arg3[%add3A_24, %dma_start3A_72] : memref<2560x128xi32, #tpu.memory_space<hbm>> -> memref<40x128xi32, #tpu.memory_space<hbm>>
      tpu.enqueue_dma source(%dma_start3A_73 : memref<40x128xi32, #tpu.memory_space<hbm>>) target(%arg8 : memref<40x128xi32, #tpu.memory_space<vmem>>) target_semaphore(%run_scoped3A : memref<!tpu.dma_semaphore, #tpu.memory_space<semaphore_mem>>)
      %dma_wait3A = arith.constant 0 : i32
      %dma_wait3A_74 = tpu.memref_slice %arg3[%add3A_24, %dma_wait3A] : memref<2560x128xi32, #tpu.memory_space<hbm>> -> memref<40x128xi32, #tpu.memory_space<hbm>>
      %dma_wait3A_75 = arith.constant 0 : i32
      %dma_wait3A_76 = tpu.memref_slice %arg3[%add3A_24, %dma_wait3A_75] : memref<2560x128xi32, #tpu.memory_space<hbm>> -> memref<40x128xi32, #tpu.memory_space<hbm>>
      tpu.wait_dma2 semaphore(%run_scoped3A : memref<!tpu.dma_semaphore, #tpu.memory_space<semaphore_mem>>) src(%dma_wait3A_76 : memref<40x128xi32, #tpu.memory_space<hbm>>) dst(%arg8 : memref<40x128xi32, #tpu.memory_space<vmem>>)
      tpu.yield
    }) : () -> ()
    "tpu.region"() ({
      %run_scoped3A = tpu.sem_alloc : memref<!tpu.dma_semaphore, #tpu.memory_space<semaphore_mem>>
      %dma_start3A_70 = arith.constant 0 : i32
      %dma_start3A_71 = tpu.memref_slice %arg4[%add3A_24, %dma_start3A_70] : memref<2560x128xi32, #tpu.memory_space<hbm>> -> memref<40x128xi32, #tpu.memory_space<hbm>>
      %dma_start3A_72 = arith.constant 0 : i32
      %dma_start3A_73 = tpu.memref_slice %arg4[%add3A_24, %dma_start3A_72] : memref<2560x128xi32, #tpu.memory_space<hbm>> -> memref<40x128xi32, #tpu.memory_space<hbm>>
      tpu.enqueue_dma source(%dma_start3A_73 : memref<40x128xi32, #tpu.memory_space<hbm>>) target(%arg9 : memref<40x128xi32, #tpu.memory_space<vmem>>) target_semaphore(%run_scoped3A : memref<!tpu.dma_semaphore, #tpu.memory_space<semaphore_mem>>)
      %dma_wait3A = arith.constant 0 : i32
      %dma_wait3A_74 = tpu.memref_slice %arg4[%add3A_24, %dma_wait3A] : memref<2560x128xi32, #tpu.memory_space<hbm>> -> memref<40x128xi32, #tpu.memory_space<hbm>>
      %dma_wait3A_75 = arith.constant 0 : i32
      %dma_wait3A_76 = tpu.memref_slice %arg4[%add3A_24, %dma_wait3A_75] : memref<2560x128xi32, #tpu.memory_space<hbm>> -> memref<40x128xi32, #tpu.memory_space<hbm>>
      tpu.wait_dma2 semaphore(%run_scoped3A : memref<!tpu.dma_semaphore, #tpu.memory_space<semaphore_mem>>) src(%dma_wait3A_76 : memref<40x128xi32, #tpu.memory_space<hbm>>) dst(%arg9 : memref<40x128xi32, #tpu.memory_space<vmem>>)
      tpu.yield
    }) : () -> ()
    %dma_start3A = arith.constant 0 : i32
    %dma_start3A_25 = arith.constant 0 : i32
    %dma_start3A_26 = tpu.memref_slice %arg8[%dma_start3A, %dma_start3A_25] : memref<40x128xi32, #tpu.memory_space<vmem>> -> memref<1x128xi32, #tpu.memory_space<vmem>>
    %dma_start3A_27 = tpu.memref_squeeze %dma_start3A_26 : memref<1x128xi32, #tpu.memory_space<vmem>> -> memref<128xi32, #tpu.memory_space<vmem>>
    %dma_start3A_28 = arith.constant 0 : i32
    %dma_start3A_29 = arith.constant 0 : i32
    %dma_start3A_30 = tpu.memref_slice %arg2[%dma_start3A_28, %dma_start3A_29] : memref<10240x128xf32, #tpu.memory_space<hbm>> -> memref<10240x128xf32, #tpu.memory_space<hbm>>
    tpu.enqueue_indirect_dma source(%dma_start3A_30 : memref<10240x128xf32, #tpu.memory_space<hbm>>) target(%arg10 : memref<128x128xf32, #tpu.memory_space<vmem>>) offsets(%dma_start3A_27 : memref<128xi32, #tpu.memory_space<vmem>>) semaphore(%arg12 : memref<!tpu.dma_semaphore, #tpu.memory_space<semaphore_mem>>)
    %dma_start3A_31 = arith.constant 1 : i32
    %dma_start3A_32 = arith.constant 0 : i32
    %dma_start3A_33 = tpu.memref_slice %arg8[%dma_start3A_31, %dma_start3A_32] : memref<40x128xi32, #tpu.memory_space<vmem>> -> memref<1x128xi32, #tpu.memory_space<vmem>>
    %dma_start3A_34 = tpu.memref_squeeze %dma_start3A_33 : memref<1x128xi32, #tpu.memory_space<vmem>> -> memref<128xi32, #tpu.memory_space<vmem>>
    %dma_start3A_35 = arith.constant 0 : i32
    %dma_start3A_36 = arith.constant 0 : i32
    %dma_start3A_37 = tpu.memref_slice %arg2[%dma_start3A_35, %dma_start3A_36] : memref<10240x128xf32, #tpu.memory_space<hbm>> -> memref<10240x128xf32, #tpu.memory_space<hbm>>
    tpu.enqueue_indirect_dma source(%dma_start3A_37 : memref<10240x128xf32, #tpu.memory_space<hbm>>) target(%arg11 : memref<128x128xf32, #tpu.memory_space<vmem>>) offsets(%dma_start3A_34 : memref<128xi32, #tpu.memory_space<vmem>>) semaphore(%arg13 : memref<!tpu.dma_semaphore, #tpu.memory_space<semaphore_mem>>)
    %scan3A = arith.constant 0 : i32
    %scan3A_38 = arith.constant 20 : i32
    %scan3A_39 = arith.addi %scan3A, %scan3A_38 : i32
    %scan3A_40 = arith.constant 1 : i32
    scf.for %scan3A_70 = %scan3A to %scan3A_39 step %scan3A_40  : i32 {
      %mul3A_71 = arith.constant 2 : i32
      %mul3A_72 = arith.muli %scan3A_70, %mul3A_71 : i32
      %add3A_73 = arith.constant 0 : i32
      %add3A_74 = arith.addi %add3A_73, %mul3A_72 : i32
      %dma_wait3A = arith.constant 0 : i32
      %dma_wait3A_75 = tpu.memref_slice %arg8[%add3A_74, %dma_wait3A] : memref<40x128xi32, #tpu.memory_space<vmem>> -> memref<1x128xi32, #tpu.memory_space<vmem>>
      %dma_wait3A_76 = tpu.memref_squeeze %dma_wait3A_75 : memref<1x128xi32, #tpu.memory_space<vmem>> -> memref<128xi32, #tpu.memory_space<vmem>>
      %dma_wait3A_77 = arith.constant 0 : i32
      %dma_wait3A_78 = arith.constant 0 : i32
      %dma_wait3A_79 = tpu.memref_slice %arg2[%dma_wait3A_77, %dma_wait3A_78] : memref<10240x128xf32, #tpu.memory_space<hbm>> -> memref<10240x128xf32, #tpu.memory_space<hbm>>
      tpu.wait_indirect_dma semaphore(%arg12 : memref<!tpu.dma_semaphore, #tpu.memory_space<semaphore_mem>>) src(%dma_wait3A_79 : memref<10240x128xf32, #tpu.memory_space<hbm>>) dst(%arg10 : memref<128x128xf32, #tpu.memory_space<vmem>>)
      %dma_start3A_80 = arith.constant 0 : i32
      %dma_start3A_81 = tpu.memref_slice %arg9[%add3A_74, %dma_start3A_80] : memref<40x128xi32, #tpu.memory_space<vmem>> -> memref<1x128xi32, #tpu.memory_space<vmem>>
      %dma_start3A_82 = tpu.memref_squeeze %dma_start3A_81 : memref<1x128xi32, #tpu.memory_space<vmem>> -> memref<128xi32, #tpu.memory_space<vmem>>
      %dma_start3A_83 = arith.constant 0 : i32
      %dma_start3A_84 = arith.constant 0 : i32
      %dma_start3A_85 = tpu.memref_slice %arg7[%dma_start3A_83, %dma_start3A_84] : memref<10240x128xf32, #tpu.memory_space<vmem_shared>> -> memref<10240x128xf32, #tpu.memory_space<vmem_shared>>
      tpu.enqueue_indirect_dma source(%arg10 : memref<128x128xf32, #tpu.memory_space<vmem>>) target(%dma_start3A_85 : memref<10240x128xf32, #tpu.memory_space<vmem_shared>>) offsets(%dma_start3A_82 : memref<128xi32, #tpu.memory_space<vmem>>) semaphore(%arg14 : memref<!tpu.dma_semaphore, #tpu.memory_space<semaphore_mem>>) {add = true}
      %add3A_86 = arith.constant 1 : i32
      %add3A_87 = arith.addi %add3A_74, %add3A_86 : i32
      %dma_wait3A_88 = arith.constant 0 : i32
      %dma_wait3A_89 = tpu.memref_slice %arg8[%add3A_87, %dma_wait3A_88] : memref<40x128xi32, #tpu.memory_space<vmem>> -> memref<1x128xi32, #tpu.memory_space<vmem>>
      %dma_wait3A_90 = tpu.memref_squeeze %dma_wait3A_89 : memref<1x128xi32, #tpu.memory_space<vmem>> -> memref<128xi32, #tpu.memory_space<vmem>>
      %dma_wait3A_91 = arith.constant 0 : i32
      %dma_wait3A_92 = arith.constant 0 : i32
      %dma_wait3A_93 = tpu.memref_slice %arg2[%dma_wait3A_91, %dma_wait3A_92] : memref<10240x128xf32, #tpu.memory_space<hbm>> -> memref<10240x128xf32, #tpu.memory_space<hbm>>
      tpu.wait_indirect_dma semaphore(%arg13 : memref<!tpu.dma_semaphore, #tpu.memory_space<semaphore_mem>>) src(%dma_wait3A_93 : memref<10240x128xf32, #tpu.memory_space<hbm>>) dst(%arg11 : memref<128x128xf32, #tpu.memory_space<vmem>>)
      %add3A_94 = arith.constant 1 : i32
      %add3A_95 = arith.addi %add3A_74, %add3A_94 : i32
      %dma_start3A_96 = arith.constant 0 : i32
      %dma_start3A_97 = tpu.memref_slice %arg9[%add3A_95, %dma_start3A_96] : memref<40x128xi32, #tpu.memory_space<vmem>> -> memref<1x128xi32, #tpu.memory_space<vmem>>
      %dma_start3A_98 = tpu.memref_squeeze %dma_start3A_97 : memref<1x128xi32, #tpu.memory_space<vmem>> -> memref<128xi32, #tpu.memory_space<vmem>>
      %dma_start3A_99 = arith.constant 0 : i32
      %dma_start3A_100 = arith.constant 0 : i32
      %dma_start3A_101 = tpu.memref_slice %arg7[%dma_start3A_99, %dma_start3A_100] : memref<10240x128xf32, #tpu.memory_space<vmem_shared>> -> memref<10240x128xf32, #tpu.memory_space<vmem_shared>>
      tpu.enqueue_indirect_dma source(%arg11 : memref<128x128xf32, #tpu.memory_space<vmem>>) target(%dma_start3A_101 : memref<10240x128xf32, #tpu.memory_space<vmem_shared>>) offsets(%dma_start3A_98 : memref<128xi32, #tpu.memory_space<vmem>>) semaphore(%arg15 : memref<!tpu.dma_semaphore, #tpu.memory_space<semaphore_mem>>) {add = true}
      %add3A_102 = arith.constant 2 : i32
      %add3A_103 = arith.addi %add3A_74, %add3A_102 : i32
      %lt3A = arith.constant 40 : i32
      %lt3A_104 = arith.cmpi slt, %add3A_103, %lt3A : i32
      %convert_element_type3A = arith.extui %lt3A_104 : i1 to i32
      %cond3A = arith.constant 0 : i32
      %cond3A_105 = arith.cmpi ne, %convert_element_type3A, %cond3A : i32
      scf.if %cond3A_105 {
        %dma_wait3A_112 = arith.constant 0 : i32
        %dma_wait3A_113 = tpu.memref_slice %arg9[%add3A_74, %dma_wait3A_112] : memref<40x128xi32, #tpu.memory_space<vmem>> -> memref<1x128xi32, #tpu.memory_space<vmem>>
        %dma_wait3A_114 = tpu.memref_squeeze %dma_wait3A_113 : memref<1x128xi32, #tpu.memory_space<vmem>> -> memref<128xi32, #tpu.memory_space<vmem>>
        %dma_wait3A_115 = arith.constant 0 : i32
        %dma_wait3A_116 = arith.constant 0 : i32
        %dma_wait3A_117 = tpu.memref_slice %arg7[%dma_wait3A_115, %dma_wait3A_116] : memref<10240x128xf32, #tpu.memory_space<vmem_shared>> -> memref<10240x128xf32, #tpu.memory_space<vmem_shared>>
        tpu.wait_indirect_dma semaphore(%arg14 : memref<!tpu.dma_semaphore, #tpu.memory_space<semaphore_mem>>) src(%arg10 : memref<128x128xf32, #tpu.memory_space<vmem>>) dst(%dma_wait3A_117 : memref<10240x128xf32, #tpu.memory_space<vmem_shared>>)
        %add3A_118 = arith.constant 2 : i32
        %add3A_119 = arith.addi %add3A_74, %add3A_118 : i32
        %dma_start3A_120 = arith.constant 0 : i32
        %dma_start3A_121 = tpu.memref_slice %arg8[%add3A_119, %dma_start3A_120] : memref<40x128xi32, #tpu.memory_space<vmem>> -> memref<1x128xi32, #tpu.memory_space<vmem>>
        %dma_start3A_122 = tpu.memref_squeeze %dma_start3A_121 : memref<1x128xi32, #tpu.memory_space<vmem>> -> memref<128xi32, #tpu.memory_space<vmem>>
        %dma_start3A_123 = arith.constant 0 : i32
        %dma_start3A_124 = arith.constant 0 : i32
        %dma_start3A_125 = tpu.memref_slice %arg2[%dma_start3A_123, %dma_start3A_124] : memref<10240x128xf32, #tpu.memory_space<hbm>> -> memref<10240x128xf32, #tpu.memory_space<hbm>>
        tpu.enqueue_indirect_dma source(%dma_start3A_125 : memref<10240x128xf32, #tpu.memory_space<hbm>>) target(%arg10 : memref<128x128xf32, #tpu.memory_space<vmem>>) offsets(%dma_start3A_122 : memref<128xi32, #tpu.memory_space<vmem>>) semaphore(%arg12 : memref<!tpu.dma_semaphore, #tpu.memory_space<semaphore_mem>>)
        %dma_wait3A_126 = arith.constant 0 : i32
        %dma_wait3A_127 = tpu.memref_slice %arg9[%add3A_95, %dma_wait3A_126] : memref<40x128xi32, #tpu.memory_space<vmem>> -> memref<1x128xi32, #tpu.memory_space<vmem>>
        %dma_wait3A_128 = tpu.memref_squeeze %dma_wait3A_127 : memref<1x128xi32, #tpu.memory_space<vmem>> -> memref<128xi32, #tpu.memory_space<vmem>>
        %dma_wait3A_129 = arith.constant 0 : i32
        %dma_wait3A_130 = arith.constant 0 : i32
        %dma_wait3A_131 = tpu.memref_slice %arg7[%dma_wait3A_129, %dma_wait3A_130] : memref<10240x128xf32, #tpu.memory_space<vmem_shared>> -> memref<10240x128xf32, #tpu.memory_space<vmem_shared>>
        tpu.wait_indirect_dma semaphore(%arg15 : memref<!tpu.dma_semaphore, #tpu.memory_space<semaphore_mem>>) src(%arg11 : memref<128x128xf32, #tpu.memory_space<vmem>>) dst(%dma_wait3A_131 : memref<10240x128xf32, #tpu.memory_space<vmem_shared>>)
        %add3A_132 = arith.constant 3 : i32
        %add3A_133 = arith.addi %add3A_74, %add3A_132 : i32
        %dma_start3A_134 = arith.constant 0 : i32
        %dma_start3A_135 = tpu.memref_slice %arg8[%add3A_133, %dma_start3A_134] : memref<40x128xi32, #tpu.memory_space<vmem>> -> memref<1x128xi32, #tpu.memory_space<vmem>>
        %dma_start3A_136 = tpu.memref_squeeze %dma_start3A_135 : memref<1x128xi32, #tpu.memory_space<vmem>> -> memref<128xi32, #tpu.memory_space<vmem>>
        %dma_start3A_137 = arith.constant 0 : i32
        %dma_start3A_138 = arith.constant 0 : i32
        %dma_start3A_139 = tpu.memref_slice %arg2[%dma_start3A_137, %dma_start3A_138] : memref<10240x128xf32, #tpu.memory_space<hbm>> -> memref<10240x128xf32, #tpu.memory_space<hbm>>
        tpu.enqueue_indirect_dma source(%dma_start3A_139 : memref<10240x128xf32, #tpu.memory_space<hbm>>) target(%arg11 : memref<128x128xf32, #tpu.memory_space<vmem>>) offsets(%dma_start3A_136 : memref<128xi32, #tpu.memory_space<vmem>>) semaphore(%arg13 : memref<!tpu.dma_semaphore, #tpu.memory_space<semaphore_mem>>)
      } else {
      }
      %add3A_106 = arith.constant 2 : i32
      %add3A_107 = arith.addi %add3A_74, %add3A_106 : i32
      %ge3A = arith.constant 40 : i32
      %ge3A_108 = arith.cmpi sge, %add3A_107, %ge3A : i32
      %convert_element_type3A_109 = arith.extui %ge3A_108 : i1 to i32
      %cond3A_110 = arith.constant 0 : i32
      %cond3A_111 = arith.cmpi ne, %convert_element_type3A_109, %cond3A_110 : i32
      scf.if %cond3A_111 {
        %dma_wait3A_112 = arith.constant 0 : i32
        %dma_wait3A_113 = tpu.memref_slice %arg9[%add3A_74, %dma_wait3A_112] : memref<40x128xi32, #tpu.memory_space<vmem>> -> memref<1x128xi32, #tpu.memory_space<vmem>>
        %dma_wait3A_114 = tpu.memref_squeeze %dma_wait3A_113 : memref<1x128xi32, #tpu.memory_space<vmem>> -> memref<128xi32, #tpu.memory_space<vmem>>
        %dma_wait3A_115 = arith.constant 0 : i32
        %dma_wait3A_116 = arith.constant 0 : i32
        %dma_wait3A_117 = tpu.memref_slice %arg7[%dma_wait3A_115, %dma_wait3A_116] : memref<10240x128xf32, #tpu.memory_space<vmem_shared>> -> memref<10240x128xf32, #tpu.memory_space<vmem_shared>>
        tpu.wait_indirect_dma semaphore(%arg14 : memref<!tpu.dma_semaphore, #tpu.memory_space<semaphore_mem>>) src(%arg10 : memref<128x128xf32, #tpu.memory_space<vmem>>) dst(%dma_wait3A_117 : memref<10240x128xf32, #tpu.memory_space<vmem_shared>>)
        %dma_wait3A_118 = arith.constant 0 : i32
        %dma_wait3A_119 = tpu.memref_slice %arg9[%add3A_95, %dma_wait3A_118] : memref<40x128xi32, #tpu.memory_space<vmem>> -> memref<1x128xi32, #tpu.memory_space<vmem>>
        %dma_wait3A_120 = tpu.memref_squeeze %dma_wait3A_119 : memref<1x128xi32, #tpu.memory_space<vmem>> -> memref<128xi32, #tpu.memory_space<vmem>>
        %dma_wait3A_121 = arith.constant 0 : i32
        %dma_wait3A_122 = arith.constant 0 : i32
        %dma_wait3A_123 = tpu.memref_slice %arg7[%dma_wait3A_121, %dma_wait3A_122] : memref<10240x128xf32, #tpu.memory_space<vmem_shared>> -> memref<10240x128xf32, #tpu.memory_space<vmem_shared>>
        tpu.wait_indirect_dma semaphore(%arg15 : memref<!tpu.dma_semaphore, #tpu.memory_space<semaphore_mem>>) src(%arg11 : memref<128x128xf32, #tpu.memory_space<vmem>>) dst(%dma_wait3A_123 : memref<10240x128xf32, #tpu.memory_space<vmem_shared>>)
      } else {
      }
    }
    %scan3A_41 = arith.constant 20 : i32
    %mul3A_42 = arith.constant 80 : i32
    %mul3A_43 = arith.muli %add3A, %mul3A_42 : i32
    %add3A_44 = arith.constant 40 : i32
    %add3A_45 = arith.addi %mul3A_43, %add3A_44 : i32
    "tpu.region"() ({
      %run_scoped3A = tpu.sem_alloc : memref<!tpu.dma_semaphore, #tpu.memory_space<semaphore_mem>>
      %dma_start3A_70 = arith.constant 0 : i32
      %dma_start3A_71 = tpu.memref_slice %arg3[%add3A_45, %dma_start3A_70] : memref<2560x128xi32, #tpu.memory_space<hbm>> -> memref<40x128xi32, #tpu.memory_space<hbm>>
      %dma_start3A_72 = arith.constant 0 : i32
      %dma_start3A_73 = tpu.memref_slice %arg3[%add3A_45, %dma_start3A_72] : memref<2560x128xi32, #tpu.memory_space<hbm>> -> memref<40x128xi32, #tpu.memory_space<hbm>>
      tpu.enqueue_dma source(%dma_start3A_73 : memref<40x128xi32, #tpu.memory_space<hbm>>) target(%arg8 : memref<40x128xi32, #tpu.memory_space<vmem>>) target_semaphore(%run_scoped3A : memref<!tpu.dma_semaphore, #tpu.memory_space<semaphore_mem>>)
      %dma_wait3A = arith.constant 0 : i32
      %dma_wait3A_74 = tpu.memref_slice %arg3[%add3A_45, %dma_wait3A] : memref<2560x128xi32, #tpu.memory_space<hbm>> -> memref<40x128xi32, #tpu.memory_space<hbm>>
      %dma_wait3A_75 = arith.constant 0 : i32
      %dma_wait3A_76 = tpu.memref_slice %arg3[%add3A_45, %dma_wait3A_75] : memref<2560x128xi32, #tpu.memory_space<hbm>> -> memref<40x128xi32, #tpu.memory_space<hbm>>
      tpu.wait_dma2 semaphore(%run_scoped3A : memref<!tpu.dma_semaphore, #tpu.memory_space<semaphore_mem>>) src(%dma_wait3A_76 : memref<40x128xi32, #tpu.memory_space<hbm>>) dst(%arg8 : memref<40x128xi32, #tpu.memory_space<vmem>>)
      tpu.yield
    }) : () -> ()
    "tpu.region"() ({
      %run_scoped3A = tpu.sem_alloc : memref<!tpu.dma_semaphore, #tpu.memory_space<semaphore_mem>>
      %dma_start3A_70 = arith.constant 0 : i32
      %dma_start3A_71 = tpu.memref_slice %arg4[%add3A_45, %dma_start3A_70] : memref<2560x128xi32, #tpu.memory_space<hbm>> -> memref<40x128xi32, #tpu.memory_space<hbm>>
      %dma_start3A_72 = arith.constant 0 : i32
      %dma_start3A_73 = tpu.memref_slice %arg4[%add3A_45, %dma_start3A_72] : memref<2560x128xi32, #tpu.memory_space<hbm>> -> memref<40x128xi32, #tpu.memory_space<hbm>>
      tpu.enqueue_dma source(%dma_start3A_73 : memref<40x128xi32, #tpu.memory_space<hbm>>) target(%arg9 : memref<40x128xi32, #tpu.memory_space<vmem>>) target_semaphore(%run_scoped3A : memref<!tpu.dma_semaphore, #tpu.memory_space<semaphore_mem>>)
      %dma_wait3A = arith.constant 0 : i32
      %dma_wait3A_74 = tpu.memref_slice %arg4[%add3A_45, %dma_wait3A] : memref<2560x128xi32, #tpu.memory_space<hbm>> -> memref<40x128xi32, #tpu.memory_space<hbm>>
      %dma_wait3A_75 = arith.constant 0 : i32
      %dma_wait3A_76 = tpu.memref_slice %arg4[%add3A_45, %dma_wait3A_75] : memref<2560x128xi32, #tpu.memory_space<hbm>> -> memref<40x128xi32, #tpu.memory_space<hbm>>
      tpu.wait_dma2 semaphore(%run_scoped3A : memref<!tpu.dma_semaphore, #tpu.memory_space<semaphore_mem>>) src(%dma_wait3A_76 : memref<40x128xi32, #tpu.memory_space<hbm>>) dst(%arg9 : memref<40x128xi32, #tpu.memory_space<vmem>>)
      tpu.yield
    }) : () -> ()
    %dma_start3A_46 = arith.constant 0 : i32
    %dma_start3A_47 = arith.constant 0 : i32
    %dma_start3A_48 = tpu.memref_slice %arg8[%dma_start3A_46, %dma_start3A_47] : memref<40x128xi32, #tpu.memory_space<vmem>> -> memref<1x128xi32, #tpu.memory_space<vmem>>
    %dma_start3A_49 = tpu.memref_squeeze %dma_start3A_48 : memref<1x128xi32, #tpu.memory_space<vmem>> -> memref<128xi32, #tpu.memory_space<vmem>>
    %dma_start3A_50 = arith.constant 0 : i32
    %dma_start3A_51 = arith.constant 0 : i32
    %dma_start3A_52 = tpu.memref_slice %arg2[%dma_start3A_50, %dma_start3A_51] : memref<10240x128xf32, #tpu.memory_space<hbm>> -> memref<10240x128xf32, #tpu.memory_space<hbm>>
    tpu.enqueue_indirect_dma source(%dma_start3A_52 : memref<10240x128xf32, #tpu.memory_space<hbm>>) target(%arg10 : memref<128x128xf32, #tpu.memory_space<vmem>>) offsets(%dma_start3A_49 : memref<128xi32, #tpu.memory_space<vmem>>) semaphore(%arg12 : memref<!tpu.dma_semaphore, #tpu.memory_space<semaphore_mem>>)
    %dma_start3A_53 = arith.constant 1 : i32
    %dma_start3A_54 = arith.constant 0 : i32
    %dma_start3A_55 = tpu.memref_slice %arg8[%dma_start3A_53, %dma_start3A_54] : memref<40x128xi32, #tpu.memory_space<vmem>> -> memref<1x128xi32, #tpu.memory_space<vmem>>
    %dma_start3A_56 = tpu.memref_squeeze %dma_start3A_55 : memref<1x128xi32, #tpu.memory_space<vmem>> -> memref<128xi32, #tpu.memory_space<vmem>>
    %dma_start3A_57 = arith.constant 0 : i32
    %dma_start3A_58 = arith.constant 0 : i32
    %dma_start3A_59 = tpu.memref_slice %arg2[%dma_start3A_57, %dma_start3A_58] : memref<10240x128xf32, #tpu.memory_space<hbm>> -> memref<10240x128xf32, #tpu.memory_space<hbm>>
    tpu.enqueue_indirect_dma source(%dma_start3A_59 : memref<10240x128xf32, #tpu.memory_space<hbm>>) target(%arg11 : memref<128x128xf32, #tpu.memory_space<vmem>>) offsets(%dma_start3A_56 : memref<128xi32, #tpu.memory_space<vmem>>) semaphore(%arg13 : memref<!tpu.dma_semaphore, #tpu.memory_space<semaphore_mem>>)
    %scan3A_60 = arith.constant 0 : i32
    %scan3A_61 = arith.constant 20 : i32
    %scan3A_62 = arith.addi %scan3A_60, %scan3A_61 : i32
    %scan3A_63 = arith.constant 1 : i32
    scf.for %scan3A_70 = %scan3A_60 to %scan3A_62 step %scan3A_63  : i32 {
      %mul3A_71 = arith.constant 2 : i32
      %mul3A_72 = arith.muli %scan3A_70, %mul3A_71 : i32
      %add3A_73 = arith.constant 0 : i32
      %add3A_74 = arith.addi %add3A_73, %mul3A_72 : i32
      %dma_wait3A = arith.constant 0 : i32
      %dma_wait3A_75 = tpu.memref_slice %arg8[%add3A_74, %dma_wait3A] : memref<40x128xi32, #tpu.memory_space<vmem>> -> memref<1x128xi32, #tpu.memory_space<vmem>>
      %dma_wait3A_76 = tpu.memref_squeeze %dma_wait3A_75 : memref<1x128xi32, #tpu.memory_space<vmem>> -> memref<128xi32, #tpu.memory_space<vmem>>
      %dma_wait3A_77 = arith.constant 0 : i32
      %dma_wait3A_78 = arith.constant 0 : i32
      %dma_wait3A_79 = tpu.memref_slice %arg2[%dma_wait3A_77, %dma_wait3A_78] : memref<10240x128xf32, #tpu.memory_space<hbm>> -> memref<10240x128xf32, #tpu.memory_space<hbm>>
      tpu.wait_indirect_dma semaphore(%arg12 : memref<!tpu.dma_semaphore, #tpu.memory_space<semaphore_mem>>) src(%dma_wait3A_79 : memref<10240x128xf32, #tpu.memory_space<hbm>>) dst(%arg10 : memref<128x128xf32, #tpu.memory_space<vmem>>)
      %dma_start3A_80 = arith.constant 0 : i32
      %dma_start3A_81 = tpu.memref_slice %arg9[%add3A_74, %dma_start3A_80] : memref<40x128xi32, #tpu.memory_space<vmem>> -> memref<1x128xi32, #tpu.memory_space<vmem>>
      %dma_start3A_82 = tpu.memref_squeeze %dma_start3A_81 : memref<1x128xi32, #tpu.memory_space<vmem>> -> memref<128xi32, #tpu.memory_space<vmem>>
      %dma_start3A_83 = arith.constant 0 : i32
      %dma_start3A_84 = arith.constant 0 : i32
      %dma_start3A_85 = tpu.memref_slice %arg7[%dma_start3A_83, %dma_start3A_84] : memref<10240x128xf32, #tpu.memory_space<vmem_shared>> -> memref<10240x128xf32, #tpu.memory_space<vmem_shared>>
      tpu.enqueue_indirect_dma source(%arg10 : memref<128x128xf32, #tpu.memory_space<vmem>>) target(%dma_start3A_85 : memref<10240x128xf32, #tpu.memory_space<vmem_shared>>) offsets(%dma_start3A_82 : memref<128xi32, #tpu.memory_space<vmem>>) semaphore(%arg14 : memref<!tpu.dma_semaphore, #tpu.memory_space<semaphore_mem>>) {add = true}
      %add3A_86 = arith.constant 1 : i32
      %add3A_87 = arith.addi %add3A_74, %add3A_86 : i32
      %dma_wait3A_88 = arith.constant 0 : i32
      %dma_wait3A_89 = tpu.memref_slice %arg8[%add3A_87, %dma_wait3A_88] : memref<40x128xi32, #tpu.memory_space<vmem>> -> memref<1x128xi32, #tpu.memory_space<vmem>>
      %dma_wait3A_90 = tpu.memref_squeeze %dma_wait3A_89 : memref<1x128xi32, #tpu.memory_space<vmem>> -> memref<128xi32, #tpu.memory_space<vmem>>
      %dma_wait3A_91 = arith.constant 0 : i32
      %dma_wait3A_92 = arith.constant 0 : i32
      %dma_wait3A_93 = tpu.memref_slice %arg2[%dma_wait3A_91, %dma_wait3A_92] : memref<10240x128xf32, #tpu.memory_space<hbm>> -> memref<10240x128xf32, #tpu.memory_space<hbm>>
      tpu.wait_indirect_dma semaphore(%arg13 : memref<!tpu.dma_semaphore, #tpu.memory_space<semaphore_mem>>) src(%dma_wait3A_93 : memref<10240x128xf32, #tpu.memory_space<hbm>>) dst(%arg11 : memref<128x128xf32, #tpu.memory_space<vmem>>)
      %add3A_94 = arith.constant 1 : i32
      %add3A_95 = arith.addi %add3A_74, %add3A_94 : i32
      %dma_start3A_96 = arith.constant 0 : i32
      %dma_start3A_97 = tpu.memref_slice %arg9[%add3A_95, %dma_start3A_96] : memref<40x128xi32, #tpu.memory_space<vmem>> -> memref<1x128xi32, #tpu.memory_space<vmem>>
      %dma_start3A_98 = tpu.memref_squeeze %dma_start3A_97 : memref<1x128xi32, #tpu.memory_space<vmem>> -> memref<128xi32, #tpu.memory_space<vmem>>
      %dma_start3A_99 = arith.constant 0 : i32
      %dma_start3A_100 = arith.constant 0 : i32
      %dma_start3A_101 = tpu.memref_slice %arg7[%dma_start3A_99, %dma_start3A_100] : memref<10240x128xf32, #tpu.memory_space<vmem_shared>> -> memref<10240x128xf32, #tpu.memory_space<vmem_shared>>
      tpu.enqueue_indirect_dma source(%arg11 : memref<128x128xf32, #tpu.memory_space<vmem>>) target(%dma_start3A_101 : memref<10240x128xf32, #tpu.memory_space<vmem_shared>>) offsets(%dma_start3A_98 : memref<128xi32, #tpu.memory_space<vmem>>) semaphore(%arg15 : memref<!tpu.dma_semaphore, #tpu.memory_space<semaphore_mem>>) {add = true}
      %add3A_102 = arith.constant 2 : i32
      %add3A_103 = arith.addi %add3A_74, %add3A_102 : i32
      %lt3A = arith.constant 40 : i32
      %lt3A_104 = arith.cmpi slt, %add3A_103, %lt3A : i32
      %convert_element_type3A = arith.extui %lt3A_104 : i1 to i32
      %cond3A = arith.constant 0 : i32
      %cond3A_105 = arith.cmpi ne, %convert_element_type3A, %cond3A : i32
      scf.if %cond3A_105 {
        %dma_wait3A_112 = arith.constant 0 : i32
        %dma_wait3A_113 = tpu.memref_slice %arg9[%add3A_74, %dma_wait3A_112] : memref<40x128xi32, #tpu.memory_space<vmem>> -> memref<1x128xi32, #tpu.memory_space<vmem>>
        %dma_wait3A_114 = tpu.memref_squeeze %dma_wait3A_113 : memref<1x128xi32, #tpu.memory_space<vmem>> -> memref<128xi32, #tpu.memory_space<vmem>>
        %dma_wait3A_115 = arith.constant 0 : i32
        %dma_wait3A_116 = arith.constant 0 : i32
        %dma_wait3A_117 = tpu.memref_slice %arg7[%dma_wait3A_115, %dma_wait3A_116] : memref<10240x128xf32, #tpu.memory_space<vmem_shared>> -> memref<10240x128xf32, #tpu.memory_space<vmem_shared>>
        tpu.wait_indirect_dma semaphore(%arg14 : memref<!tpu.dma_semaphore, #tpu.memory_space<semaphore_mem>>) src(%arg10 : memref<128x128xf32, #tpu.memory_space<vmem>>) dst(%dma_wait3A_117 : memref<10240x128xf32, #tpu.memory_space<vmem_shared>>)
        %add3A_118 = arith.constant 2 : i32
        %add3A_119 = arith.addi %add3A_74, %add3A_118 : i32
        %dma_start3A_120 = arith.constant 0 : i32
        %dma_start3A_121 = tpu.memref_slice %arg8[%add3A_119, %dma_start3A_120] : memref<40x128xi32, #tpu.memory_space<vmem>> -> memref<1x128xi32, #tpu.memory_space<vmem>>
        %dma_start3A_122 = tpu.memref_squeeze %dma_start3A_121 : memref<1x128xi32, #tpu.memory_space<vmem>> -> memref<128xi32, #tpu.memory_space<vmem>>
        %dma_start3A_123 = arith.constant 0 : i32
        %dma_start3A_124 = arith.constant 0 : i32
        %dma_start3A_125 = tpu.memref_slice %arg2[%dma_start3A_123, %dma_start3A_124] : memref<10240x128xf32, #tpu.memory_space<hbm>> -> memref<10240x128xf32, #tpu.memory_space<hbm>>
        tpu.enqueue_indirect_dma source(%dma_start3A_125 : memref<10240x128xf32, #tpu.memory_space<hbm>>) target(%arg10 : memref<128x128xf32, #tpu.memory_space<vmem>>) offsets(%dma_start3A_122 : memref<128xi32, #tpu.memory_space<vmem>>) semaphore(%arg12 : memref<!tpu.dma_semaphore, #tpu.memory_space<semaphore_mem>>)
        %dma_wait3A_126 = arith.constant 0 : i32
        %dma_wait3A_127 = tpu.memref_slice %arg9[%add3A_95, %dma_wait3A_126] : memref<40x128xi32, #tpu.memory_space<vmem>> -> memref<1x128xi32, #tpu.memory_space<vmem>>
        %dma_wait3A_128 = tpu.memref_squeeze %dma_wait3A_127 : memref<1x128xi32, #tpu.memory_space<vmem>> -> memref<128xi32, #tpu.memory_space<vmem>>
        %dma_wait3A_129 = arith.constant 0 : i32
        %dma_wait3A_130 = arith.constant 0 : i32
        %dma_wait3A_131 = tpu.memref_slice %arg7[%dma_wait3A_129, %dma_wait3A_130] : memref<10240x128xf32, #tpu.memory_space<vmem_shared>> -> memref<10240x128xf32, #tpu.memory_space<vmem_shared>>
        tpu.wait_indirect_dma semaphore(%arg15 : memref<!tpu.dma_semaphore, #tpu.memory_space<semaphore_mem>>) src(%arg11 : memref<128x128xf32, #tpu.memory_space<vmem>>) dst(%dma_wait3A_131 : memref<10240x128xf32, #tpu.memory_space<vmem_shared>>)
        %add3A_132 = arith.constant 3 : i32
        %add3A_133 = arith.addi %add3A_74, %add3A_132 : i32
        %dma_start3A_134 = arith.constant 0 : i32
        %dma_start3A_135 = tpu.memref_slice %arg8[%add3A_133, %dma_start3A_134] : memref<40x128xi32, #tpu.memory_space<vmem>> -> memref<1x128xi32, #tpu.memory_space<vmem>>
        %dma_start3A_136 = tpu.memref_squeeze %dma_start3A_135 : memref<1x128xi32, #tpu.memory_space<vmem>> -> memref<128xi32, #tpu.memory_space<vmem>>
        %dma_start3A_137 = arith.constant 0 : i32
        %dma_start3A_138 = arith.constant 0 : i32
        %dma_start3A_139 = tpu.memref_slice %arg2[%dma_start3A_137, %dma_start3A_138] : memref<10240x128xf32, #tpu.memory_space<hbm>> -> memref<10240x128xf32, #tpu.memory_space<hbm>>
        tpu.enqueue_indirect_dma source(%dma_start3A_139 : memref<10240x128xf32, #tpu.memory_space<hbm>>) target(%arg11 : memref<128x128xf32, #tpu.memory_space<vmem>>) offsets(%dma_start3A_136 : memref<128xi32, #tpu.memory_space<vmem>>) semaphore(%arg13 : memref<!tpu.dma_semaphore, #tpu.memory_space<semaphore_mem>>)
      } else {
      }
      %add3A_106 = arith.constant 2 : i32
      %add3A_107 = arith.addi %add3A_74, %add3A_106 : i32
      %ge3A = arith.constant 40 : i32
      %ge3A_108 = arith.cmpi sge, %add3A_107, %ge3A : i32
      %convert_element_type3A_109 = arith.extui %ge3A_108 : i1 to i32
      %cond3A_110 = arith.constant 0 : i32
      %cond3A_111 = arith.cmpi ne, %convert_element_type3A_109, %cond3A_110 : i32
      scf.if %cond3A_111 {
        %dma_wait3A_112 = arith.constant 0 : i32
        %dma_wait3A_113 = tpu.memref_slice %arg9[%add3A_74, %dma_wait3A_112] : memref<40x128xi32, #tpu.memory_space<vmem>> -> memref<1x128xi32, #tpu.memory_space<vmem>>
        %dma_wait3A_114 = tpu.memref_squeeze %dma_wait3A_113 : memref<1x128xi32, #tpu.memory_space<vmem>> -> memref<128xi32, #tpu.memory_space<vmem>>
        %dma_wait3A_115 = arith.constant 0 : i32
        %dma_wait3A_116 = arith.constant 0 : i32
        %dma_wait3A_117 = tpu.memref_slice %arg7[%dma_wait3A_115, %dma_wait3A_116] : memref<10240x128xf32, #tpu.memory_space<vmem_shared>> -> memref<10240x128xf32, #tpu.memory_space<vmem_shared>>
        tpu.wait_indirect_dma semaphore(%arg14 : memref<!tpu.dma_semaphore, #tpu.memory_space<semaphore_mem>>) src(%arg10 : memref<128x128xf32, #tpu.memory_space<vmem>>) dst(%dma_wait3A_117 : memref<10240x128xf32, #tpu.memory_space<vmem_shared>>)
        %dma_wait3A_118 = arith.constant 0 : i32
        %dma_wait3A_119 = tpu.memref_slice %arg9[%add3A_95, %dma_wait3A_118] : memref<40x128xi32, #tpu.memory_space<vmem>> -> memref<1x128xi32, #tpu.memory_space<vmem>>
        %dma_wait3A_120 = tpu.memref_squeeze %dma_wait3A_119 : memref<1x128xi32, #tpu.memory_space<vmem>> -> memref<128xi32, #tpu.memory_space<vmem>>
        %dma_wait3A_121 = arith.constant 0 : i32
        %dma_wait3A_122 = arith.constant 0 : i32
        %dma_wait3A_123 = tpu.memref_slice %arg7[%dma_wait3A_121, %dma_wait3A_122] : memref<10240x128xf32, #tpu.memory_space<vmem_shared>> -> memref<10240x128xf32, #tpu.memory_space<vmem_shared>>
        tpu.wait_indirect_dma semaphore(%arg15 : memref<!tpu.dma_semaphore, #tpu.memory_space<semaphore_mem>>) src(%arg11 : memref<128x128xf32, #tpu.memory_space<vmem>>) dst(%dma_wait3A_123 : memref<10240x128xf32, #tpu.memory_space<vmem_shared>>)
      } else {
      }
    }
    %scan3A_64 = arith.constant 20 : i32
    %barrier3A_65 = arith.constant 0 : index
    tpu.barrier barrier_id(%barrier3A_65)
    %mul3A_66 = arith.constant 640 : i32
    %mul3A_67 = arith.muli %arg1, %mul3A_66 : i32
    %mul3A_68 = arith.constant 640 : i32
    %mul3A_69 = arith.muli %arg1, %mul3A_68 : i32
    "tpu.region"() ({
      %run_scoped3A = tpu.sem_alloc : memref<!tpu.dma_semaphore, #tpu.memory_space<semaphore_mem>>
      %dma_start3A_70 = arith.constant 0 : i32
      %dma_start3A_71 = tpu.memref_slice %arg6[%arg0, %mul3A_69, %dma_start3A_70] : memref<2x10240x128xf32, #tpu.memory_space<hbm>> -> memref<1x640x128xf32, #tpu.memory_space<hbm>>
      %dma_start3A_72 = tpu.memref_squeeze %dma_start3A_71 : memref<1x640x128xf32, #tpu.memory_space<hbm>> -> memref<640x128xf32, #tpu.memory_space<hbm>>
      %dma_start3A_73 = arith.constant 0 : i32
      %dma_start3A_74 = tpu.memref_slice %arg7[%mul3A_67, %dma_start3A_73] : memref<10240x128xf32, #tpu.memory_space<vmem_shared>> -> memref<640x128xf32, #tpu.memory_space<vmem_shared>>
      tpu.enqueue_dma source(%dma_start3A_74 : memref<640x128xf32, #tpu.memory_space<vmem_shared>>) target(%dma_start3A_72 : memref<640x128xf32, #tpu.memory_space<hbm>>) target_semaphore(%run_scoped3A : memref<!tpu.dma_semaphore, #tpu.memory_space<semaphore_mem>>)
      %dma_wait3A = arith.constant 0 : i32
      %dma_wait3A_75 = tpu.memref_slice %arg6[%arg0, %mul3A_69, %dma_wait3A] : memref<2x10240x128xf32, #tpu.memory_space<hbm>> -> memref<1x640x128xf32, #tpu.memory_space<hbm>>
      %dma_wait3A_76 = tpu.memref_squeeze %dma_wait3A_75 : memref<1x640x128xf32, #tpu.memory_space<hbm>> -> memref<640x128xf32, #tpu.memory_space<hbm>>
      %dma_wait3A_77 = arith.constant 0 : i32
      %dma_wait3A_78 = tpu.memref_slice %arg7[%mul3A_67, %dma_wait3A_77] : memref<10240x128xf32, #tpu.memory_space<vmem_shared>> -> memref<640x128xf32, #tpu.memory_space<vmem_shared>>
      tpu.wait_dma2 semaphore(%run_scoped3A : memref<!tpu.dma_semaphore, #tpu.memory_space<semaphore_mem>>) src(%dma_wait3A_78 : memref<640x128xf32, #tpu.memory_space<vmem_shared>>) dst(%dma_wait3A_76 : memref<640x128xf32, #tpu.memory_space<hbm>>)
      tpu.yield
    }) : () -> ()
    return
  }
}

#map = affine_map<(d0, d1) -> (0, 0)>
#map1 = affine_map<(d0, d1) -> (0, 0, 0)>
module attributes {stable_mosaic.version = 14 : i64} {
  func.func @_agg_body(%arg0: i32, %arg1: i32, %arg2: memref<10240x128xf32, #tpu.memory_space<hbm>>, %arg3: memref<2560x128xi32, #tpu.memory_space<hbm>>, %arg4: memref<2560x128xi32, #tpu.memory_space<hbm>>, %arg5: memref<128x128xf32, #tpu.memory_space<hbm>>, %arg6: memref<2x10240x128xf32, #tpu.memory_space<hbm>>, %arg7: memref<10240x128xf32, #tpu.memory_space<vmem_shared>>, %arg8: memref<40x128xi32, #tpu.memory_space<vmem>>, %arg9: memref<40x128xi32, #tpu.memory_space<vmem>>, %arg10: memref<128x128xf32, #tpu.memory_space<vmem>>, %arg11: memref<128x128xf32, #tpu.memory_space<vmem>>, %arg12: memref<!tpu.dma_semaphore, #tpu.memory_space<semaphore_mem>>, %arg13: memref<!tpu.dma_semaphore, #tpu.memory_space<semaphore_mem>>, %arg14: memref<!tpu.dma_semaphore, #tpu.memory_space<semaphore_mem>>, %arg15: memref<!tpu.dma_semaphore, #tpu.memory_space<semaphore_mem>>) attributes {dimension_semantics = [#tpu.dimension_semantics<core_parallel>, #tpu.dimension_semantics<subcore_parallel>], iteration_bounds = array<i64: 2, 16>, scalar_prefetch = 0 : i64, scratch_operands = 9 : i64, tpu.core_type = #tpu.core_type<sc_vector_subcore>, window_params = [{transform_indices = #map}, {transform_indices = #map}, {transform_indices = #map}, {transform_indices = #map}, {transform_indices = #map1}]} {
    %mul3A = arith.constant 2 : i32
    %mul3A_0 = arith.muli %arg1, %mul3A : i32
    %add3A = arith.addi %mul3A_0, %arg0 : i32
    "tpu.region"() ({
      %run_scoped3A = tpu.sem_alloc : memref<!tpu.dma_semaphore, #tpu.memory_space<semaphore_mem>>
      tpu.enqueue_dma source(%arg5 : memref<128x128xf32, #tpu.memory_space<hbm>>) target(%arg10 : memref<128x128xf32, #tpu.memory_space<vmem>>) target_semaphore(%run_scoped3A : memref<!tpu.dma_semaphore, #tpu.memory_space<semaphore_mem>>)
      tpu.wait_dma2 semaphore(%run_scoped3A : memref<!tpu.dma_semaphore, #tpu.memory_space<semaphore_mem>>) src(%arg5 : memref<128x128xf32, #tpu.memory_space<hbm>>) dst(%arg10 : memref<128x128xf32, #tpu.memory_space<vmem>>)
      tpu.yield
    }) : () -> ()
    %mul3A_1 = arith.constant 640 : i32
    %mul3A_2 = arith.muli %arg1, %mul3A_1 : i32
    %add3A_3 = arith.constant 0 : i32
    %add3A_4 = arith.addi %mul3A_2, %add3A_3 : i32
    "tpu.region"() ({
      %run_scoped3A = tpu.sem_alloc : memref<!tpu.dma_semaphore, #tpu.memory_space<semaphore_mem>>
      %dma_start3A_70 = arith.constant 0 : i32
      %dma_start3A_71 = tpu.memref_slice %arg7[%add3A_4, %dma_start3A_70] : memref<10240x128xf32, #tpu.memory_space<vmem_shared>> -> memref<128x128xf32, #tpu.memory_space<vmem_shared>>
      %dma_start3A_72 = arith.constant 0 : i32
      %dma_start3A_73 = tpu.memref_slice %arg7[%add3A_4, %dma_start3A_72] : memref<10240x128xf32, #tpu.memory_space<vmem_shared>> -> memref<128x128xf32, #tpu.memory_space<vmem_shared>>
      tpu.enqueue_dma source(%arg10 : memref<128x128xf32, #tpu.memory_space<vmem>>) target(%dma_start3A_73 : memref<128x128xf32, #tpu.memory_space<vmem_shared>>) target_semaphore(%run_scoped3A : memref<!tpu.dma_semaphore, #tpu.memory_space<semaphore_mem>>)
      %dma_wait3A = arith.constant 0 : i32
      %dma_wait3A_74 = tpu.memref_slice %arg7[%add3A_4, %dma_wait3A] : memref<10240x128xf32, #tpu.memory_space<vmem_shared>> -> memref<128x128xf32, #tpu.memory_space<vmem_shared>>
      %dma_wait3A_75 = arith.constant 0 : i32
      %dma_wait3A_76 = tpu.memref_slice %arg7[%add3A_4, %dma_wait3A_75] : memref<10240x128xf32, #tpu.memory_space<vmem_shared>> -> memref<128x128xf32, #tpu.memory_space<vmem_shared>>
      tpu.wait_dma2 semaphore(%run_scoped3A : memref<!tpu.dma_semaphore, #tpu.memory_space<semaphore_mem>>) src(%arg10 : memref<128x128xf32, #tpu.memory_space<vmem>>) dst(%dma_wait3A_76 : memref<128x128xf32, #tpu.memory_space<vmem_shared>>)
      tpu.yield
    }) : () -> ()
    %mul3A_5 = arith.constant 640 : i32
    %mul3A_6 = arith.muli %arg1, %mul3A_5 : i32
    %add3A_7 = arith.constant 128 : i32
    %add3A_8 = arith.addi %mul3A_6, %add3A_7 : i32
    "tpu.region"() ({
      %run_scoped3A = tpu.sem_alloc : memref<!tpu.dma_semaphore, #tpu.memory_space<semaphore_mem>>
      %dma_start3A_70 = arith.constant 0 : i32
      %dma_start3A_71 = tpu.memref_slice %arg7[%add3A_8, %dma_start3A_70] : memref<10240x128xf32, #tpu.memory_space<vmem_shared>> -> memref<128x128xf32, #tpu.memory_space<vmem_shared>>
      %dma_start3A_72 = arith.constant 0 : i32
      %dma_start3A_73 = tpu.memref_slice %arg7[%add3A_8, %dma_start3A_72] : memref<10240x128xf32, #tpu.memory_space<vmem_shared>> -> memref<128x128xf32, #tpu.memory_space<vmem_shared>>
      tpu.enqueue_dma source(%arg10 : memref<128x128xf32, #tpu.memory_space<vmem>>) target(%dma_start3A_73 : memref<128x128xf32, #tpu.memory_space<vmem_shared>>) target_semaphore(%run_scoped3A : memref<!tpu.dma_semaphore, #tpu.memory_space<semaphore_mem>>)
      %dma_wait3A = arith.constant 0 : i32
      %dma_wait3A_74 = tpu.memref_slice %arg7[%add3A_8, %dma_wait3A] : memref<10240x128xf32, #tpu.memory_space<vmem_shared>> -> memref<128x128xf32, #tpu.memory_space<vmem_shared>>
      %dma_wait3A_75 = arith.constant 0 : i32
      %dma_wait3A_76 = tpu.memref_slice %arg7[%add3A_8, %dma_wait3A_75] : memref<10240x128xf32, #tpu.memory_space<vmem_shared>> -> memref<128x128xf32, #tpu.memory_space<vmem_shared>>
      tpu.wait_dma2 semaphore(%run_scoped3A : memref<!tpu.dma_semaphore, #tpu.memory_space<semaphore_mem>>) src(%arg10 : memref<128x128xf32, #tpu.memory_space<vmem>>) dst(%dma_wait3A_76 : memref<128x128xf32, #tpu.memory_space<vmem_shared>>)
      tpu.yield
    }) : () -> ()
    %mul3A_9 = arith.constant 640 : i32
    %mul3A_10 = arith.muli %arg1, %mul3A_9 : i32
    %add3A_11 = arith.constant 256 : i32
    %add3A_12 = arith.addi %mul3A_10, %add3A_11 : i32
    "tpu.region"() ({
      %run_scoped3A = tpu.sem_alloc : memref<!tpu.dma_semaphore, #tpu.memory_space<semaphore_mem>>
      %dma_start3A_70 = arith.constant 0 : i32
      %dma_start3A_71 = tpu.memref_slice %arg7[%add3A_12, %dma_start3A_70] : memref<10240x128xf32, #tpu.memory_space<vmem_shared>> -> memref<128x128xf32, #tpu.memory_space<vmem_shared>>
      %dma_start3A_72 = arith.constant 0 : i32
      %dma_start3A_73 = tpu.memref_slice %arg7[%add3A_12, %dma_start3A_72] : memref<10240x128xf32, #tpu.memory_space<vmem_shared>> -> memref<128x128xf32, #tpu.memory_space<vmem_shared>>
      tpu.enqueue_dma source(%arg10 : memref<128x128xf32, #tpu.memory_space<vmem>>) target(%dma_start3A_73 : memref<128x128xf32, #tpu.memory_space<vmem_shared>>) target_semaphore(%run_scoped3A : memref<!tpu.dma_semaphore, #tpu.memory_space<semaphore_mem>>)
      %dma_wait3A = arith.constant 0 : i32
      %dma_wait3A_74 = tpu.memref_slice %arg7[%add3A_12, %dma_wait3A] : memref<10240x128xf32, #tpu.memory_space<vmem_shared>> -> memref<128x128xf32, #tpu.memory_space<vmem_shared>>
      %dma_wait3A_75 = arith.constant 0 : i32
      %dma_wait3A_76 = tpu.memref_slice %arg7[%add3A_12, %dma_wait3A_75] : memref<10240x128xf32, #tpu.memory_space<vmem_shared>> -> memref<128x128xf32, #tpu.memory_space<vmem_shared>>
      tpu.wait_dma2 semaphore(%run_scoped3A : memref<!tpu.dma_semaphore, #tpu.memory_space<semaphore_mem>>) src(%arg10 : memref<128x128xf32, #tpu.memory_space<vmem>>) dst(%dma_wait3A_76 : memref<128x128xf32, #tpu.memory_space<vmem_shared>>)
      tpu.yield
    }) : () -> ()
    %mul3A_13 = arith.constant 640 : i32
    %mul3A_14 = arith.muli %arg1, %mul3A_13 : i32
    %add3A_15 = arith.constant 384 : i32
    %add3A_16 = arith.addi %mul3A_14, %add3A_15 : i32
    "tpu.region"() ({
      %run_scoped3A = tpu.sem_alloc : memref<!tpu.dma_semaphore, #tpu.memory_space<semaphore_mem>>
      %dma_start3A_70 = arith.constant 0 : i32
      %dma_start3A_71 = tpu.memref_slice %arg7[%add3A_16, %dma_start3A_70] : memref<10240x128xf32, #tpu.memory_space<vmem_shared>> -> memref<128x128xf32, #tpu.memory_space<vmem_shared>>
      %dma_start3A_72 = arith.constant 0 : i32
      %dma_start3A_73 = tpu.memref_slice %arg7[%add3A_16, %dma_start3A_72] : memref<10240x128xf32, #tpu.memory_space<vmem_shared>> -> memref<128x128xf32, #tpu.memory_space<vmem_shared>>
      tpu.enqueue_dma source(%arg10 : memref<128x128xf32, #tpu.memory_space<vmem>>) target(%dma_start3A_73 : memref<128x128xf32, #tpu.memory_space<vmem_shared>>) target_semaphore(%run_scoped3A : memref<!tpu.dma_semaphore, #tpu.memory_space<semaphore_mem>>)
      %dma_wait3A = arith.constant 0 : i32
      %dma_wait3A_74 = tpu.memref_slice %arg7[%add3A_16, %dma_wait3A] : memref<10240x128xf32, #tpu.memory_space<vmem_shared>> -> memref<128x128xf32, #tpu.memory_space<vmem_shared>>
      %dma_wait3A_75 = arith.constant 0 : i32
      %dma_wait3A_76 = tpu.memref_slice %arg7[%add3A_16, %dma_wait3A_75] : memref<10240x128xf32, #tpu.memory_space<vmem_shared>> -> memref<128x128xf32, #tpu.memory_space<vmem_shared>>
      tpu.wait_dma2 semaphore(%run_scoped3A : memref<!tpu.dma_semaphore, #tpu.memory_space<semaphore_mem>>) src(%arg10 : memref<128x128xf32, #tpu.memory_space<vmem>>) dst(%dma_wait3A_76 : memref<128x128xf32, #tpu.memory_space<vmem_shared>>)
      tpu.yield
    }) : () -> ()
    %mul3A_17 = arith.constant 640 : i32
    %mul3A_18 = arith.muli %arg1, %mul3A_17 : i32
    %add3A_19 = arith.constant 512 : i32
    %add3A_20 = arith.addi %mul3A_18, %add3A_19 : i32
    "tpu.region"() ({
      %run_scoped3A = tpu.sem_alloc : memref<!tpu.dma_semaphore, #tpu.memory_space<semaphore_mem>>
      %dma_start3A_70 = arith.constant 0 : i32
      %dma_start3A_71 = tpu.memref_slice %arg7[%add3A_20, %dma_start3A_70] : memref<10240x128xf32, #tpu.memory_space<vmem_shared>> -> memref<128x128xf32, #tpu.memory_space<vmem_shared>>
      %dma_start3A_72 = arith.constant 0 : i32
      %dma_start3A_73 = tpu.memref_slice %arg7[%add3A_20, %dma_start3A_72] : memref<10240x128xf32, #tpu.memory_space<vmem_shared>> -> memref<128x128xf32, #tpu.memory_space<vmem_shared>>
      tpu.enqueue_dma source(%arg10 : memref<128x128xf32, #tpu.memory_space<vmem>>) target(%dma_start3A_73 : memref<128x128xf32, #tpu.memory_space<vmem_shared>>) target_semaphore(%run_scoped3A : memref<!tpu.dma_semaphore, #tpu.memory_space<semaphore_mem>>)
      %dma_wait3A = arith.constant 0 : i32
      %dma_wait3A_74 = tpu.memref_slice %arg7[%add3A_20, %dma_wait3A] : memref<10240x128xf32, #tpu.memory_space<vmem_shared>> -> memref<128x128xf32, #tpu.memory_space<vmem_shared>>
      %dma_wait3A_75 = arith.constant 0 : i32
      %dma_wait3A_76 = tpu.memref_slice %arg7[%add3A_20, %dma_wait3A_75] : memref<10240x128xf32, #tpu.memory_space<vmem_shared>> -> memref<128x128xf32, #tpu.memory_space<vmem_shared>>
      tpu.wait_dma2 semaphore(%run_scoped3A : memref<!tpu.dma_semaphore, #tpu.memory_space<semaphore_mem>>) src(%arg10 : memref<128x128xf32, #tpu.memory_space<vmem>>) dst(%dma_wait3A_76 : memref<128x128xf32, #tpu.memory_space<vmem_shared>>)
      tpu.yield
    }) : () -> ()
    %barrier3A = arith.constant 0 : index
    tpu.barrier barrier_id(%barrier3A)
    %mul3A_21 = arith.constant 80 : i32
    %mul3A_22 = arith.muli %add3A, %mul3A_21 : i32
    %add3A_23 = arith.constant 0 : i32
    %add3A_24 = arith.addi %mul3A_22, %add3A_23 : i32
    "tpu.region"() ({
      %run_scoped3A = tpu.sem_alloc : memref<!tpu.dma_semaphore, #tpu.memory_space<semaphore_mem>>
      %dma_start3A_70 = arith.constant 0 : i32
      %dma_start3A_71 = tpu.memref_slice %arg3[%add3A_24, %dma_start3A_70] : memref<2560x128xi32, #tpu.memory_space<hbm>> -> memref<40x128xi32, #tpu.memory_space<hbm>>
      %dma_start3A_72 = arith.constant 0 : i32
      %dma_start3A_73 = tpu.memref_slice %arg3[%add3A_24, %dma_start3A_72] : memref<2560x128xi32, #tpu.memory_space<hbm>> -> memref<40x128xi32, #tpu.memory_space<hbm>>
      tpu.enqueue_dma source(%dma_start3A_73 : memref<40x128xi32, #tpu.memory_space<hbm>>) target(%arg8 : memref<40x128xi32, #tpu.memory_space<vmem>>) target_semaphore(%run_scoped3A : memref<!tpu.dma_semaphore, #tpu.memory_space<semaphore_mem>>)
      %dma_wait3A = arith.constant 0 : i32
      %dma_wait3A_74 = tpu.memref_slice %arg3[%add3A_24, %dma_wait3A] : memref<2560x128xi32, #tpu.memory_space<hbm>> -> memref<40x128xi32, #tpu.memory_space<hbm>>
      %dma_wait3A_75 = arith.constant 0 : i32
      %dma_wait3A_76 = tpu.memref_slice %arg3[%add3A_24, %dma_wait3A_75] : memref<2560x128xi32, #tpu.memory_space<hbm>> -> memref<40x128xi32, #tpu.memory_space<hbm>>
      tpu.wait_dma2 semaphore(%run_scoped3A : memref<!tpu.dma_semaphore, #tpu.memory_space<semaphore_mem>>) src(%dma_wait3A_76 : memref<40x128xi32, #tpu.memory_space<hbm>>) dst(%arg8 : memref<40x128xi32, #tpu.memory_space<vmem>>)
      tpu.yield
    }) : () -> ()
    "tpu.region"() ({
      %run_scoped3A = tpu.sem_alloc : memref<!tpu.dma_semaphore, #tpu.memory_space<semaphore_mem>>
      %dma_start3A_70 = arith.constant 0 : i32
      %dma_start3A_71 = tpu.memref_slice %arg4[%add3A_24, %dma_start3A_70] : memref<2560x128xi32, #tpu.memory_space<hbm>> -> memref<40x128xi32, #tpu.memory_space<hbm>>
      %dma_start3A_72 = arith.constant 0 : i32
      %dma_start3A_73 = tpu.memref_slice %arg4[%add3A_24, %dma_start3A_72] : memref<2560x128xi32, #tpu.memory_space<hbm>> -> memref<40x128xi32, #tpu.memory_space<hbm>>
      tpu.enqueue_dma source(%dma_start3A_73 : memref<40x128xi32, #tpu.memory_space<hbm>>) target(%arg9 : memref<40x128xi32, #tpu.memory_space<vmem>>) target_semaphore(%run_scoped3A : memref<!tpu.dma_semaphore, #tpu.memory_space<semaphore_mem>>)
      %dma_wait3A = arith.constant 0 : i32
      %dma_wait3A_74 = tpu.memref_slice %arg4[%add3A_24, %dma_wait3A] : memref<2560x128xi32, #tpu.memory_space<hbm>> -> memref<40x128xi32, #tpu.memory_space<hbm>>
      %dma_wait3A_75 = arith.constant 0 : i32
      %dma_wait3A_76 = tpu.memref_slice %arg4[%add3A_24, %dma_wait3A_75] : memref<2560x128xi32, #tpu.memory_space<hbm>> -> memref<40x128xi32, #tpu.memory_space<hbm>>
      tpu.wait_dma2 semaphore(%run_scoped3A : memref<!tpu.dma_semaphore, #tpu.memory_space<semaphore_mem>>) src(%dma_wait3A_76 : memref<40x128xi32, #tpu.memory_space<hbm>>) dst(%arg9 : memref<40x128xi32, #tpu.memory_space<vmem>>)
      tpu.yield
    }) : () -> ()
    %dma_start3A = arith.constant 0 : i32
    %dma_start3A_25 = arith.constant 0 : i32
    %dma_start3A_26 = tpu.memref_slice %arg8[%dma_start3A, %dma_start3A_25] : memref<40x128xi32, #tpu.memory_space<vmem>> -> memref<1x128xi32, #tpu.memory_space<vmem>>
    %dma_start3A_27 = tpu.memref_squeeze %dma_start3A_26 : memref<1x128xi32, #tpu.memory_space<vmem>> -> memref<128xi32, #tpu.memory_space<vmem>>
    %dma_start3A_28 = arith.constant 0 : i32
    %dma_start3A_29 = arith.constant 0 : i32
    %dma_start3A_30 = tpu.memref_slice %arg2[%dma_start3A_28, %dma_start3A_29] : memref<10240x128xf32, #tpu.memory_space<hbm>> -> memref<10240x128xf32, #tpu.memory_space<hbm>>
    tpu.enqueue_indirect_dma source(%dma_start3A_30 : memref<10240x128xf32, #tpu.memory_space<hbm>>) target(%arg10 : memref<128x128xf32, #tpu.memory_space<vmem>>) offsets(%dma_start3A_27 : memref<128xi32, #tpu.memory_space<vmem>>) semaphore(%arg12 : memref<!tpu.dma_semaphore, #tpu.memory_space<semaphore_mem>>)
    %dma_start3A_31 = arith.constant 1 : i32
    %dma_start3A_32 = arith.constant 0 : i32
    %dma_start3A_33 = tpu.memref_slice %arg8[%dma_start3A_31, %dma_start3A_32] : memref<40x128xi32, #tpu.memory_space<vmem>> -> memref<1x128xi32, #tpu.memory_space<vmem>>
    %dma_start3A_34 = tpu.memref_squeeze %dma_start3A_33 : memref<1x128xi32, #tpu.memory_space<vmem>> -> memref<128xi32, #tpu.memory_space<vmem>>
    %dma_start3A_35 = arith.constant 0 : i32
    %dma_start3A_36 = arith.constant 0 : i32
    %dma_start3A_37 = tpu.memref_slice %arg2[%dma_start3A_35, %dma_start3A_36] : memref<10240x128xf32, #tpu.memory_space<hbm>> -> memref<10240x128xf32, #tpu.memory_space<hbm>>
    tpu.enqueue_indirect_dma source(%dma_start3A_37 : memref<10240x128xf32, #tpu.memory_space<hbm>>) target(%arg11 : memref<128x128xf32, #tpu.memory_space<vmem>>) offsets(%dma_start3A_34 : memref<128xi32, #tpu.memory_space<vmem>>) semaphore(%arg13 : memref<!tpu.dma_semaphore, #tpu.memory_space<semaphore_mem>>)
    %scan3A = arith.constant 0 : i32
    %scan3A_38 = arith.constant 20 : i32
    %scan3A_39 = arith.addi %scan3A, %scan3A_38 : i32
    %scan3A_40 = arith.constant 1 : i32
    scf.for %scan3A_70 = %scan3A to %scan3A_39 step %scan3A_40  : i32 {
      %mul3A_71 = arith.constant 2 : i32
      %mul3A_72 = arith.muli %scan3A_70, %mul3A_71 : i32
      %add3A_73 = arith.constant 0 : i32
      %add3A_74 = arith.addi %add3A_73, %mul3A_72 : i32
      %dma_wait3A = arith.constant 0 : i32
      %dma_wait3A_75 = tpu.memref_slice %arg8[%add3A_74, %dma_wait3A] : memref<40x128xi32, #tpu.memory_space<vmem>> -> memref<1x128xi32, #tpu.memory_space<vmem>>
      %dma_wait3A_76 = tpu.memref_squeeze %dma_wait3A_75 : memref<1x128xi32, #tpu.memory_space<vmem>> -> memref<128xi32, #tpu.memory_space<vmem>>
      %dma_wait3A_77 = arith.constant 0 : i32
      %dma_wait3A_78 = arith.constant 0 : i32
      %dma_wait3A_79 = tpu.memref_slice %arg2[%dma_wait3A_77, %dma_wait3A_78] : memref<10240x128xf32, #tpu.memory_space<hbm>> -> memref<10240x128xf32, #tpu.memory_space<hbm>>
      tpu.wait_indirect_dma semaphore(%arg12 : memref<!tpu.dma_semaphore, #tpu.memory_space<semaphore_mem>>) src(%dma_wait3A_79 : memref<10240x128xf32, #tpu.memory_space<hbm>>) dst(%arg10 : memref<128x128xf32, #tpu.memory_space<vmem>>)
      %dma_start3A_80 = arith.constant 0 : i32
      %dma_start3A_81 = tpu.memref_slice %arg9[%add3A_74, %dma_start3A_80] : memref<40x128xi32, #tpu.memory_space<vmem>> -> memref<1x128xi32, #tpu.memory_space<vmem>>
      %dma_start3A_82 = tpu.memref_squeeze %dma_start3A_81 : memref<1x128xi32, #tpu.memory_space<vmem>> -> memref<128xi32, #tpu.memory_space<vmem>>
      %dma_start3A_83 = arith.constant 0 : i32
      %dma_start3A_84 = arith.constant 0 : i32
      %dma_start3A_85 = tpu.memref_slice %arg7[%dma_start3A_83, %dma_start3A_84] : memref<10240x128xf32, #tpu.memory_space<vmem_shared>> -> memref<10240x128xf32, #tpu.memory_space<vmem_shared>>
      tpu.enqueue_indirect_dma source(%arg10 : memref<128x128xf32, #tpu.memory_space<vmem>>) target(%dma_start3A_85 : memref<10240x128xf32, #tpu.memory_space<vmem_shared>>) offsets(%dma_start3A_82 : memref<128xi32, #tpu.memory_space<vmem>>) semaphore(%arg14 : memref<!tpu.dma_semaphore, #tpu.memory_space<semaphore_mem>>) {add = true}
      %add3A_86 = arith.constant 1 : i32
      %add3A_87 = arith.addi %add3A_74, %add3A_86 : i32
      %dma_wait3A_88 = arith.constant 0 : i32
      %dma_wait3A_89 = tpu.memref_slice %arg8[%add3A_87, %dma_wait3A_88] : memref<40x128xi32, #tpu.memory_space<vmem>> -> memref<1x128xi32, #tpu.memory_space<vmem>>
      %dma_wait3A_90 = tpu.memref_squeeze %dma_wait3A_89 : memref<1x128xi32, #tpu.memory_space<vmem>> -> memref<128xi32, #tpu.memory_space<vmem>>
      %dma_wait3A_91 = arith.constant 0 : i32
      %dma_wait3A_92 = arith.constant 0 : i32
      %dma_wait3A_93 = tpu.memref_slice %arg2[%dma_wait3A_91, %dma_wait3A_92] : memref<10240x128xf32, #tpu.memory_space<hbm>> -> memref<10240x128xf32, #tpu.memory_space<hbm>>
      tpu.wait_indirect_dma semaphore(%arg13 : memref<!tpu.dma_semaphore, #tpu.memory_space<semaphore_mem>>) src(%dma_wait3A_93 : memref<10240x128xf32, #tpu.memory_space<hbm>>) dst(%arg11 : memref<128x128xf32, #tpu.memory_space<vmem>>)
      %add3A_94 = arith.constant 1 : i32
      %add3A_95 = arith.addi %add3A_74, %add3A_94 : i32
      %dma_start3A_96 = arith.constant 0 : i32
      %dma_start3A_97 = tpu.memref_slice %arg9[%add3A_95, %dma_start3A_96] : memref<40x128xi32, #tpu.memory_space<vmem>> -> memref<1x128xi32, #tpu.memory_space<vmem>>
      %dma_start3A_98 = tpu.memref_squeeze %dma_start3A_97 : memref<1x128xi32, #tpu.memory_space<vmem>> -> memref<128xi32, #tpu.memory_space<vmem>>
      %dma_start3A_99 = arith.constant 0 : i32
      %dma_start3A_100 = arith.constant 0 : i32
      %dma_start3A_101 = tpu.memref_slice %arg7[%dma_start3A_99, %dma_start3A_100] : memref<10240x128xf32, #tpu.memory_space<vmem_shared>> -> memref<10240x128xf32, #tpu.memory_space<vmem_shared>>
      tpu.enqueue_indirect_dma source(%arg11 : memref<128x128xf32, #tpu.memory_space<vmem>>) target(%dma_start3A_101 : memref<10240x128xf32, #tpu.memory_space<vmem_shared>>) offsets(%dma_start3A_98 : memref<128xi32, #tpu.memory_space<vmem>>) semaphore(%arg15 : memref<!tpu.dma_semaphore, #tpu.memory_space<semaphore_mem>>) {add = true}
      %add3A_102 = arith.constant 2 : i32
      %add3A_103 = arith.addi %add3A_74, %add3A_102 : i32
      %lt3A = arith.constant 40 : i32
      %lt3A_104 = arith.cmpi slt, %add3A_103, %lt3A : i32
      %convert_element_type3A = arith.extui %lt3A_104 : i1 to i32
      %cond3A = arith.constant 0 : i32
      %cond3A_105 = arith.cmpi ne, %convert_element_type3A, %cond3A : i32
      scf.if %cond3A_105 {
        %dma_wait3A_112 = arith.constant 0 : i32
        %dma_wait3A_113 = tpu.memref_slice %arg9[%add3A_74, %dma_wait3A_112] : memref<40x128xi32, #tpu.memory_space<vmem>> -> memref<1x128xi32, #tpu.memory_space<vmem>>
        %dma_wait3A_114 = tpu.memref_squeeze %dma_wait3A_113 : memref<1x128xi32, #tpu.memory_space<vmem>> -> memref<128xi32, #tpu.memory_space<vmem>>
        %dma_wait3A_115 = arith.constant 0 : i32
        %dma_wait3A_116 = arith.constant 0 : i32
        %dma_wait3A_117 = tpu.memref_slice %arg7[%dma_wait3A_115, %dma_wait3A_116] : memref<10240x128xf32, #tpu.memory_space<vmem_shared>> -> memref<10240x128xf32, #tpu.memory_space<vmem_shared>>
        tpu.wait_indirect_dma semaphore(%arg14 : memref<!tpu.dma_semaphore, #tpu.memory_space<semaphore_mem>>) src(%arg10 : memref<128x128xf32, #tpu.memory_space<vmem>>) dst(%dma_wait3A_117 : memref<10240x128xf32, #tpu.memory_space<vmem_shared>>)
        %add3A_118 = arith.constant 2 : i32
        %add3A_119 = arith.addi %add3A_74, %add3A_118 : i32
        %dma_start3A_120 = arith.constant 0 : i32
        %dma_start3A_121 = tpu.memref_slice %arg8[%add3A_119, %dma_start3A_120] : memref<40x128xi32, #tpu.memory_space<vmem>> -> memref<1x128xi32, #tpu.memory_space<vmem>>
        %dma_start3A_122 = tpu.memref_squeeze %dma_start3A_121 : memref<1x128xi32, #tpu.memory_space<vmem>> -> memref<128xi32, #tpu.memory_space<vmem>>
        %dma_start3A_123 = arith.constant 0 : i32
        %dma_start3A_124 = arith.constant 0 : i32
        %dma_start3A_125 = tpu.memref_slice %arg2[%dma_start3A_123, %dma_start3A_124] : memref<10240x128xf32, #tpu.memory_space<hbm>> -> memref<10240x128xf32, #tpu.memory_space<hbm>>
        tpu.enqueue_indirect_dma source(%dma_start3A_125 : memref<10240x128xf32, #tpu.memory_space<hbm>>) target(%arg10 : memref<128x128xf32, #tpu.memory_space<vmem>>) offsets(%dma_start3A_122 : memref<128xi32, #tpu.memory_space<vmem>>) semaphore(%arg12 : memref<!tpu.dma_semaphore, #tpu.memory_space<semaphore_mem>>)
        %dma_wait3A_126 = arith.constant 0 : i32
        %dma_wait3A_127 = tpu.memref_slice %arg9[%add3A_95, %dma_wait3A_126] : memref<40x128xi32, #tpu.memory_space<vmem>> -> memref<1x128xi32, #tpu.memory_space<vmem>>
        %dma_wait3A_128 = tpu.memref_squeeze %dma_wait3A_127 : memref<1x128xi32, #tpu.memory_space<vmem>> -> memref<128xi32, #tpu.memory_space<vmem>>
        %dma_wait3A_129 = arith.constant 0 : i32
        %dma_wait3A_130 = arith.constant 0 : i32
        %dma_wait3A_131 = tpu.memref_slice %arg7[%dma_wait3A_129, %dma_wait3A_130] : memref<10240x128xf32, #tpu.memory_space<vmem_shared>> -> memref<10240x128xf32, #tpu.memory_space<vmem_shared>>
        tpu.wait_indirect_dma semaphore(%arg15 : memref<!tpu.dma_semaphore, #tpu.memory_space<semaphore_mem>>) src(%arg11 : memref<128x128xf32, #tpu.memory_space<vmem>>) dst(%dma_wait3A_131 : memref<10240x128xf32, #tpu.memory_space<vmem_shared>>)
        %add3A_132 = arith.constant 3 : i32
        %add3A_133 = arith.addi %add3A_74, %add3A_132 : i32
        %dma_start3A_134 = arith.constant 0 : i32
        %dma_start3A_135 = tpu.memref_slice %arg8[%add3A_133, %dma_start3A_134] : memref<40x128xi32, #tpu.memory_space<vmem>> -> memref<1x128xi32, #tpu.memory_space<vmem>>
        %dma_start3A_136 = tpu.memref_squeeze %dma_start3A_135 : memref<1x128xi32, #tpu.memory_space<vmem>> -> memref<128xi32, #tpu.memory_space<vmem>>
        %dma_start3A_137 = arith.constant 0 : i32
        %dma_start3A_138 = arith.constant 0 : i32
        %dma_start3A_139 = tpu.memref_slice %arg2[%dma_start3A_137, %dma_start3A_138] : memref<10240x128xf32, #tpu.memory_space<hbm>> -> memref<10240x128xf32, #tpu.memory_space<hbm>>
        tpu.enqueue_indirect_dma source(%dma_start3A_139 : memref<10240x128xf32, #tpu.memory_space<hbm>>) target(%arg11 : memref<128x128xf32, #tpu.memory_space<vmem>>) offsets(%dma_start3A_136 : memref<128xi32, #tpu.memory_space<vmem>>) semaphore(%arg13 : memref<!tpu.dma_semaphore, #tpu.memory_space<semaphore_mem>>)
      } else {
      }
      %add3A_106 = arith.constant 2 : i32
      %add3A_107 = arith.addi %add3A_74, %add3A_106 : i32
      %ge3A = arith.constant 40 : i32
      %ge3A_108 = arith.cmpi sge, %add3A_107, %ge3A : i32
      %convert_element_type3A_109 = arith.extui %ge3A_108 : i1 to i32
      %cond3A_110 = arith.constant 0 : i32
      %cond3A_111 = arith.cmpi ne, %convert_element_type3A_109, %cond3A_110 : i32
      scf.if %cond3A_111 {
        %dma_wait3A_112 = arith.constant 0 : i32
        %dma_wait3A_113 = tpu.memref_slice %arg9[%add3A_74, %dma_wait3A_112] : memref<40x128xi32, #tpu.memory_space<vmem>> -> memref<1x128xi32, #tpu.memory_space<vmem>>
        %dma_wait3A_114 = tpu.memref_squeeze %dma_wait3A_113 : memref<1x128xi32, #tpu.memory_space<vmem>> -> memref<128xi32, #tpu.memory_space<vmem>>
        %dma_wait3A_115 = arith.constant 0 : i32
        %dma_wait3A_116 = arith.constant 0 : i32
        %dma_wait3A_117 = tpu.memref_slice %arg7[%dma_wait3A_115, %dma_wait3A_116] : memref<10240x128xf32, #tpu.memory_space<vmem_shared>> -> memref<10240x128xf32, #tpu.memory_space<vmem_shared>>
        tpu.wait_indirect_dma semaphore(%arg14 : memref<!tpu.dma_semaphore, #tpu.memory_space<semaphore_mem>>) src(%arg10 : memref<128x128xf32, #tpu.memory_space<vmem>>) dst(%dma_wait3A_117 : memref<10240x128xf32, #tpu.memory_space<vmem_shared>>)
        %dma_wait3A_118 = arith.constant 0 : i32
        %dma_wait3A_119 = tpu.memref_slice %arg9[%add3A_95, %dma_wait3A_118] : memref<40x128xi32, #tpu.memory_space<vmem>> -> memref<1x128xi32, #tpu.memory_space<vmem>>
        %dma_wait3A_120 = tpu.memref_squeeze %dma_wait3A_119 : memref<1x128xi32, #tpu.memory_space<vmem>> -> memref<128xi32, #tpu.memory_space<vmem>>
        %dma_wait3A_121 = arith.constant 0 : i32
        %dma_wait3A_122 = arith.constant 0 : i32
        %dma_wait3A_123 = tpu.memref_slice %arg7[%dma_wait3A_121, %dma_wait3A_122] : memref<10240x128xf32, #tpu.memory_space<vmem_shared>> -> memref<10240x128xf32, #tpu.memory_space<vmem_shared>>
        tpu.wait_indirect_dma semaphore(%arg15 : memref<!tpu.dma_semaphore, #tpu.memory_space<semaphore_mem>>) src(%arg11 : memref<128x128xf32, #tpu.memory_space<vmem>>) dst(%dma_wait3A_123 : memref<10240x128xf32, #tpu.memory_space<vmem_shared>>)
      } else {
      }
    }
    %scan3A_41 = arith.constant 20 : i32
    %mul3A_42 = arith.constant 80 : i32
    %mul3A_43 = arith.muli %add3A, %mul3A_42 : i32
    %add3A_44 = arith.constant 40 : i32
    %add3A_45 = arith.addi %mul3A_43, %add3A_44 : i32
    "tpu.region"() ({
      %run_scoped3A = tpu.sem_alloc : memref<!tpu.dma_semaphore, #tpu.memory_space<semaphore_mem>>
      %dma_start3A_70 = arith.constant 0 : i32
      %dma_start3A_71 = tpu.memref_slice %arg3[%add3A_45, %dma_start3A_70] : memref<2560x128xi32, #tpu.memory_space<hbm>> -> memref<40x128xi32, #tpu.memory_space<hbm>>
      %dma_start3A_72 = arith.constant 0 : i32
      %dma_start3A_73 = tpu.memref_slice %arg3[%add3A_45, %dma_start3A_72] : memref<2560x128xi32, #tpu.memory_space<hbm>> -> memref<40x128xi32, #tpu.memory_space<hbm>>
      tpu.enqueue_dma source(%dma_start3A_73 : memref<40x128xi32, #tpu.memory_space<hbm>>) target(%arg8 : memref<40x128xi32, #tpu.memory_space<vmem>>) target_semaphore(%run_scoped3A : memref<!tpu.dma_semaphore, #tpu.memory_space<semaphore_mem>>)
      %dma_wait3A = arith.constant 0 : i32
      %dma_wait3A_74 = tpu.memref_slice %arg3[%add3A_45, %dma_wait3A] : memref<2560x128xi32, #tpu.memory_space<hbm>> -> memref<40x128xi32, #tpu.memory_space<hbm>>
      %dma_wait3A_75 = arith.constant 0 : i32
      %dma_wait3A_76 = tpu.memref_slice %arg3[%add3A_45, %dma_wait3A_75] : memref<2560x128xi32, #tpu.memory_space<hbm>> -> memref<40x128xi32, #tpu.memory_space<hbm>>
      tpu.wait_dma2 semaphore(%run_scoped3A : memref<!tpu.dma_semaphore, #tpu.memory_space<semaphore_mem>>) src(%dma_wait3A_76 : memref<40x128xi32, #tpu.memory_space<hbm>>) dst(%arg8 : memref<40x128xi32, #tpu.memory_space<vmem>>)
      tpu.yield
    }) : () -> ()
    "tpu.region"() ({
      %run_scoped3A = tpu.sem_alloc : memref<!tpu.dma_semaphore, #tpu.memory_space<semaphore_mem>>
      %dma_start3A_70 = arith.constant 0 : i32
      %dma_start3A_71 = tpu.memref_slice %arg4[%add3A_45, %dma_start3A_70] : memref<2560x128xi32, #tpu.memory_space<hbm>> -> memref<40x128xi32, #tpu.memory_space<hbm>>
      %dma_start3A_72 = arith.constant 0 : i32
      %dma_start3A_73 = tpu.memref_slice %arg4[%add3A_45, %dma_start3A_72] : memref<2560x128xi32, #tpu.memory_space<hbm>> -> memref<40x128xi32, #tpu.memory_space<hbm>>
      tpu.enqueue_dma source(%dma_start3A_73 : memref<40x128xi32, #tpu.memory_space<hbm>>) target(%arg9 : memref<40x128xi32, #tpu.memory_space<vmem>>) target_semaphore(%run_scoped3A : memref<!tpu.dma_semaphore, #tpu.memory_space<semaphore_mem>>)
      %dma_wait3A = arith.constant 0 : i32
      %dma_wait3A_74 = tpu.memref_slice %arg4[%add3A_45, %dma_wait3A] : memref<2560x128xi32, #tpu.memory_space<hbm>> -> memref<40x128xi32, #tpu.memory_space<hbm>>
      %dma_wait3A_75 = arith.constant 0 : i32
      %dma_wait3A_76 = tpu.memref_slice %arg4[%add3A_45, %dma_wait3A_75] : memref<2560x128xi32, #tpu.memory_space<hbm>> -> memref<40x128xi32, #tpu.memory_space<hbm>>
      tpu.wait_dma2 semaphore(%run_scoped3A : memref<!tpu.dma_semaphore, #tpu.memory_space<semaphore_mem>>) src(%dma_wait3A_76 : memref<40x128xi32, #tpu.memory_space<hbm>>) dst(%arg9 : memref<40x128xi32, #tpu.memory_space<vmem>>)
      tpu.yield
    }) : () -> ()
    %dma_start3A_46 = arith.constant 0 : i32
    %dma_start3A_47 = arith.constant 0 : i32
    %dma_start3A_48 = tpu.memref_slice %arg8[%dma_start3A_46, %dma_start3A_47] : memref<40x128xi32, #tpu.memory_space<vmem>> -> memref<1x128xi32, #tpu.memory_space<vmem>>
    %dma_start3A_49 = tpu.memref_squeeze %dma_start3A_48 : memref<1x128xi32, #tpu.memory_space<vmem>> -> memref<128xi32, #tpu.memory_space<vmem>>
    %dma_start3A_50 = arith.constant 0 : i32
    %dma_start3A_51 = arith.constant 0 : i32
    %dma_start3A_52 = tpu.memref_slice %arg2[%dma_start3A_50, %dma_start3A_51] : memref<10240x128xf32, #tpu.memory_space<hbm>> -> memref<10240x128xf32, #tpu.memory_space<hbm>>
    tpu.enqueue_indirect_dma source(%dma_start3A_52 : memref<10240x128xf32, #tpu.memory_space<hbm>>) target(%arg10 : memref<128x128xf32, #tpu.memory_space<vmem>>) offsets(%dma_start3A_49 : memref<128xi32, #tpu.memory_space<vmem>>) semaphore(%arg12 : memref<!tpu.dma_semaphore, #tpu.memory_space<semaphore_mem>>)
    %dma_start3A_53 = arith.constant 1 : i32
    %dma_start3A_54 = arith.constant 0 : i32
    %dma_start3A_55 = tpu.memref_slice %arg8[%dma_start3A_53, %dma_start3A_54] : memref<40x128xi32, #tpu.memory_space<vmem>> -> memref<1x128xi32, #tpu.memory_space<vmem>>
    %dma_start3A_56 = tpu.memref_squeeze %dma_start3A_55 : memref<1x128xi32, #tpu.memory_space<vmem>> -> memref<128xi32, #tpu.memory_space<vmem>>
    %dma_start3A_57 = arith.constant 0 : i32
    %dma_start3A_58 = arith.constant 0 : i32
    %dma_start3A_59 = tpu.memref_slice %arg2[%dma_start3A_57, %dma_start3A_58] : memref<10240x128xf32, #tpu.memory_space<hbm>> -> memref<10240x128xf32, #tpu.memory_space<hbm>>
    tpu.enqueue_indirect_dma source(%dma_start3A_59 : memref<10240x128xf32, #tpu.memory_space<hbm>>) target(%arg11 : memref<128x128xf32, #tpu.memory_space<vmem>>) offsets(%dma_start3A_56 : memref<128xi32, #tpu.memory_space<vmem>>) semaphore(%arg13 : memref<!tpu.dma_semaphore, #tpu.memory_space<semaphore_mem>>)
    %scan3A_60 = arith.constant 0 : i32
    %scan3A_61 = arith.constant 20 : i32
    %scan3A_62 = arith.addi %scan3A_60, %scan3A_61 : i32
    %scan3A_63 = arith.constant 1 : i32
    scf.for %scan3A_70 = %scan3A_60 to %scan3A_62 step %scan3A_63  : i32 {
      %mul3A_71 = arith.constant 2 : i32
      %mul3A_72 = arith.muli %scan3A_70, %mul3A_71 : i32
      %add3A_73 = arith.constant 0 : i32
      %add3A_74 = arith.addi %add3A_73, %mul3A_72 : i32
      %dma_wait3A = arith.constant 0 : i32
      %dma_wait3A_75 = tpu.memref_slice %arg8[%add3A_74, %dma_wait3A] : memref<40x128xi32, #tpu.memory_space<vmem>> -> memref<1x128xi32, #tpu.memory_space<vmem>>
      %dma_wait3A_76 = tpu.memref_squeeze %dma_wait3A_75 : memref<1x128xi32, #tpu.memory_space<vmem>> -> memref<128xi32, #tpu.memory_space<vmem>>
      %dma_wait3A_77 = arith.constant 0 : i32
      %dma_wait3A_78 = arith.constant 0 : i32
      %dma_wait3A_79 = tpu.memref_slice %arg2[%dma_wait3A_77, %dma_wait3A_78] : memref<10240x128xf32, #tpu.memory_space<hbm>> -> memref<10240x128xf32, #tpu.memory_space<hbm>>
      tpu.wait_indirect_dma semaphore(%arg12 : memref<!tpu.dma_semaphore, #tpu.memory_space<semaphore_mem>>) src(%dma_wait3A_79 : memref<10240x128xf32, #tpu.memory_space<hbm>>) dst(%arg10 : memref<128x128xf32, #tpu.memory_space<vmem>>)
      %dma_start3A_80 = arith.constant 0 : i32
      %dma_start3A_81 = tpu.memref_slice %arg9[%add3A_74, %dma_start3A_80] : memref<40x128xi32, #tpu.memory_space<vmem>> -> memref<1x128xi32, #tpu.memory_space<vmem>>
      %dma_start3A_82 = tpu.memref_squeeze %dma_start3A_81 : memref<1x128xi32, #tpu.memory_space<vmem>> -> memref<128xi32, #tpu.memory_space<vmem>>
      %dma_start3A_83 = arith.constant 0 : i32
      %dma_start3A_84 = arith.constant 0 : i32
      %dma_start3A_85 = tpu.memref_slice %arg7[%dma_start3A_83, %dma_start3A_84] : memref<10240x128xf32, #tpu.memory_space<vmem_shared>> -> memref<10240x128xf32, #tpu.memory_space<vmem_shared>>
      tpu.enqueue_indirect_dma source(%arg10 : memref<128x128xf32, #tpu.memory_space<vmem>>) target(%dma_start3A_85 : memref<10240x128xf32, #tpu.memory_space<vmem_shared>>) offsets(%dma_start3A_82 : memref<128xi32, #tpu.memory_space<vmem>>) semaphore(%arg14 : memref<!tpu.dma_semaphore, #tpu.memory_space<semaphore_mem>>) {add = true}
      %add3A_86 = arith.constant 1 : i32
      %add3A_87 = arith.addi %add3A_74, %add3A_86 : i32
      %dma_wait3A_88 = arith.constant 0 : i32
      %dma_wait3A_89 = tpu.memref_slice %arg8[%add3A_87, %dma_wait3A_88] : memref<40x128xi32, #tpu.memory_space<vmem>> -> memref<1x128xi32, #tpu.memory_space<vmem>>
      %dma_wait3A_90 = tpu.memref_squeeze %dma_wait3A_89 : memref<1x128xi32, #tpu.memory_space<vmem>> -> memref<128xi32, #tpu.memory_space<vmem>>
      %dma_wait3A_91 = arith.constant 0 : i32
      %dma_wait3A_92 = arith.constant 0 : i32
      %dma_wait3A_93 = tpu.memref_slice %arg2[%dma_wait3A_91, %dma_wait3A_92] : memref<10240x128xf32, #tpu.memory_space<hbm>> -> memref<10240x128xf32, #tpu.memory_space<hbm>>
      tpu.wait_indirect_dma semaphore(%arg13 : memref<!tpu.dma_semaphore, #tpu.memory_space<semaphore_mem>>) src(%dma_wait3A_93 : memref<10240x128xf32, #tpu.memory_space<hbm>>) dst(%arg11 : memref<128x128xf32, #tpu.memory_space<vmem>>)
      %add3A_94 = arith.constant 1 : i32
      %add3A_95 = arith.addi %add3A_74, %add3A_94 : i32
      %dma_start3A_96 = arith.constant 0 : i32
      %dma_start3A_97 = tpu.memref_slice %arg9[%add3A_95, %dma_start3A_96] : memref<40x128xi32, #tpu.memory_space<vmem>> -> memref<1x128xi32, #tpu.memory_space<vmem>>
      %dma_start3A_98 = tpu.memref_squeeze %dma_start3A_97 : memref<1x128xi32, #tpu.memory_space<vmem>> -> memref<128xi32, #tpu.memory_space<vmem>>
      %dma_start3A_99 = arith.constant 0 : i32
      %dma_start3A_100 = arith.constant 0 : i32
      %dma_start3A_101 = tpu.memref_slice %arg7[%dma_start3A_99, %dma_start3A_100] : memref<10240x128xf32, #tpu.memory_space<vmem_shared>> -> memref<10240x128xf32, #tpu.memory_space<vmem_shared>>
      tpu.enqueue_indirect_dma source(%arg11 : memref<128x128xf32, #tpu.memory_space<vmem>>) target(%dma_start3A_101 : memref<10240x128xf32, #tpu.memory_space<vmem_shared>>) offsets(%dma_start3A_98 : memref<128xi32, #tpu.memory_space<vmem>>) semaphore(%arg15 : memref<!tpu.dma_semaphore, #tpu.memory_space<semaphore_mem>>) {add = true}
      %add3A_102 = arith.constant 2 : i32
      %add3A_103 = arith.addi %add3A_74, %add3A_102 : i32
      %lt3A = arith.constant 40 : i32
      %lt3A_104 = arith.cmpi slt, %add3A_103, %lt3A : i32
      %convert_element_type3A = arith.extui %lt3A_104 : i1 to i32
      %cond3A = arith.constant 0 : i32
      %cond3A_105 = arith.cmpi ne, %convert_element_type3A, %cond3A : i32
      scf.if %cond3A_105 {
        %dma_wait3A_112 = arith.constant 0 : i32
        %dma_wait3A_113 = tpu.memref_slice %arg9[%add3A_74, %dma_wait3A_112] : memref<40x128xi32, #tpu.memory_space<vmem>> -> memref<1x128xi32, #tpu.memory_space<vmem>>
        %dma_wait3A_114 = tpu.memref_squeeze %dma_wait3A_113 : memref<1x128xi32, #tpu.memory_space<vmem>> -> memref<128xi32, #tpu.memory_space<vmem>>
        %dma_wait3A_115 = arith.constant 0 : i32
        %dma_wait3A_116 = arith.constant 0 : i32
        %dma_wait3A_117 = tpu.memref_slice %arg7[%dma_wait3A_115, %dma_wait3A_116] : memref<10240x128xf32, #tpu.memory_space<vmem_shared>> -> memref<10240x128xf32, #tpu.memory_space<vmem_shared>>
        tpu.wait_indirect_dma semaphore(%arg14 : memref<!tpu.dma_semaphore, #tpu.memory_space<semaphore_mem>>) src(%arg10 : memref<128x128xf32, #tpu.memory_space<vmem>>) dst(%dma_wait3A_117 : memref<10240x128xf32, #tpu.memory_space<vmem_shared>>)
        %add3A_118 = arith.constant 2 : i32
        %add3A_119 = arith.addi %add3A_74, %add3A_118 : i32
        %dma_start3A_120 = arith.constant 0 : i32
        %dma_start3A_121 = tpu.memref_slice %arg8[%add3A_119, %dma_start3A_120] : memref<40x128xi32, #tpu.memory_space<vmem>> -> memref<1x128xi32, #tpu.memory_space<vmem>>
        %dma_start3A_122 = tpu.memref_squeeze %dma_start3A_121 : memref<1x128xi32, #tpu.memory_space<vmem>> -> memref<128xi32, #tpu.memory_space<vmem>>
        %dma_start3A_123 = arith.constant 0 : i32
        %dma_start3A_124 = arith.constant 0 : i32
        %dma_start3A_125 = tpu.memref_slice %arg2[%dma_start3A_123, %dma_start3A_124] : memref<10240x128xf32, #tpu.memory_space<hbm>> -> memref<10240x128xf32, #tpu.memory_space<hbm>>
        tpu.enqueue_indirect_dma source(%dma_start3A_125 : memref<10240x128xf32, #tpu.memory_space<hbm>>) target(%arg10 : memref<128x128xf32, #tpu.memory_space<vmem>>) offsets(%dma_start3A_122 : memref<128xi32, #tpu.memory_space<vmem>>) semaphore(%arg12 : memref<!tpu.dma_semaphore, #tpu.memory_space<semaphore_mem>>)
        %dma_wait3A_126 = arith.constant 0 : i32
        %dma_wait3A_127 = tpu.memref_slice %arg9[%add3A_95, %dma_wait3A_126] : memref<40x128xi32, #tpu.memory_space<vmem>> -> memref<1x128xi32, #tpu.memory_space<vmem>>
        %dma_wait3A_128 = tpu.memref_squeeze %dma_wait3A_127 : memref<1x128xi32, #tpu.memory_space<vmem>> -> memref<128xi32, #tpu.memory_space<vmem>>
        %dma_wait3A_129 = arith.constant 0 : i32
        %dma_wait3A_130 = arith.constant 0 : i32
        %dma_wait3A_131 = tpu.memref_slice %arg7[%dma_wait3A_129, %dma_wait3A_130] : memref<10240x128xf32, #tpu.memory_space<vmem_shared>> -> memref<10240x128xf32, #tpu.memory_space<vmem_shared>>
        tpu.wait_indirect_dma semaphore(%arg15 : memref<!tpu.dma_semaphore, #tpu.memory_space<semaphore_mem>>) src(%arg11 : memref<128x128xf32, #tpu.memory_space<vmem>>) dst(%dma_wait3A_131 : memref<10240x128xf32, #tpu.memory_space<vmem_shared>>)
        %add3A_132 = arith.constant 3 : i32
        %add3A_133 = arith.addi %add3A_74, %add3A_132 : i32
        %dma_start3A_134 = arith.constant 0 : i32
        %dma_start3A_135 = tpu.memref_slice %arg8[%add3A_133, %dma_start3A_134] : memref<40x128xi32, #tpu.memory_space<vmem>> -> memref<1x128xi32, #tpu.memory_space<vmem>>
        %dma_start3A_136 = tpu.memref_squeeze %dma_start3A_135 : memref<1x128xi32, #tpu.memory_space<vmem>> -> memref<128xi32, #tpu.memory_space<vmem>>
        %dma_start3A_137 = arith.constant 0 : i32
        %dma_start3A_138 = arith.constant 0 : i32
        %dma_start3A_139 = tpu.memref_slice %arg2[%dma_start3A_137, %dma_start3A_138] : memref<10240x128xf32, #tpu.memory_space<hbm>> -> memref<10240x128xf32, #tpu.memory_space<hbm>>
        tpu.enqueue_indirect_dma source(%dma_start3A_139 : memref<10240x128xf32, #tpu.memory_space<hbm>>) target(%arg11 : memref<128x128xf32, #tpu.memory_space<vmem>>) offsets(%dma_start3A_136 : memref<128xi32, #tpu.memory_space<vmem>>) semaphore(%arg13 : memref<!tpu.dma_semaphore, #tpu.memory_space<semaphore_mem>>)
      } else {
      }
      %add3A_106 = arith.constant 2 : i32
      %add3A_107 = arith.addi %add3A_74, %add3A_106 : i32
      %ge3A = arith.constant 40 : i32
      %ge3A_108 = arith.cmpi sge, %add3A_107, %ge3A : i32
      %convert_element_type3A_109 = arith.extui %ge3A_108 : i1 to i32
      %cond3A_110 = arith.constant 0 : i32
      %cond3A_111 = arith.cmpi ne, %convert_element_type3A_109, %cond3A_110 : i32
      scf.if %cond3A_111 {
        %dma_wait3A_112 = arith.constant 0 : i32
        %dma_wait3A_113 = tpu.memref_slice %arg9[%add3A_74, %dma_wait3A_112] : memref<40x128xi32, #tpu.memory_space<vmem>> -> memref<1x128xi32, #tpu.memory_space<vmem>>
        %dma_wait3A_114 = tpu.memref_squeeze %dma_wait3A_113 : memref<1x128xi32, #tpu.memory_space<vmem>> -> memref<128xi32, #tpu.memory_space<vmem>>
        %dma_wait3A_115 = arith.constant 0 : i32
        %dma_wait3A_116 = arith.constant 0 : i32
        %dma_wait3A_117 = tpu.memref_slice %arg7[%dma_wait3A_115, %dma_wait3A_116] : memref<10240x128xf32, #tpu.memory_space<vmem_shared>> -> memref<10240x128xf32, #tpu.memory_space<vmem_shared>>
        tpu.wait_indirect_dma semaphore(%arg14 : memref<!tpu.dma_semaphore, #tpu.memory_space<semaphore_mem>>) src(%arg10 : memref<128x128xf32, #tpu.memory_space<vmem>>) dst(%dma_wait3A_117 : memref<10240x128xf32, #tpu.memory_space<vmem_shared>>)
        %dma_wait3A_118 = arith.constant 0 : i32
        %dma_wait3A_119 = tpu.memref_slice %arg9[%add3A_95, %dma_wait3A_118] : memref<40x128xi32, #tpu.memory_space<vmem>> -> memref<1x128xi32, #tpu.memory_space<vmem>>
        %dma_wait3A_120 = tpu.memref_squeeze %dma_wait3A_119 : memref<1x128xi32, #tpu.memory_space<vmem>> -> memref<128xi32, #tpu.memory_space<vmem>>
        %dma_wait3A_121 = arith.constant 0 : i32
        %dma_wait3A_122 = arith.constant 0 : i32
        %dma_wait3A_123 = tpu.memref_slice %arg7[%dma_wait3A_121, %dma_wait3A_122] : memref<10240x128xf32, #tpu.memory_space<vmem_shared>> -> memref<10240x128xf32, #tpu.memory_space<vmem_shared>>
        tpu.wait_indirect_dma semaphore(%arg15 : memref<!tpu.dma_semaphore, #tpu.memory_space<semaphore_mem>>) src(%arg11 : memref<128x128xf32, #tpu.memory_space<vmem>>) dst(%dma_wait3A_123 : memref<10240x128xf32, #tpu.memory_space<vmem_shared>>)
      } else {
      }
    }
    %scan3A_64 = arith.constant 20 : i32
    %barrier3A_65 = arith.constant 0 : index
    tpu.barrier barrier_id(%barrier3A_65)
    %mul3A_66 = arith.constant 640 : i32
    %mul3A_67 = arith.muli %arg1, %mul3A_66 : i32
    %mul3A_68 = arith.constant 640 : i32
    %mul3A_69 = arith.muli %arg1, %mul3A_68 : i32
    "tpu.region"() ({
      %run_scoped3A = tpu.sem_alloc : memref<!tpu.dma_semaphore, #tpu.memory_space<semaphore_mem>>
      %dma_start3A_70 = arith.constant 0 : i32
      %dma_start3A_71 = tpu.memref_slice %arg6[%arg0, %mul3A_69, %dma_start3A_70] : memref<2x10240x128xf32, #tpu.memory_space<hbm>> -> memref<1x640x128xf32, #tpu.memory_space<hbm>>
      %dma_start3A_72 = tpu.memref_squeeze %dma_start3A_71 : memref<1x640x128xf32, #tpu.memory_space<hbm>> -> memref<640x128xf32, #tpu.memory_space<hbm>>
      %dma_start3A_73 = arith.constant 0 : i32
      %dma_start3A_74 = tpu.memref_slice %arg7[%mul3A_67, %dma_start3A_73] : memref<10240x128xf32, #tpu.memory_space<vmem_shared>> -> memref<640x128xf32, #tpu.memory_space<vmem_shared>>
      tpu.enqueue_dma source(%dma_start3A_74 : memref<640x128xf32, #tpu.memory_space<vmem_shared>>) target(%dma_start3A_72 : memref<640x128xf32, #tpu.memory_space<hbm>>) target_semaphore(%run_scoped3A : memref<!tpu.dma_semaphore, #tpu.memory_space<semaphore_mem>>)
      %dma_wait3A = arith.constant 0 : i32
      %dma_wait3A_75 = tpu.memref_slice %arg6[%arg0, %mul3A_69, %dma_wait3A] : memref<2x10240x128xf32, #tpu.memory_space<hbm>> -> memref<1x640x128xf32, #tpu.memory_space<hbm>>
      %dma_wait3A_76 = tpu.memref_squeeze %dma_wait3A_75 : memref<1x640x128xf32, #tpu.memory_space<hbm>> -> memref<640x128xf32, #tpu.memory_space<hbm>>
      %dma_wait3A_77 = arith.constant 0 : i32
      %dma_wait3A_78 = tpu.memref_slice %arg7[%mul3A_67, %dma_wait3A_77] : memref<10240x128xf32, #tpu.memory_space<vmem_shared>> -> memref<640x128xf32, #tpu.memory_space<vmem_shared>>
      tpu.wait_dma2 semaphore(%run_scoped3A : memref<!tpu.dma_semaphore, #tpu.memory_space<semaphore_mem>>) src(%dma_wait3A_78 : memref<640x128xf32, #tpu.memory_space<vmem_shared>>) dst(%dma_wait3A_76 : memref<640x128xf32, #tpu.memory_space<hbm>>)
      tpu.yield
    }) : () -> ()
    return
  }
}

#map = affine_map<(d0, d1) -> (0, 0)>
#map1 = affine_map<(d0, d1) -> (0)>
module attributes {stable_mosaic.version = 14 : i64} {
  func.func @_deg_body(%arg0: i32, %arg1: i32, %arg2: memref<2560x128xi32, #tpu.memory_space<hbm>>, %arg3: memref<128xf32, #tpu.memory_space<hbm>>, %arg4: memref<640xf32, #tpu.memory_space<hbm>>, %arg5: memref<20480xf32, #tpu.memory_space<hbm>>, %arg6: memref<10240xf32, #tpu.memory_space<vmem_shared>>, %arg7: memref<80x128xi32, #tpu.memory_space<vmem>>, %arg8: memref<128xf32, #tpu.memory_space<vmem>>, %arg9: memref<640xf32, #tpu.memory_space<vmem>>) attributes {dimension_semantics = [#tpu.dimension_semantics<core_parallel>, #tpu.dimension_semantics<subcore_parallel>], iteration_bounds = array<i64: 2, 16>, scalar_prefetch = 0 : i64, scratch_operands = 4 : i64, tpu.core_type = #tpu.core_type<sc_vector_subcore>, window_params = [{transform_indices = #map}, {transform_indices = #map1}, {transform_indices = #map1}, {transform_indices = #map1}]} {
    %mul3A = arith.constant 2 : i32
    %mul3A_0 = arith.muli %arg1, %mul3A : i32
    %add3A = arith.addi %mul3A_0, %arg0 : i32
    "tpu.region"() ({
      %run_scoped3A = tpu.sem_alloc : memref<!tpu.dma_semaphore, #tpu.memory_space<semaphore_mem>>
      tpu.enqueue_dma source(%arg3 : memref<128xf32, #tpu.memory_space<hbm>>) target(%arg8 : memref<128xf32, #tpu.memory_space<vmem>>) target_semaphore(%run_scoped3A : memref<!tpu.dma_semaphore, #tpu.memory_space<semaphore_mem>>)
      tpu.wait_dma2 semaphore(%run_scoped3A : memref<!tpu.dma_semaphore, #tpu.memory_space<semaphore_mem>>) src(%arg3 : memref<128xf32, #tpu.memory_space<hbm>>) dst(%arg8 : memref<128xf32, #tpu.memory_space<vmem>>)
      tpu.yield
    }) : () -> ()
    "tpu.region"() ({
      %run_scoped3A = tpu.sem_alloc : memref<!tpu.dma_semaphore, #tpu.memory_space<semaphore_mem>>
      tpu.enqueue_dma source(%arg4 : memref<640xf32, #tpu.memory_space<hbm>>) target(%arg9 : memref<640xf32, #tpu.memory_space<vmem>>) target_semaphore(%run_scoped3A : memref<!tpu.dma_semaphore, #tpu.memory_space<semaphore_mem>>)
      tpu.wait_dma2 semaphore(%run_scoped3A : memref<!tpu.dma_semaphore, #tpu.memory_space<semaphore_mem>>) src(%arg4 : memref<640xf32, #tpu.memory_space<hbm>>) dst(%arg9 : memref<640xf32, #tpu.memory_space<vmem>>)
      tpu.yield
    }) : () -> ()
    %mul3A_1 = arith.constant 80 : i32
    %mul3A_2 = arith.muli %add3A, %mul3A_1 : i32
    "tpu.region"() ({
      %run_scoped3A = tpu.sem_alloc : memref<!tpu.dma_semaphore, #tpu.memory_space<semaphore_mem>>
      %dma_start3A = arith.constant 0 : i32
      %dma_start3A_17 = tpu.memref_slice %arg2[%mul3A_2, %dma_start3A] : memref<2560x128xi32, #tpu.memory_space<hbm>> -> memref<80x128xi32, #tpu.memory_space<hbm>>
      %dma_start3A_18 = arith.constant 0 : i32
      %dma_start3A_19 = tpu.memref_slice %arg2[%mul3A_2, %dma_start3A_18] : memref<2560x128xi32, #tpu.memory_space<hbm>> -> memref<80x128xi32, #tpu.memory_space<hbm>>
      tpu.enqueue_dma source(%dma_start3A_19 : memref<80x128xi32, #tpu.memory_space<hbm>>) target(%arg7 : memref<80x128xi32, #tpu.memory_space<vmem>>) target_semaphore(%run_scoped3A : memref<!tpu.dma_semaphore, #tpu.memory_space<semaphore_mem>>)
      %dma_wait3A = arith.constant 0 : i32
      %dma_wait3A_20 = tpu.memref_slice %arg2[%mul3A_2, %dma_wait3A] : memref<2560x128xi32, #tpu.memory_space<hbm>> -> memref<80x128xi32, #tpu.memory_space<hbm>>
      %dma_wait3A_21 = arith.constant 0 : i32
      %dma_wait3A_22 = tpu.memref_slice %arg2[%mul3A_2, %dma_wait3A_21] : memref<2560x128xi32, #tpu.memory_space<hbm>> -> memref<80x128xi32, #tpu.memory_space<hbm>>
      tpu.wait_dma2 semaphore(%run_scoped3A : memref<!tpu.dma_semaphore, #tpu.memory_space<semaphore_mem>>) src(%dma_wait3A_22 : memref<80x128xi32, #tpu.memory_space<hbm>>) dst(%arg7 : memref<80x128xi32, #tpu.memory_space<vmem>>)
      tpu.yield
    }) : () -> ()
    %mul3A_3 = arith.constant 640 : i32
    %mul3A_4 = arith.muli %arg1, %mul3A_3 : i32
    "tpu.region"() ({
      %run_scoped3A = tpu.sem_alloc : memref<!tpu.dma_semaphore, #tpu.memory_space<semaphore_mem>>
      %dma_start3A = tpu.memref_slice %arg6[%mul3A_4] : memref<10240xf32, #tpu.memory_space<vmem_shared>> -> memref<640xf32, #tpu.memory_space<vmem_shared>>
      %dma_start3A_17 = tpu.memref_slice %arg6[%mul3A_4] : memref<10240xf32, #tpu.memory_space<vmem_shared>> -> memref<640xf32, #tpu.memory_space<vmem_shared>>
      tpu.enqueue_dma source(%arg9 : memref<640xf32, #tpu.memory_space<vmem>>) target(%dma_start3A_17 : memref<640xf32, #tpu.memory_space<vmem_shared>>) target_semaphore(%run_scoped3A : memref<!tpu.dma_semaphore, #tpu.memory_space<semaphore_mem>>)
      %dma_wait3A = tpu.memref_slice %arg6[%mul3A_4] : memref<10240xf32, #tpu.memory_space<vmem_shared>> -> memref<640xf32, #tpu.memory_space<vmem_shared>>
      %dma_wait3A_18 = tpu.memref_slice %arg6[%mul3A_4] : memref<10240xf32, #tpu.memory_space<vmem_shared>> -> memref<640xf32, #tpu.memory_space<vmem_shared>>
      tpu.wait_dma2 semaphore(%run_scoped3A : memref<!tpu.dma_semaphore, #tpu.memory_space<semaphore_mem>>) src(%arg9 : memref<640xf32, #tpu.memory_space<vmem>>) dst(%dma_wait3A_18 : memref<640xf32, #tpu.memory_space<vmem_shared>>)
      tpu.yield
    }) : () -> ()
    %barrier3A = arith.constant 0 : index
    tpu.barrier barrier_id(%barrier3A)
    %scan3A = arith.constant 0 : i32
    %scan3A_5 = arith.constant 80 : i32
    %scan3A_6 = arith.addi %scan3A, %scan3A_5 : i32
    %scan3A_7 = arith.constant 1 : i32
    scf.for %scan3A_17 = %scan3A to %scan3A_6 step %scan3A_7  : i32 {
      %mul3A_18 = arith.constant 1 : i32
      %mul3A_19 = arith.muli %scan3A_17, %mul3A_18 : i32
      %add3A_20 = arith.constant 0 : i32
      %add3A_21 = arith.addi %add3A_20, %mul3A_19 : i32
      "tpu.region"() ({
        %run_scoped3A = tpu.sem_alloc : memref<!tpu.dma_semaphore, #tpu.memory_space<semaphore_mem>>
        %dma_start3A = arith.constant 0 : i32
        %dma_start3A_22 = tpu.memref_slice %arg7[%add3A_21, %dma_start3A] : memref<80x128xi32, #tpu.memory_space<vmem>> -> memref<1x128xi32, #tpu.memory_space<vmem>>
        %dma_start3A_23 = tpu.memref_squeeze %dma_start3A_22 : memref<1x128xi32, #tpu.memory_space<vmem>> -> memref<128xi32, #tpu.memory_space<vmem>>
        %dma_start3A_24 = arith.constant 0 : i32
        %dma_start3A_25 = tpu.memref_slice %arg6[%dma_start3A_24] : memref<10240xf32, #tpu.memory_space<vmem_shared>> -> memref<10240xf32, #tpu.memory_space<vmem_shared>>
        tpu.enqueue_indirect_dma source(%arg8 : memref<128xf32, #tpu.memory_space<vmem>>) target(%dma_start3A_25 : memref<10240xf32, #tpu.memory_space<vmem_shared>>) offsets(%dma_start3A_23 : memref<128xi32, #tpu.memory_space<vmem>>) semaphore(%run_scoped3A : memref<!tpu.dma_semaphore, #tpu.memory_space<semaphore_mem>>) {add = true}
        %dma_wait3A = arith.constant 0 : i32
        %dma_wait3A_26 = tpu.memref_slice %arg7[%add3A_21, %dma_wait3A] : memref<80x128xi32, #tpu.memory_space<vmem>> -> memref<1x128xi32, #tpu.memory_space<vmem>>
        %dma_wait3A_27 = tpu.memref_squeeze %dma_wait3A_26 : memref<1x128xi32, #tpu.memory_space<vmem>> -> memref<128xi32, #tpu.memory_space<vmem>>
        %dma_wait3A_28 = arith.constant 0 : i32
        %dma_wait3A_29 = tpu.memref_slice %arg6[%dma_wait3A_28] : memref<10240xf32, #tpu.memory_space<vmem_shared>> -> memref<10240xf32, #tpu.memory_space<vmem_shared>>
        tpu.wait_indirect_dma semaphore(%run_scoped3A : memref<!tpu.dma_semaphore, #tpu.memory_space<semaphore_mem>>) src(%arg8 : memref<128xf32, #tpu.memory_space<vmem>>) dst(%dma_wait3A_29 : memref<10240xf32, #tpu.memory_space<vmem_shared>>)
        tpu.yield
      }) : () -> ()
    }
    %scan3A_8 = arith.constant 80 : i32
    %barrier3A_9 = arith.constant 0 : index
    tpu.barrier barrier_id(%barrier3A_9)
    %mul3A_10 = arith.constant 640 : i32
    %mul3A_11 = arith.muli %arg1, %mul3A_10 : i32
    %mul3A_12 = arith.constant 10240 : i32
    %mul3A_13 = arith.muli %arg0, %mul3A_12 : i32
    %mul3A_14 = arith.constant 640 : i32
    %mul3A_15 = arith.muli %arg1, %mul3A_14 : i32
    %add3A_16 = arith.addi %mul3A_13, %mul3A_15 : i32
    "tpu.region"() ({
      %run_scoped3A = tpu.sem_alloc : memref<!tpu.dma_semaphore, #tpu.memory_space<semaphore_mem>>
      %dma_start3A = tpu.memref_slice %arg5[%add3A_16] : memref<20480xf32, #tpu.memory_space<hbm>> -> memref<640xf32, #tpu.memory_space<hbm>>
      %dma_start3A_17 = tpu.memref_slice %arg6[%mul3A_11] : memref<10240xf32, #tpu.memory_space<vmem_shared>> -> memref<640xf32, #tpu.memory_space<vmem_shared>>
      tpu.enqueue_dma source(%dma_start3A_17 : memref<640xf32, #tpu.memory_space<vmem_shared>>) target(%dma_start3A : memref<640xf32, #tpu.memory_space<hbm>>) target_semaphore(%run_scoped3A : memref<!tpu.dma_semaphore, #tpu.memory_space<semaphore_mem>>)
      %dma_wait3A = tpu.memref_slice %arg5[%add3A_16] : memref<20480xf32, #tpu.memory_space<hbm>> -> memref<640xf32, #tpu.memory_space<hbm>>
      %dma_wait3A_18 = tpu.memref_slice %arg6[%mul3A_11] : memref<10240xf32, #tpu.memory_space<vmem_shared>> -> memref<640xf32, #tpu.memory_space<vmem_shared>>
      tpu.wait_dma2 semaphore(%run_scoped3A : memref<!tpu.dma_semaphore, #tpu.memory_space<semaphore_mem>>) src(%dma_wait3A_18 : memref<640xf32, #tpu.memory_space<vmem_shared>>) dst(%dma_wait3A : memref<640xf32, #tpu.memory_space<hbm>>)
      tpu.yield
    }) : () -> ()
    return
  }
}

module attributes {stable_mosaic.version = 14 : i64} {
  func.func @_tc_a_body(%arg0: memref<10240x128xf32, #tpu.memory_space<vmem>>, %arg1: memref<128x128xf32, #tpu.memory_space<vmem>>, %arg2: memref<2x10240x1xf32, #tpu.memory_space<vmem>>, %arg3: memref<10240x128xf32, #tpu.memory_space<vmem>>, %arg4: memref<10240x1xf32, #tpu.memory_space<vmem>>) attributes {dimension_semantics = [], scalar_prefetch = 0 : i64, scratch_operands = 0 : i64, tpu.core_type = #tpu.core_type<tc>} {
    %get3A = arith.constant 0 : index
    %get3A_0 = arith.constant 0 : index
    %get3A_1 = arith.constant 0 : index
    %get3A_2 = vector.load %arg2[%get3A, %get3A_0, %get3A_1] : memref<2x10240x1xf32, #tpu.memory_space<vmem>>, vector<1x10240x1xf32>
    %get3A_3 = vector.shape_cast %get3A_2 : vector<1x10240x1xf32> to vector<10240x1xf32>
    %get3A_4 = arith.constant 1 : index
    %get3A_5 = arith.constant 0 : index
    %get3A_6 = arith.constant 0 : index
    %get3A_7 = vector.load %arg2[%get3A_4, %get3A_5, %get3A_6] : memref<2x10240x1xf32, #tpu.memory_space<vmem>>, vector<1x10240x1xf32>
    %get3A_8 = vector.shape_cast %get3A_7 : vector<1x10240x1xf32> to vector<10240x1xf32>
    %add3A = arith.addf %get3A_3, %get3A_8 : vector<10240x1xf32>
    %add3A_9 = arith.constant 1.000000e+00 : f32
    %add3A_10 = vector.broadcast %add3A_9 : f32 to vector<10240x1xf32>
    %add3A_11 = arith.addf %add3A, %add3A_10 : vector<10240x1xf32>
    %rsqrt3A = math.rsqrt %add3A_11 : vector<10240x1xf32>
    %swap3A = arith.constant 0 : index
    %swap3A_12 = arith.constant 0 : index
    %swap3A_13 = vector.load %arg4[%swap3A, %swap3A_12] : memref<10240x1xf32, #tpu.memory_space<vmem>>, vector<10240x1xf32>
    tpu.vector_store %arg4[%swap3A, %swap3A_12], %rsqrt3A {strides = array<i32>} : memref<10240x1xf32, #tpu.memory_space<vmem>>, vector<10240x1xf32>,
    %get3A_14 = arith.constant 0 : index
    %get3A_15 = arith.constant 0 : index
    %get3A_16 = vector.load %arg0[%get3A_14, %get3A_15] : memref<10240x128xf32, #tpu.memory_space<vmem>>, vector<10240x128xf32>
    %get3A_17 = arith.constant 0 : index
    %get3A_18 = arith.constant 0 : index
    %get3A_19 = vector.load %arg1[%get3A_17, %get3A_18] : memref<128x128xf32, #tpu.memory_space<vmem>>, vector<128x128xf32>
    %dot_general3A = arith.constant dense<0.000000e+00> : vector<10240x128xf32>
    %dot_general3A_20 = tpu.matmul %get3A_16, %get3A_19, %dot_general3A {dimension_numbers = #tpu.dot_dimension_numbers<[1], [0], [0], [1], [0, 0, 1, 1], [], []>, transpose_lhs_hint = false} : vector<10240x128xf32>, vector<128x128xf32>, vector<10240x128xf32> -> vector<10240x128xf32>
    %mul3A = vector.broadcast %rsqrt3A : vector<10240x1xf32> to vector<10240x128xf32>
    %mul3A_21 = arith.mulf %dot_general3A_20, %mul3A : vector<10240x128xf32>
    %swap3A_22 = arith.constant 0 : index
    %swap3A_23 = arith.constant 0 : index
    %swap3A_24 = vector.load %arg3[%swap3A_22, %swap3A_23] : memref<10240x128xf32, #tpu.memory_space<vmem>>, vector<10240x128xf32>
    tpu.vector_store %arg3[%swap3A_22, %swap3A_23], %mul3A_21 {strides = array<i32>} : memref<10240x128xf32, #tpu.memory_space<vmem>>, vector<10240x128xf32>,
    return
  }
}

module attributes {stable_mosaic.version = 14 : i64} {
  func.func @_tc_b1_body(%arg0: memref<2x10240x128xf32, #tpu.memory_space<vmem>>, %arg1: memref<10240x128xf32, #tpu.memory_space<vmem>>, %arg2: memref<10240x1xf32, #tpu.memory_space<vmem>>, %arg3: memref<1x128xf32, #tpu.memory_space<vmem>>, %arg4: memref<128x128xf32, #tpu.memory_space<vmem>>, %arg5: memref<10240x128xf32, #tpu.memory_space<vmem>>) attributes {dimension_semantics = [], scalar_prefetch = 0 : i64, scratch_operands = 0 : i64, tpu.core_type = #tpu.core_type<tc>} {
    %get3A = arith.constant 0 : index
    %get3A_0 = arith.constant 0 : index
    %get3A_1 = arith.constant 0 : index
    %get3A_2 = vector.load %arg0[%get3A, %get3A_0, %get3A_1] : memref<2x10240x128xf32, #tpu.memory_space<vmem>>, vector<1x10240x128xf32>
    %get3A_3 = vector.shape_cast %get3A_2 : vector<1x10240x128xf32> to vector<10240x128xf32>
    %get3A_4 = arith.constant 1 : index
    %get3A_5 = arith.constant 0 : index
    %get3A_6 = arith.constant 0 : index
    %get3A_7 = vector.load %arg0[%get3A_4, %get3A_5, %get3A_6] : memref<2x10240x128xf32, #tpu.memory_space<vmem>>, vector<1x10240x128xf32>
    %get3A_8 = vector.shape_cast %get3A_7 : vector<1x10240x128xf32> to vector<10240x128xf32>
    %add3A = arith.addf %get3A_3, %get3A_8 : vector<10240x128xf32>
    %get3A_9 = arith.constant 0 : index
    %get3A_10 = arith.constant 0 : index
    %get3A_11 = vector.load %arg1[%get3A_9, %get3A_10] : memref<10240x128xf32, #tpu.memory_space<vmem>>, vector<10240x128xf32>
    %add3A_12 = arith.addf %add3A, %get3A_11 : vector<10240x128xf32>
    %get3A_13 = arith.constant 0 : index
    %get3A_14 = arith.constant 0 : index
    %get3A_15 = vector.load %arg2[%get3A_13, %get3A_14] : memref<10240x1xf32, #tpu.memory_space<vmem>>, vector<10240x1xf32>
    %mul3A = vector.broadcast %get3A_15 : vector<10240x1xf32> to vector<10240x128xf32>
    %mul3A_16 = arith.mulf %add3A_12, %mul3A : vector<10240x128xf32>
    %get3A_17 = arith.constant 0 : index
    %get3A_18 = arith.constant 0 : index
    %get3A_19 = vector.load %arg3[%get3A_17, %get3A_18] : memref<1x128xf32, #tpu.memory_space<vmem>>, vector<1x128xf32>
    %add3A_20 = vector.broadcast %get3A_19 : vector<1x128xf32> to vector<10240x128xf32>
    %add3A_21 = arith.addf %mul3A_16, %add3A_20 : vector<10240x128xf32>
    %max3A = arith.constant 0.000000e+00 : f32
    %max3A_22 = vector.broadcast %max3A : f32 to vector<10240x128xf32>
    %max3A_23 = arith.maximumf %add3A_21, %max3A_22 : vector<10240x128xf32>
    %get3A_24 = arith.constant 0 : index
    %get3A_25 = arith.constant 0 : index
    %get3A_26 = vector.load %arg4[%get3A_24, %get3A_25] : memref<128x128xf32, #tpu.memory_space<vmem>>, vector<128x128xf32>
    %dot_general3A = arith.constant dense<0.000000e+00> : vector<10240x128xf32>
    %dot_general3A_27 = tpu.matmul %max3A_23, %get3A_26, %dot_general3A {dimension_numbers = #tpu.dot_dimension_numbers<[1], [0], [0], [1], [0, 0, 1, 1], [], []>, transpose_lhs_hint = false} : vector<10240x128xf32>, vector<128x128xf32>, vector<10240x128xf32> -> vector<10240x128xf32>
    %get3A_28 = arith.constant 0 : index
    %get3A_29 = arith.constant 0 : index
    %get3A_30 = vector.load %arg2[%get3A_28, %get3A_29] : memref<10240x1xf32, #tpu.memory_space<vmem>>, vector<10240x1xf32>
    %mul3A_31 = vector.broadcast %get3A_30 : vector<10240x1xf32> to vector<10240x128xf32>
    %mul3A_32 = arith.mulf %dot_general3A_27, %mul3A_31 : vector<10240x128xf32>
    %swap3A = arith.constant 0 : index
    %swap3A_33 = arith.constant 0 : index
    %swap3A_34 = vector.load %arg5[%swap3A, %swap3A_33] : memref<10240x128xf32, #tpu.memory_space<vmem>>, vector<10240x128xf32>
    tpu.vector_store %arg5[%swap3A, %swap3A_33], %mul3A_32 {strides = array<i32>} : memref<10240x128xf32, #tpu.memory_space<vmem>>, vector<10240x128xf32>,
    return
  }
}

module attributes {stable_mosaic.version = 14 : i64} {
  func.func @_tc_b2_body(%arg0: memref<2x10240x128xf32, #tpu.memory_space<vmem>>, %arg1: memref<10240x128xf32, #tpu.memory_space<vmem>>, %arg2: memref<10240x1xf32, #tpu.memory_space<vmem>>, %arg3: memref<1x128xf32, #tpu.memory_space<vmem>>, %arg4: memref<10240x128xf32, #tpu.memory_space<vmem>>, %arg5: memref<10240x128xf32, #tpu.memory_space<vmem>>) attributes {dimension_semantics = [], scalar_prefetch = 0 : i64, scratch_operands = 0 : i64, tpu.core_type = #tpu.core_type<tc>} {
    %get3A = arith.constant 0 : index
    %get3A_0 = arith.constant 0 : index
    %get3A_1 = arith.constant 0 : index
    %get3A_2 = vector.load %arg0[%get3A, %get3A_0, %get3A_1] : memref<2x10240x128xf32, #tpu.memory_space<vmem>>, vector<1x10240x128xf32>
    %get3A_3 = vector.shape_cast %get3A_2 : vector<1x10240x128xf32> to vector<10240x128xf32>
    %get3A_4 = arith.constant 1 : index
    %get3A_5 = arith.constant 0 : index
    %get3A_6 = arith.constant 0 : index
    %get3A_7 = vector.load %arg0[%get3A_4, %get3A_5, %get3A_6] : memref<2x10240x128xf32, #tpu.memory_space<vmem>>, vector<1x10240x128xf32>
    %get3A_8 = vector.shape_cast %get3A_7 : vector<1x10240x128xf32> to vector<10240x128xf32>
    %add3A = arith.addf %get3A_3, %get3A_8 : vector<10240x128xf32>
    %get3A_9 = arith.constant 0 : index
    %get3A_10 = arith.constant 0 : index
    %get3A_11 = vector.load %arg1[%get3A_9, %get3A_10] : memref<10240x128xf32, #tpu.memory_space<vmem>>, vector<10240x128xf32>
    %add3A_12 = arith.addf %add3A, %get3A_11 : vector<10240x128xf32>
    %get3A_13 = arith.constant 0 : index
    %get3A_14 = arith.constant 0 : index
    %get3A_15 = vector.load %arg2[%get3A_13, %get3A_14] : memref<10240x1xf32, #tpu.memory_space<vmem>>, vector<10240x1xf32>
    %mul3A = vector.broadcast %get3A_15 : vector<10240x1xf32> to vector<10240x128xf32>
    %mul3A_16 = arith.mulf %add3A_12, %mul3A : vector<10240x128xf32>
    %get3A_17 = arith.constant 0 : index
    %get3A_18 = arith.constant 0 : index
    %get3A_19 = vector.load %arg3[%get3A_17, %get3A_18] : memref<1x128xf32, #tpu.memory_space<vmem>>, vector<1x128xf32>
    %add3A_20 = vector.broadcast %get3A_19 : vector<1x128xf32> to vector<10240x128xf32>
    %add3A_21 = arith.addf %mul3A_16, %add3A_20 : vector<10240x128xf32>
    %max3A = arith.constant 0.000000e+00 : f32
    %max3A_22 = vector.broadcast %max3A : f32 to vector<10240x128xf32>
    %max3A_23 = arith.maximumf %add3A_21, %max3A_22 : vector<10240x128xf32>
    %swap3A = arith.constant 0 : index
    %swap3A_24 = arith.constant 0 : index
    %swap3A_25 = vector.load %arg4[%swap3A, %swap3A_24] : memref<10240x128xf32, #tpu.memory_space<vmem>>, vector<10240x128xf32>
    tpu.vector_store %arg4[%swap3A, %swap3A_24], %max3A_23 {strides = array<i32>} : memref<10240x128xf32, #tpu.memory_space<vmem>>, vector<10240x128xf32>,
    %get3A_26 = arith.constant 0 : index
    %get3A_27 = arith.constant 0 : index
    %get3A_28 = vector.load %arg2[%get3A_26, %get3A_27] : memref<10240x1xf32, #tpu.memory_space<vmem>>, vector<10240x1xf32>
    %mul3A_29 = vector.broadcast %get3A_28 : vector<10240x1xf32> to vector<10240x128xf32>
    %mul3A_30 = arith.mulf %max3A_23, %mul3A_29 : vector<10240x128xf32>
    %swap3A_31 = arith.constant 0 : index
    %swap3A_32 = arith.constant 0 : index
    %swap3A_33 = vector.load %arg5[%swap3A_31, %swap3A_32] : memref<10240x128xf32, #tpu.memory_space<vmem>>, vector<10240x128xf32>
    tpu.vector_store %arg5[%swap3A_31, %swap3A_32], %mul3A_30 {strides = array<i32>} : memref<10240x128xf32, #tpu.memory_space<vmem>>, vector<10240x128xf32>,
    return
  }
}

module attributes {stable_mosaic.version = 14 : i64} {
  func.func @_tc_c_body(%arg0: memref<2x10240x128xf32, #tpu.memory_space<vmem>>, %arg1: memref<10240x128xf32, #tpu.memory_space<vmem>>, %arg2: memref<10240x1xf32, #tpu.memory_space<vmem>>, %arg3: memref<128x40xf32, #tpu.memory_space<vmem>>, %arg4: memref<1x40xf32, #tpu.memory_space<vmem>>, %arg5: memref<10240x40xf32, #tpu.memory_space<vmem>>) attributes {dimension_semantics = [], scalar_prefetch = 0 : i64, scratch_operands = 0 : i64, tpu.core_type = #tpu.core_type<tc>} {
    %get3A = arith.constant 0 : index
    %get3A_0 = arith.constant 0 : index
    %get3A_1 = arith.constant 0 : index
    %get3A_2 = vector.load %arg0[%get3A, %get3A_0, %get3A_1] : memref<2x10240x128xf32, #tpu.memory_space<vmem>>, vector<1x10240x128xf32>
    %get3A_3 = vector.shape_cast %get3A_2 : vector<1x10240x128xf32> to vector<10240x128xf32>
    %get3A_4 = arith.constant 1 : index
    %get3A_5 = arith.constant 0 : index
    %get3A_6 = arith.constant 0 : index
    %get3A_7 = vector.load %arg0[%get3A_4, %get3A_5, %get3A_6] : memref<2x10240x128xf32, #tpu.memory_space<vmem>>, vector<1x10240x128xf32>
    %get3A_8 = vector.shape_cast %get3A_7 : vector<1x10240x128xf32> to vector<10240x128xf32>
    %add3A = arith.addf %get3A_3, %get3A_8 : vector<10240x128xf32>
    %get3A_9 = arith.constant 0 : index
    %get3A_10 = arith.constant 0 : index
    %get3A_11 = vector.load %arg1[%get3A_9, %get3A_10] : memref<10240x128xf32, #tpu.memory_space<vmem>>, vector<10240x128xf32>
    %add3A_12 = arith.addf %add3A, %get3A_11 : vector<10240x128xf32>
    %get3A_13 = arith.constant 0 : index
    %get3A_14 = arith.constant 0 : index
    %get3A_15 = vector.load %arg2[%get3A_13, %get3A_14] : memref<10240x1xf32, #tpu.memory_space<vmem>>, vector<10240x1xf32>
    %mul3A = vector.broadcast %get3A_15 : vector<10240x1xf32> to vector<10240x128xf32>
    %mul3A_16 = arith.mulf %add3A_12, %mul3A : vector<10240x128xf32>
    %get3A_17 = arith.constant 0 : index
    %get3A_18 = arith.constant 0 : index
    %get3A_19 = vector.load %arg3[%get3A_17, %get3A_18] : memref<128x40xf32, #tpu.memory_space<vmem>>, vector<128x40xf32>
    %dot_general3A = arith.constant dense<0.000000e+00> : vector<10240x40xf32>
    %dot_general3A_20 = tpu.matmul %mul3A_16, %get3A_19, %dot_general3A {dimension_numbers = #tpu.dot_dimension_numbers<[1], [0], [0], [1], [0, 0, 1, 1], [], []>, transpose_lhs_hint = false} : vector<10240x128xf32>, vector<128x40xf32>, vector<10240x40xf32> -> vector<10240x40xf32>
    %get3A_21 = arith.constant 0 : index
    %get3A_22 = arith.constant 0 : index
    %get3A_23 = vector.load %arg4[%get3A_21, %get3A_22] : memref<1x40xf32, #tpu.memory_space<vmem>>, vector<1x40xf32>
    %add3A_24 = vector.broadcast %get3A_23 : vector<1x40xf32> to vector<10240x40xf32>
    %add3A_25 = arith.addf %dot_general3A_20, %add3A_24 : vector<10240x40xf32>
    %swap3A = arith.constant 0 : index
    %swap3A_26 = arith.constant 0 : index
    %swap3A_27 = vector.load %arg5[%swap3A, %swap3A_26] : memref<10240x40xf32, #tpu.memory_space<vmem>>, vector<10240x40xf32>
    tpu.vector_store %arg5[%swap3A, %swap3A_26], %add3A_25 {strides = array<i32>} : memref<10240x40xf32, #tpu.memory_space<vmem>>, vector<10240x40xf32>,
    return
  }
}

</mosaic_0001>

<sc_bundles>
// kernel: kernel.10.cloned.1.call-start
scs
__scs_entry_jumppad:
0x0: {  	(pc) =	sbr.rel $0x88, $3  }
0x1: {  	(tag) =	ssettag $0x0;
	lr =	simm.s32 $0x1  }
0x2: {  	[smem:$0x3F99] =	sst lr;
	_ =	strace $0xD0000000  }
0x3: {  	_ = 	snop  }
0x4: {  	_ = 	snop  }
0x5: {  	_ = 	snop  }
0x6: {  	_ = 	snop  }
0x7: {  	_ = 	snop  }
__scs_overlays_trampoline_lowered:
0x8: {  	[smem:$0x3FA8] =	sst s0  }
0x9: {  	[smem:$0x3FA9] =	sst s1  }
0xa: {  	[smem:$0x3FAA] =	sst s2  }
0xb: {  	[smem:$0x3FAB] =	sst s3  }
0xc: {  	[smem:$0x3FAC] =	sst s4  }
0xd: {  	[smem:$0x3FAD] =	sst s5  }
0xe: {  	[smem:$0x3FAE] =	sst s6  }
0xf: {  	[smem:$0x3FAF] =	sst s7  }
0x10: {  	[smem:$0x3FB0] =	sst s8  }
0x11: {  	[smem:$0x3FB1] =	sst s9;
	s0 =	simm.s32 @!p0 $0x0  }
0x12: {  	s1 =	sld [smem:$0x3F97];
	s0 =	simm.s32 @p0 $0x1  }
0x13: {  	[smem:$0x3FB2] =	sst s0;
	s0 =	simm.s32 @!p1 $0x0  }
0x14: {  	s2 =	sld [smem:$0x3F96];
	s0 =	simm.s32 @p1 $0x1  }
0x15: {  	[smem:$0x3FB3] =	sst s0;
	s0 =	simm.s32 @!p2 $0x0  }
0x16: {  	s3 =	sld [smem:$0x3FDB];
	s0 =	simm.s32 @p2 $0x1  }
0x17: {  	s4 =	simm.s32 $0x1BF5;
	[smem:$0x3FB5] =	sst s0  }
0x18: {  	s0 =	sld [smem:$0x3F98];
	_ =	swait.ge [sflag:s4], $0x0  }
0x19: {  	s7 =	sld [smem:$0x3F99]  }
0x1a: {  	s8 =	sadd.s32 $0xFFFFE003, lr  }
0x1b: {  	s9 =	sadd.s32 $0xFFFFFEF7, lr;
	s5 =	simm.s32 $0xFFFFFFFF;
	p2 =	slt.u32 s8, $0xFFFFF086  }
0x1c: {  	p1 =	slt.u32 s9, $0xF7A;
	s5 =	simm.s32 @!p2 $0x0  }
0x1d: {  	s5 =	simm.s32 @p1 $0x1;
	p0 =	seq.s32 s7, s2  }
0x1e: {  	s7 =	smul.u32 @!p0 $0xF7A, s2;
	p2 =	seq.s32 @!p0 s5, $0x0  }
0x1f: {  	s9 =	smul.u32 $0xF7A, s1;
	s8 =	simm.s32 @!p0 $0x1BF5;
	p2 =	por !p2, p0  }
0x20: {  	[sflag:s8] =	ssyncset.s32 @!p0 $0xFFFFF086;
	s6 =	sadd.s32 @!p0 s3, s7;
	s7 =	simm.s32 @!p0 $0x108  }
0x21: {  	s3 =	sadd.s32 s3, s9;
	s6 =	sadd.s32 @!p0 $0x88, s6;
	s7 =	simm.s32 @p2 $0x1082  }
0x22: {  	[simem:s7], [sflag:s8] =	dma.local @!p0 [hbm:s6], $0xF7A  }
0x23: {  	s9 =	sor.u32 $0xD0000000, s2;
	s6 =	simm.s32 $0x108;
	_ =	swait.ge @!p0 [sflag:s8], $0x0  }
0x24: {  	s3 =	sadd.s32 $0x88, s3;
	s6 =	simm.s32 @!p1 $0x1082;
	[sflag:s4] =	ssyncset.s32 $0xFFFFF086  }
0x25: {  	[simem:s6], [sflag:s4] =	dma.local [hbm:s3], $0xF7A  }
0x26: {  	[smem:$0x3F99] =	sst s1;
	(tag) =	ssettag s2;
	_ =	strace s9  }
0x27: {  	s1 =	sld [smem:$0x3FA9]  }
0x28: {  	s2 =	sld [smem:$0x3FAA]  }
0x29: {  	s4 =	sld [smem:$0x3FAC]  }
0x2a: {  	p0 =	seq.s32 s5, $0x0;
	s5 =	sld [smem:$0x3FAD]  }
0x2b: {  	s6 =	sld [smem:$0x3FAE]  }
0x2c: {  	s7 =	sld [smem:$0x3FAF]  }
0x2d: {  	s3 =	simm.s32 $0x108;
	s8 =	sld [smem:$0x3FB0]  }
0x2e: {  	s3 =	simm.s32 @!p0 $0x1082;
	s9 =	sld [smem:$0x3FB1]  }
0x2f: {  	lr =	sadd.s32 s0, s3;
	s0 =	sld [smem:$0x3FA8]  }
0x30: {  	s3 =	sld [smem:$0x3FAB]  }
0x31: {  	[smem:$0x3FB4] =	sst s10  }
0x32: {  	s10 =	sld [smem:$0x3FB2];
	_ =	sdelay $0x3  }
0x33: {  	p0 =	seq.s32 s10, $0x1;
	s10 =	sld [smem:$0x3FB4];
	_ =	sdelay $0x3  }
0x34: {  	[smem:$0x3FB4] =	sst s10  }
0x35: {  	s10 =	sld [smem:$0x3FB3];
	_ =	sdelay $0x3  }
0x36: {  	p1 =	seq.s32 s10, $0x1;
	s10 =	sld [smem:$0x3FB4];
	_ =	sdelay $0x3  }
0x37: {  	[smem:$0x3FB4] =	sst s10  }
0x38: {  	s10 =	sld [smem:$0x3FB5]  }
0x39: {  	_ = 	snop;
	(pc) =	sbr.ind lr, $3  }
0x3a: {  	_ = 	snop  }
0x3b: {  	_ = 	snop  }
0x3c: {  	p2 =	seq.s32 s10, $0x1;
	s10 =	sld [smem:$0x3FB4]  }
0x3d: {  	_ =	shalt  }
0x3e: {  	_ =	shalt  }
0x3f: {  	_ =	shalt  }
0x40: {  	_ =	shalt  }
0x41: {  	_ =	shalt  }
0x42: {  	_ =	shalt  }
0x43: {  	_ =	shalt  }
0x44: {  	_ =	shalt  }
0x45: {  	_ =	shalt  }
0x46: {  	_ =	shalt  }
0x47: {  	_ =	shalt  }
0x48: {  	_ =	shalt  }
0x49: {  	_ =	shalt  }
0x4a: {  	_ =	shalt  }
0x4b: {  	_ =	shalt  }
0x4c: {  	_ =	shalt  }
0x4d: {  	_ =	shalt  }
0x4e: {  	_ =	shalt  }
0x4f: {  	_ =	shalt  }
0x50: {  	_ =	shalt  }
0x51: {  	_ =	shalt  }
0x52: {  	_ =	shalt  }
0x53: {  	_ =	shalt  }
0x54: {  	_ =	shalt  }
0x55: {  	_ =	shalt  }
0x56: {  	_ =	shalt  }
0x57: {  	_ =	shalt  }
0x58: {  	_ =	shalt  }
0x59: {  	_ =	shalt  }
0x5a: {  	_ =	shalt  }
0x5b: {  	_ =	shalt  }
0x5c: {  	_ =	shalt  }
0x5d: {  	_ =	shalt  }
0x5e: {  	_ =	shalt  }
0x5f: {  	_ =	shalt  }
0x60: {  	_ =	shalt  }
0x61: {  	_ =	shalt  }
0x62: {  	_ =	shalt  }
0x63: {  	_ =	shalt  }
0x64: {  	_ =	shalt  }
0x65: {  	_ =	shalt  }
0x66: {  	_ =	shalt  }
0x67: {  	_ =	shalt  }
0x68: {  	_ =	shalt  }
0x69: {  	_ =	shalt  }
0x6a: {  	_ =	shalt  }
0x6b: {  	_ =	shalt  }
0x6c: {  	_ =	shalt  }
0x6d: {  	_ =	shalt  }
0x6e: {  	_ =	shalt  }
0x6f: {  	_ =	shalt  }
0x70: {  	_ =	shalt  }
0x71: {  	_ =	shalt  }
0x72: {  	_ =	shalt  }
0x73: {  	_ =	shalt  }
0x74: {  	_ =	shalt  }
0x75: {  	_ =	shalt  }
0x76: {  	_ =	shalt  }
0x77: {  	_ =	shalt  }
0x78: {  	_ =	shalt  }
0x79: {  	_ =	shalt  }
0x7a: {  	_ =	shalt  }
0x7b: {  	_ =	shalt  }
0x7c: {  	_ =	shalt  }
0x7d: {  	_ =	shalt  }
0x7e: {  	_ =	shalt  }
0x7f: {  	_ =	shalt  }
0x80: {  	_ =	shalt  }
0x81: {  	_ =	shalt  }
0x82: {  	_ =	shalt  }
0x83: {  	_ =	shalt  }
0x84: {  	_ =	shalt  }
0x85: {  	_ =	shalt  }
0x86: {  	_ =	shalt  }
0x87: {  	_ =	shalt  }
.Lfunc_end0:
.L_simem_size_0:
called_computation_lowered:
.L_overlay_start_0:
0x88: {  	s2 =	sld [smem:$0x3FD9]  }
0x89: {  	s3 =	sld [smem:$0x3FFE];
	_ =	sdelay $0x1  }
0x8a: {  	s1 =	srdreg.scid  }
0x8b: {  	s0 =	sand.u32 $0x1, s1  }
0x8c: {  	s14 =	sshll.u32 s0, $0xA;
	s2 =	sadd.s32 s3, s2  }
0x8d: {  	s2 =	sadd.s32 s2, s14  }
0x8e: {  	[smem:$0x3FC0] =	sst s2  }
0x8f: {  	_ = 	snop  }
0x90: {  	s2 =	sld [smem:$0x3FD0];
	_ =	sdelay $0x2  }
0x91: {  	s15 =	simm.s32 $0xA;
	s4 =	simm.s32 $0x10  }
0x92: {  	[smem:s4], [sflag:s15] =	dma.local [hbm:s2], $0x1  }
0x93: {  	_ =	swait.eq [sflag:s15], $0x1  }
0x94: {  	[sflag:s15] =	ssyncset.done $0x0  }
0x95: {  	[sflag:s15] =	ssyncadd.s32 $0xFFFFFFFF  }
0x96: {  	s16 =	sld [smem:$0x11];
	(tm) =	ssettm $0x1  }
0x97: {  	s17 =	sld [smem:$0x3FFB];
	_ =	sdelay $0x3  }
0x98: {  	_ =	strace s17  }
0x99: {  	s3 =	sld [smem:$0x3FFC];
	_ =	sdelay $0x3  }
0x9a: {  	_ =	strace s3  }
0x9b: {  	s3 =	sld [smem:$0x3FFD];
	_ =	sdelay $0x3  }
0x9c: {  	_ =	strace s3  }
0x9d: {  	_ =	strace $0x8FFFFFFF  }
0x9e: {  	s18 =	sld [smem:$0x3FDB];
	_ =	sdelay $0x1  }
0x9f: {  	s19 =	simm.s32 $_scs_section_size  }
0xa0: {  	s5 =	simm.s32 $_size__tile_overlayer_lowered;
	s6 =	simm.s32 $_tile_overlayer_lowered  }
0xa1: {  	s22 =	simm.s32 $0x1BFF;
	s21 =	sshll.u32 s6, $0x1;
	s3 =	sadd.s32 s19, s18  }
0xa2: {  	s7 =	simm.s32 $0x0;
	s20 =	sshll.u32 s5, $0x1;
	s5 =	sadd.s32 s21, s3  }
0xa3: {  	[timem:s7], [sflag:s22] =	dma.local [hbm:s5], s20  }
0xa4: {  	_ =	swait.ge [sflag:s22], s20  }
0xa5: {  	s4 =	ssub.s32 $0x0, s20;
	[sflag:s22] =	ssyncset.done $0x0  }
0xa6: {  	[sflag:s22] =	ssyncadd.s32 s4;
	_ =	sdelay $0x1  }
0xa7: {  	s23 =	simm.s32 $0x1B8B  }
0xa8: {  	_ =	swait.ge [sflag:s23], $0x1  }
0xa9: {  	[sflag:s23] =	ssyncset.done $0x0  }
0xaa: {  	s25 =	simm.s32 $0x1B8E;
	s24 =	sld [smem:$0x3FFE];
	[sflag:s23] =	ssyncadd.s32 $0xFFFFFFFF  }
0xab: {  	s26 =	simm.s32 $execute0_lowered;
	[smem:$0x3FD2] =	sst s25  }
0xac: {  	s5 =	sshll.u32 s26, $0x1;
	_ =	strace $0x80000046;
	[dreg:$0x1] =	wrdreg $0xFFFFFFFF  }
0xad: {  	s28 =	simm.s32 $_size_execute0_lowered;
	s3 =	sadd.s32 s3, s5;
	[dreg:$0x0] =	wrdreg $0x0  }
0xae: {  	s5 =	sshll.u32 s28, $0x1;
	[dreg:$0x2] =	wrdreg s3  }
0xaf: {  	[dreg:$0x3] =	wrdreg s5  }
0xb0: {  	[dreg:$0x4] =	wrdreg $0xC0  }
0xb1: {  	_ =	task [dreg:s7], $0x5FFFF  }
0xb2: {  	[dreg:$0x1] =	wrdreg $0xFFFFFFFF  }
0xb3: {  	[dreg:$0x0] =	wrdreg $0x60  }
0xb4: {  	[dreg:$0x2] =	wrdreg s24  }
0xb5: {  	[dreg:$0x3] =	wrdreg s16  }
0xb6: {  	[dreg:$0x4] =	wrdreg $0x0  }
0xb7: {  	[dreg:$0x5] =	wrdreg $0x9  }
0xb8: {  	_ =	task.clear_ibuf [dreg:s7], $0x6FFFF;
	_ =	strace $0x90000046  }
0xb9: {  	s29 =	simm.s32 $0x9;
	_ =	strace $0x80000048  }
0xba: {  	_ =	swait.ge [sflag:s29], $0x1  }
0xbb: {  	[sflag:s29] =	ssyncadd.s32 $0xFFFFFFFF  }
0xbc: {  	_ =	strace $0x90000048  }
0xbd: {  	_ =	sfence  }
0xbe: {  	s30 =	sld [smem:$0x0];
	_ =	sdelay $0x2  }
0xbf: {  	s31 =	sshll.u32 s1, $0xD;
	s1 =	sshrl.u32 s1, $0x2  }
0xc0: {  	s3 =	sand.u32 $0x4000, s31;
	s1 =	sadd.s32 s1, s30  }
0xc1: {  	s0 =	sor.u32 s3, s0;
	s1 =	sshll.u32 s1, $0x11  }
0xc2: {  	s0 =	sor.u32 s1, s0  }
0xc3: {  	s0 =	sadd.s32 $0x8F2B, s0  }
0xc4: {  	[sflag:s0] =	ssyncadd.remote.s32 $0x1  }
0xc5: {  	_ =	sfence.sel $0xFFFF  }
0xc6: {  	[dreg:$0x0] =	wrdreg $0xFFFFFFFF;
	(pc) =	sbr.abs _section_cstart, $3  }
0xc7: {  	[dreg:$0x1] =	wrdreg $0xFFFFFFFF  }
0xc8: {  	_ =	task.clear_ibuf [dreg:s7], $0x2FFFF;
	_ =	strace $0x9FFFFFFF  }
0xc9: {  	(tm) =	ssettm $0x7FFFFFFF  }
tec
execute0_lowered:
.L_overlay_start_1:
0x0: {  	(tag) =	ssettag $0x1  }
0x1: {  	s5 =	rddreg [dreg:$0x0]  }
0x2: {  	s1 =	srdreg.scid;
	s8 =	rddreg [dreg:$0x1]  }
0x3: {  	s0 =	stileid.u32;
	s2 =	rddreg [dreg:$0x2];
	s3 =	simm.s32 $0x0  }
0x4: {  	s12 =	simm.s32 $0x2B00;
	s13 =	simm.s32 $0x280;
	s14 =	simm.s32 $0x80  }
0x5: {  	s17 =	simm.s32 $0x0;
	s6 =	sand.u32 $0x1, s1;
	s1 =	rddreg [dreg:$0x3]  }
0x6: {  	s31 =	sshll.u32 s0, $0x1;
	[smem:$0x7FF] =	sst s3;
	s7 =	smul.u32 $0x280, s0  }
0x7: {  	s15 =	sshll.u32 s0, $0x6;
	s4 =	sor.u32 s6, s31;
	s9 =	smul.u32 $0x2800, s6  }
0x8: {  	_ =	strace $0x80000047;
	s6 =	ssub.s32 $0x2, s6;
	s4 =	smul.u32 $0x500, s4  }
0x9: {  	s15 =	sor.u32 $0x1C01, s15;
	s11 =	sshrl.u32 s6, $0x1;
	s9 =	sadd.s32 s7, s9  }
0xa: {  	s11 =	ssub.s32 s6, s11;
	s7 =	sadd.s32 s7, s2;
	s10 =	sadd.s32 s4, s5  }
0xb: {  	s4 =	sadd.s32 $0xDC00, s5;
	s5 =	sadd.s32 $0xDA00, s5;
	s9 =	sshrl.u32 s9, $0x3  }
0xc: {  	s16 =	sshrl.u32 s7, $0x3;
	s6 =	sadd.s32 $0x3A00, s10;
	s8 =	sadd.s32 s8, s9  }
0xd: {  	s9 =	smax.u32 s11, $0x1;
	s10 =	simm.s32 $0x2A80;
	s11 =	simm.s32 $0x1  }
.LBB2_1:
0xe: {  	[tilespmem:s10], [sflag:$0x1] =	stream.linear.gather [hbm4b:s4+s3], $0x80, $0x38;
	[tilespmem:$0x2D80] =	vst v63  }
0xf: {  	_ =	swait.ge [sflag:s11], $0x80  }
0x10: {  	[sflag:s11] =	ssyncset.done $0x0  }
0x11: {  	[sflag:s11] =	ssyncadd.s32 $0xFFFFFF80  }
0x12: {  	[tilespmem:s12], [sflag:$0x1] =	stream.linear.gather [hbm4b:s5+s3], $0x280, $0x38;
	[tilespmem:$0x2D80] =	vst v63  }
0x13: {  	_ =	swait.ge [sflag:s11], $0x280  }
0x14: {  	[sflag:s11] =	ssyncset.done $0x0  }
0x15: {  	[sflag:s11] =	ssyncadd.s32 $0xFFFFFD80  }
0x16: {  	[tilespmem:s13], [sflag:$0x1] =	stream.linear.gather [hbm4b:s6+s3], $0x2800, $0x38;
	[tilespmem:$0x2D80] =	vst v63  }
0x17: {  	_ =	swait.ge [sflag:s11], $0x2800  }
0x18: {  	[sflag:s11] =	ssyncset.done $0x0  }
0x19: {  	[sflag:s11] =	ssyncadd.s32 $0xFFFFD800  }
0x1a: {  	[spmem:s7] =	stream.linear.scatter [tilespmem:s12], [sflag:$0x1], $0x280, $0x38;
	[tilespmem:$0x2D80] =	vst v63  }
0x1b: {  	_ =	swait.ge [sflag:s11], $0x280  }
0x1c: {  	[sflag:s11] =	ssyncset.done $0x0  }
0x1d: {  	[sflag:s11] =	ssyncadd.s32 $0xFFFFFD80  }
0x1e: {  	s18 =	simm.s32 $0x280;
	[bflag:$0x0] =	sbarrier.arrive $0xFFFF  }
0x1f: {  	[spmem:s2] =	stream.indirect.scatter.add.f32 [tilespmem:s10], [sflag:$0x1], $0x1, s18, s14, $0xb8;
	[tilespmem:$0x2D80] =	vst v63  }
0x20: {  	s18 =	simm.s32 $0x200;
	_ =	swait.ge [sflag:s11], $0x80  }
.LBB2_2:
0x21: {  	s19 =	sshra.s32 s18, $0x2;
	[sflag:s11] =	ssyncset.done $0x0;
	p0 =	sne.s32 s18, $0x9E00  }
.Ltmp0:
0x22: {  	s19 =	sadd.s32 $0x280, s19;
	[sflag:s11] =	ssyncadd.s32 $0xFFFFFF80;
	(pc) =	sbr.rel @p0 .LBB2_2-.Ltmp0, $3  }
0x23: {  	[spmem:s2] =	stream.indirect.scatter.add.f32 [tilespmem:s10], [sflag:$0x1], $0x1, s19, s14, $0xb8;
	[tilespmem:$0x2D80] =	vst v63  }
0x24: {  	s18 =	sadd.s32 $0x200, s18;
	_ =	sdelay $0x1  }
0x25: {  	_ =	swait.ge [sflag:s11], $0x80  }
0x26: {  	[sflag:s11] =	ssyncset.done $0x0;
	s17 =	sadd.s32 $0x1, s17  }
0x27: {  	[sflag:s11] =	ssyncadd.s32 $0xFFFFFF80;
	p0 =	sne.s32 s17, s9  }
.Ltmp1:
0x28: {  	[bflag:$0x0] =	sbarrier.arrive $0xFFFF;
	(pc) =	sbr.rel @p0 .LBB2_1-.Ltmp1, $4  }
0x29: {  	[hbm:s8], [sflag:s15] =	dma.local [spmem:s16], $0x50  }
0x2a: {  	_ =	swait.ge [sflag:s11], $0x50  }
0x2b: {  	[sflag:s11] =	ssyncset.done $0x0  }
0x2c: {  	[sflag:s11] =	ssyncadd.s32 $0xFFFFFFB0  }
0x2d: {  	_ =	sfence.sel $0x180000  }
0x2e: {  	[bflag:$0x0] =	sbarrier.arrive $0xFFFF  }
0x2f: {  	p0 =	sne.s32 s0, $0x0;
	_ =	strace $0x90000047  }
0x30: {  	s0 =	sadd.s32 @!p0 $0x100000, s1;
	[bflag:$0x2] =	sbarrier.arrive $0xFFFF  }
0x31: {  	[sflag:s0] =	ssyncadd.tile.s32 @!p0 $0x1;
	_ =	shalt  }
.Lfunc_end2:
_tile_overlayer_lowered:
.L_overlay_start_2:
0x32: {  	(tag) =	ssettag $0x2  }
0x33: {  	s0 =	rddreg [dreg:$0x0];
	s2 =	stileid.u32  }
0x34: {  	s1 =	rddreg [dreg:$0x1];
	p0 =	sne.s32 s2, $0x0  }
0x35: {  	s3 =	rddreg [dreg:$0x2];
	[bflag:$0x3] =	sbarrier.arrive $0xFFFF;
	s2 =	simm.s32 @!p0 $0x1C01  }
0x36: {  	[timem:s3], [sflag:s2] =	dma.local @!p0 [hbm:s0], s1  }
0x37: {  	s0 =	simm.s32 @!p0 $0x1  }
0x38: {  	_ =	swait.ge @!p0 [sflag:s0], s1  }
0x39: {  	s1 =	ssub.s32 @!p0 $0x0, s1;
	[sflag:s0] =	ssyncset.done @!p0 $0x0  }
0x3a: {  	[sflag:s0] =	ssyncadd.s32 @!p0 s1  }
0x3b: {  	[bflag:$0x3] =	sbarrier.arrive $0xFFFF  }
0x3c: {  	_ =	shalt  }

// kernel: kernel.13.cloned.1.call-start
scs
__scs_entry_jumppad:
0x0: {  	(pc) =	sbr.rel $0x88, $3  }
0x1: {  	(tag) =	ssettag $0x0;
	lr =	simm.s32 $0x1  }
0x2: {  	[smem:$0x3F99] =	sst lr;
	_ =	strace $0xD0000000  }
0x3: {  	_ = 	snop  }
0x4: {  	_ = 	snop  }
0x5: {  	_ = 	snop  }
0x6: {  	_ = 	snop  }
0x7: {  	_ = 	snop  }
__scs_overlays_trampoline_lowered:
0x8: {  	[smem:$0x3FA8] =	sst s0  }
0x9: {  	[smem:$0x3FA9] =	sst s1  }
0xa: {  	[smem:$0x3FAA] =	sst s2  }
0xb: {  	[smem:$0x3FAB] =	sst s3  }
0xc: {  	[smem:$0x3FAC] =	sst s4  }
0xd: {  	[smem:$0x3FAD] =	sst s5  }
0xe: {  	[smem:$0x3FAE] =	sst s6  }
0xf: {  	[smem:$0x3FAF] =	sst s7  }
0x10: {  	[smem:$0x3FB0] =	sst s8  }
0x11: {  	[smem:$0x3FB1] =	sst s9;
	s0 =	simm.s32 @!p0 $0x0  }
0x12: {  	s1 =	sld [smem:$0x3F97];
	s0 =	simm.s32 @p0 $0x1  }
0x13: {  	[smem:$0x3FB2] =	sst s0;
	s0 =	simm.s32 @!p1 $0x0  }
0x14: {  	s2 =	sld [smem:$0x3F96];
	s0 =	simm.s32 @p1 $0x1  }
0x15: {  	[smem:$0x3FB3] =	sst s0;
	s0 =	simm.s32 @!p2 $0x0  }
0x16: {  	s3 =	sld [smem:$0x3FDB];
	s0 =	simm.s32 @p2 $0x1  }
0x17: {  	s4 =	simm.s32 $0x1BF5;
	[smem:$0x3FB5] =	sst s0  }
0x18: {  	s0 =	sld [smem:$0x3F98];
	_ =	swait.ge [sflag:s4], $0x0  }
0x19: {  	s7 =	sld [smem:$0x3F99]  }
0x1a: {  	s8 =	sadd.s32 $0xFFFFE003, lr  }
0x1b: {  	s9 =	sadd.s32 $0xFFFFFEF7, lr;
	s5 =	simm.s32 $0xFFFFFFFF;
	p2 =	slt.u32 s8, $0xFFFFF086  }
0x1c: {  	p1 =	slt.u32 s9, $0xF7A;
	s5 =	simm.s32 @!p2 $0x0  }
0x1d: {  	s5 =	simm.s32 @p1 $0x1;
	p0 =	seq.s32 s7, s2  }
0x1e: {  	s7 =	smul.u32 @!p0 $0xF7A, s2;
	p2 =	seq.s32 @!p0 s5, $0x0  }
0x1f: {  	s9 =	smul.u32 $0xF7A, s1;
	s8 =	simm.s32 @!p0 $0x1BF5;
	p2 =	por !p2, p0  }
0x20: {  	[sflag:s8] =	ssyncset.s32 @!p0 $0xFFFFF086;
	s6 =	sadd.s32 @!p0 s3, s7;
	s7 =	simm.s32 @!p0 $0x108  }
0x21: {  	s3 =	sadd.s32 s3, s9;
	s6 =	sadd.s32 @!p0 $0x88, s6;
	s7 =	simm.s32 @p2 $0x1082  }
0x22: {  	[simem:s7], [sflag:s8] =	dma.local @!p0 [hbm:s6], $0xF7A  }
0x23: {  	s9 =	sor.u32 $0xD0000000, s2;
	s6 =	simm.s32 $0x108;
	_ =	swait.ge @!p0 [sflag:s8], $0x0  }
0x24: {  	s3 =	sadd.s32 $0x88, s3;
	s6 =	simm.s32 @!p1 $0x1082;
	[sflag:s4] =	ssyncset.s32 $0xFFFFF086  }
0x25: {  	[simem:s6], [sflag:s4] =	dma.local [hbm:s3], $0xF7A  }
0x26: {  	[smem:$0x3F99] =	sst s1;
	(tag) =	ssettag s2;
	_ =	strace s9  }
0x27: {  	s1 =	sld [smem:$0x3FA9]  }
0x28: {  	s2 =	sld [smem:$0x3FAA]  }
0x29: {  	s4 =	sld [smem:$0x3FAC]  }
0x2a: {  	p0 =	seq.s32 s5, $0x0;
	s5 =	sld [smem:$0x3FAD]  }
0x2b: {  	s6 =	sld [smem:$0x3FAE]  }
0x2c: {  	s7 =	sld [smem:$0x3FAF]  }
0x2d: {  	s3 =	simm.s32 $0x108;
	s8 =	sld [smem:$0x3FB0]  }
0x2e: {  	s3 =	simm.s32 @!p0 $0x1082;
	s9 =	sld [smem:$0x3FB1]  }
0x2f: {  	lr =	sadd.s32 s0, s3;
	s0 =	sld [smem:$0x3FA8]  }
0x30: {  	s3 =	sld [smem:$0x3FAB]  }
0x31: {  	[smem:$0x3FB4] =	sst s10  }
0x32: {  	s10 =	sld [smem:$0x3FB2];
	_ =	sdelay $0x3  }
0x33: {  	p0 =	seq.s32 s10, $0x1;
	s10 =	sld [smem:$0x3FB4];
	_ =	sdelay $0x3  }
0x34: {  	[smem:$0x3FB4] =	sst s10  }
0x35: {  	s10 =	sld [smem:$0x3FB3];
	_ =	sdelay $0x3  }
0x36: {  	p1 =	seq.s32 s10, $0x1;
	s10 =	sld [smem:$0x3FB4];
	_ =	sdelay $0x3  }
0x37: {  	[smem:$0x3FB4] =	sst s10  }
0x38: {  	s10 =	sld [smem:$0x3FB5]  }
0x39: {  	_ = 	snop;
	(pc) =	sbr.ind lr, $3  }
0x3a: {  	_ = 	snop  }
0x3b: {  	_ = 	snop  }
0x3c: {  	p2 =	seq.s32 s10, $0x1;
	s10 =	sld [smem:$0x3FB4]  }
0x3d: {  	_ =	shalt  }
0x3e: {  	_ =	shalt  }
0x3f: {  	_ =	shalt  }
0x40: {  	_ =	shalt  }
0x41: {  	_ =	shalt  }
0x42: {  	_ =	shalt  }
0x43: {  	_ =	shalt  }
0x44: {  	_ =	shalt  }
0x45: {  	_ =	shalt  }
0x46: {  	_ =	shalt  }
0x47: {  	_ =	shalt  }
0x48: {  	_ =	shalt  }
0x49: {  	_ =	shalt  }
0x4a: {  	_ =	shalt  }
0x4b: {  	_ =	shalt  }
0x4c: {  	_ =	shalt  }
0x4d: {  	_ =	shalt  }
0x4e: {  	_ =	shalt  }
0x4f: {  	_ =	shalt  }
0x50: {  	_ =	shalt  }
0x51: {  	_ =	shalt  }
0x52: {  	_ =	shalt  }
0x53: {  	_ =	shalt  }
0x54: {  	_ =	shalt  }
0x55: {  	_ =	shalt  }
0x56: {  	_ =	shalt  }
0x57: {  	_ =	shalt  }
0x58: {  	_ =	shalt  }
0x59: {  	_ =	shalt  }
0x5a: {  	_ =	shalt  }
0x5b: {  	_ =	shalt  }
0x5c: {  	_ =	shalt  }
0x5d: {  	_ =	shalt  }
0x5e: {  	_ =	shalt  }
0x5f: {  	_ =	shalt  }
0x60: {  	_ =	shalt  }
0x61: {  	_ =	shalt  }
0x62: {  	_ =	shalt  }
0x63: {  	_ =	shalt  }
0x64: {  	_ =	shalt  }
0x65: {  	_ =	shalt  }
0x66: {  	_ =	shalt  }
0x67: {  	_ =	shalt  }
0x68: {  	_ =	shalt  }
0x69: {  	_ =	shalt  }
0x6a: {  	_ =	shalt  }
0x6b: {  	_ =	shalt  }
0x6c: {  	_ =	shalt  }
0x6d: {  	_ =	shalt  }
0x6e: {  	_ =	shalt  }
0x6f: {  	_ =	shalt  }
0x70: {  	_ =	shalt  }
0x71: {  	_ =	shalt  }
0x72: {  	_ =	shalt  }
0x73: {  	_ =	shalt  }
0x74: {  	_ =	shalt  }
0x75: {  	_ =	shalt  }
0x76: {  	_ =	shalt  }
0x77: {  	_ =	shalt  }
0x78: {  	_ =	shalt  }
0x79: {  	_ =	shalt  }
0x7a: {  	_ =	shalt  }
0x7b: {  	_ =	shalt  }
0x7c: {  	_ =	shalt  }
0x7d: {  	_ =	shalt  }
0x7e: {  	_ =	shalt  }
0x7f: {  	_ =	shalt  }
0x80: {  	_ =	shalt  }
0x81: {  	_ =	shalt  }
0x82: {  	_ =	shalt  }
0x83: {  	_ =	shalt  }
0x84: {  	_ =	shalt  }
0x85: {  	_ =	shalt  }
0x86: {  	_ =	shalt  }
0x87: {  	_ =	shalt  }
.Lfunc_end0:
.L_simem_size_0:
called_computation.1_lowered:
.L_overlay_start_0:
0x88: {  	s2 =	sld [smem:$0x3FD9]  }
0x89: {  	s3 =	sld [smem:$0x3FFE];
	_ =	sdelay $0x1  }
0x8a: {  	s1 =	srdreg.scid  }
0x8b: {  	s0 =	sand.u32 $0x1, s1  }
0x8c: {  	s14 =	sshll.u32 s0, $0xA;
	s2 =	sadd.s32 s3, s2  }
0x8d: {  	s2 =	sadd.s32 s2, s14  }
0x8e: {  	[smem:$0x3FC0] =	sst s2  }
0x8f: {  	_ = 	snop  }
0x90: {  	s2 =	sld [smem:$0x3FD0];
	_ =	sdelay $0x2  }
0x91: {  	s15 =	simm.s32 $0xA;
	s4 =	simm.s32 $0x10  }
0x92: {  	[smem:s4], [sflag:s15] =	dma.local [hbm:s2], $0x1  }
0x93: {  	_ =	swait.eq [sflag:s15], $0x1  }
0x94: {  	[sflag:s15] =	ssyncset.done $0x0  }
0x95: {  	[sflag:s15] =	ssyncadd.s32 $0xFFFFFFFF  }
0x96: {  	s16 =	sld [smem:$0x10];
	(tm) =	ssettm $0x1  }
0x97: {  	s17 =	sld [smem:$0x3FFB];
	_ =	sdelay $0x3  }
0x98: {  	_ =	strace s17  }
0x99: {  	s3 =	sld [smem:$0x3FFC];
	_ =	sdelay $0x3  }
0x9a: {  	_ =	strace s3  }
0x9b: {  	s3 =	sld [smem:$0x3FFD];
	_ =	sdelay $0x3  }
0x9c: {  	_ =	strace s3  }
0x9d: {  	_ =	strace $0x8FFFFFFF  }
0x9e: {  	s18 =	sld [smem:$0x3FDB];
	_ =	sdelay $0x1  }
0x9f: {  	s19 =	simm.s32 $_scs_section_size  }
0xa0: {  	s5 =	simm.s32 $_size__tile_overlayer_lowered;
	s6 =	simm.s32 $_tile_overlayer_lowered  }
0xa1: {  	s22 =	simm.s32 $0x1BFF;
	s21 =	sshll.u32 s6, $0x1;
	s3 =	sadd.s32 s19, s18  }
0xa2: {  	s7 =	simm.s32 $0x0;
	s20 =	sshll.u32 s5, $0x1;
	s5 =	sadd.s32 s21, s3  }
0xa3: {  	[timem:s7], [sflag:s22] =	dma.local [hbm:s5], s20  }
0xa4: {  	_ =	swait.ge [sflag:s22], s20  }
0xa5: {  	s4 =	ssub.s32 $0x0, s20;
	[sflag:s22] =	ssyncset.done $0x0  }
0xa6: {  	[sflag:s22] =	ssyncadd.s32 s4;
	_ =	sdelay $0x1  }
0xa7: {  	s23 =	simm.s32 $0x1B8B  }
0xa8: {  	_ =	swait.ge [sflag:s23], $0x1  }
0xa9: {  	[sflag:s23] =	ssyncset.done $0x0  }
0xaa: {  	s25 =	simm.s32 $0x1B8E;
	s24 =	sld [smem:$0x3FFE];
	[sflag:s23] =	ssyncadd.s32 $0xFFFFFFFF  }
0xab: {  	s26 =	simm.s32 $execute0_lowered;
	[smem:$0x3FD2] =	sst s25  }
0xac: {  	s5 =	sshll.u32 s26, $0x1;
	_ =	strace $0x80000049;
	[dreg:$0x1] =	wrdreg $0xFFFFFFFF  }
0xad: {  	s28 =	simm.s32 $_size_execute0_lowered;
	s3 =	sadd.s32 s3, s5;
	[dreg:$0x0] =	wrdreg $0x0  }
0xae: {  	s5 =	sshll.u32 s28, $0x1;
	[dreg:$0x2] =	wrdreg s3  }
0xaf: {  	[dreg:$0x3] =	wrdreg s5  }
0xb0: {  	[dreg:$0x4] =	wrdreg $0xC0  }
0xb1: {  	_ =	task [dreg:s7], $0x5FFFF  }
0xb2: {  	[dreg:$0x1] =	wrdreg $0xFFFFFFFF  }
0xb3: {  	[dreg:$0x0] =	wrdreg $0x60  }
0xb4: {  	[dreg:$0x2] =	wrdreg s24  }
0xb5: {  	[dreg:$0x3] =	wrdreg s16  }
0xb6: {  	[dreg:$0x4] =	wrdreg $0x0  }
0xb7: {  	[dreg:$0x5] =	wrdreg $0x9  }
0xb8: {  	_ =	task.clear_ibuf [dreg:s7], $0x6FFFF;
	_ =	strace $0x90000049  }
0xb9: {  	s29 =	simm.s32 $0x9;
	_ =	strace $0x8000004B  }
0xba: {  	_ =	swait.ge [sflag:s29], $0x1  }
0xbb: {  	[sflag:s29] =	ssyncadd.s32 $0xFFFFFFFF  }
0xbc: {  	_ =	strace $0x9000004B  }
0xbd: {  	_ =	sfence  }
0xbe: {  	s30 =	sld [smem:$0x0];
	_ =	sdelay $0x2  }
0xbf: {  	s31 =	sshll.u32 s1, $0xD;
	s1 =	sshrl.u32 s1, $0x2  }
0xc0: {  	s3 =	sand.u32 $0x4000, s31;
	s1 =	sadd.s32 s1, s30  }
0xc1: {  	s0 =	sor.u32 s3, s0;
	s1 =	sshll.u32 s1, $0x11  }
0xc2: {  	s0 =	sor.u32 s1, s0  }
0xc3: {  	s0 =	sadd.s32 $0x8F2B, s0  }
0xc4: {  	[sflag:s0] =	ssyncadd.remote.s32 $0x1  }
0xc5: {  	_ =	sfence.sel $0xFFFF  }
0xc6: {  	[dreg:$0x0] =	wrdreg $0xFFFFFFFF;
	(pc) =	sbr.abs _section_cstart, $3  }
0xc7: {  	[dreg:$0x1] =	wrdreg $0xFFFFFFFF  }
0xc8: {  	_ =	task.clear_ibuf [dreg:s7], $0x2FFFF;
	_ =	strace $0x9FFFFFFF  }
0xc9: {  	(tm) =	ssettm $0x7FFFFFFF  }
tec
execute0_lowered:
.L_overlay_start_1:
0x0: {  	(tag) =	ssettag $0x1  }
0x1: {  	s0 =	rddreg [dreg:$0x0]  }
0x2: {  	s2 =	rddreg [dreg:$0x1]  }
0x3: {  	s1 =	rddreg [dreg:$0x2]  }
0x4: {  	s3 =	srdreg.scid;
	s9 =	stileid.u32;
	s17 =	simm.s32 $0x16800  }
0x5: {  	s18 =	simm.s32 $0x5;
	s19 =	simm.s32 $0x14000;
	s20 =	simm.s32 $0x15400  }
0x6: {  	s21 =	simm.s32 $0x80;
	s22 =	simm.s32 $0x14080;
	s23 =	simm.s32 $0x1A800  }
0x7: {  	s28 =	simm.s32 $0x4;
	s29 =	simm.s32 $0x16700;
	s30 =	simm.s32 $0x16780  }
0x8: {  	s31 =	simm.s32 $0x0;
	s6 =	sand.u32 $0x1, s3;
	s3 =	simm.s32 $0x0  }
0x9: {  	s7 =	smul.u32 $0x14000, s9;
	s4 =	sadd.s32 $0xDA00, s0;
	s14 =	sadd.s32 $0x3A00, s0  }
0xa: {  	s24 =	sadd.s32 $0x35A00, s0;
	s8 =	smul.u32 $0x50000, s9;
	s9 =	sshll.u32 s9, $0x1  }
0xb: {  	s5 =	smul.u32 $0x140000, s6;
	[smem:$0x7FF] =	sst s3;
	s25 =	ssub.s32 $0x2, s6  }
0xc: {  	s9 =	sor.u32 s6, s9;
	_ =	strace $0x8000004A;
	[dreg:$0x4] =	wrdreg s24  }
0xd: {  	s10 =	sshrl.u32 s25, $0x1;
	s26 =	sshrl.u32 s8, $0x2;
	s11 =	smul.u32 $0x2800, s9  }
0xe: {  	s12 =	smul.u32 $0x500, s9;
	s24 =	simm.s32 $0x1;
	s7 =	sadd.s32 s7, s5  }
0xf: {  	s16 =	ssub.s32 s25, s10;
	s6 =	sadd.s32 s26, s1;
	s25 =	simm.s32 $0x2  }
0x10: {  	s26 =	simm.s32 $0x3;
	s7 =	sshrl.u32 s7, $0x3;
	s8 =	sadd.s32 $0x8000, s6  }
0x11: {  	s9 =	sadd.s32 $0xC000, s6;
	s10 =	sadd.s32 $0x10000, s6;
	s13 =	sshrl.u32 s11, $0x3  }
0x12: {  	s11 =	sadd.s32 s2, s12;
	s12 =	sadd.s32 s14, s12;
	s16 =	smax.u32 s16, $0x1  }
0x13: {  	s0 =	sadd.s32 s7, s0;
	s7 =	sadd.s32 $0x4000, s6;
	s15 =	sadd.s32 $0x280, s13  }
0x14: {  	s13 =	sadd.s32 s2, s15;
	s14 =	sadd.s32 s14, s15;
	s15 =	sadd.s32 $0x36200, s0  }
.LBB2_1:
0x15: {  	s0 =	rddreg [dreg:$0x4]  }
0x16: {  	[tilespmem:s17], [sflag:$0x5] =	stream.linear.gather [hbm4b:s0+s3], $0x4000, $0x38;
	[tilespmem:$0x1E800] =	vst v63  }
0x17: {  	_ =	swait.ge [sflag:s18], $0x4000  }
0x18: {  	[sflag:s18] =	ssyncset.done $0x0  }
0x19: {  	[sflag:s18] =	ssyncadd.s32 $0xFFFFC000  }
0x1a: {  	[spmem:s6] =	stream.linear.scatter [tilespmem:s17], [sflag:$0x5], $0x4000, $0x38;
	[tilespmem:$0x1E800] =	vst v63  }
0x1b: {  	_ =	swait.ge [sflag:s18], $0x4000  }
0x1c: {  	[sflag:s18] =	ssyncset.done $0x0  }
0x1d: {  	[sflag:s18] =	ssyncadd.s32 $0xFFFFC000  }
0x1e: {  	[spmem:s7] =	stream.linear.scatter [tilespmem:s17], [sflag:$0x5], $0x4000, $0x38;
	[tilespmem:$0x1E800] =	vst v63  }
0x1f: {  	_ =	swait.ge [sflag:s18], $0x4000  }
0x20: {  	[sflag:s18] =	ssyncset.done $0x0  }
0x21: {  	[sflag:s18] =	ssyncadd.s32 $0xFFFFC000  }
0x22: {  	[spmem:s8] =	stream.linear.scatter [tilespmem:s17], [sflag:$0x5], $0x4000, $0x38;
	[tilespmem:$0x1E800] =	vst v63  }
0x23: {  	_ =	swait.ge [sflag:s18], $0x4000  }
0x24: {  	[sflag:s18] =	ssyncset.done $0x0  }
0x25: {  	[sflag:s18] =	ssyncadd.s32 $0xFFFFC000  }
0x26: {  	[spmem:s9] =	stream.linear.scatter [tilespmem:s17], [sflag:$0x5], $0x4000, $0x38;
	[tilespmem:$0x1E800] =	vst v63  }
0x27: {  	_ =	swait.ge [sflag:s18], $0x4000  }
0x28: {  	[sflag:s18] =	ssyncset.done $0x0  }
0x29: {  	[sflag:s18] =	ssyncadd.s32 $0xFFFFC000  }
0x2a: {  	[spmem:s10] =	stream.linear.scatter [tilespmem:s17], [sflag:$0x5], $0x4000, $0x38;
	[tilespmem:$0x1E800] =	vst v63  }
0x2b: {  	_ =	swait.ge [sflag:s18], $0x4000  }
0x2c: {  	[sflag:s18] =	ssyncset.done $0x0  }
0x2d: {  	[sflag:s18] =	ssyncadd.s32 $0xFFFFC000  }
0x2e: {  	[bflag:$0x0] =	sbarrier.arrive $0xFFFF  }
0x2f: {  	[tilespmem:s19], [sflag:$0x5] =	stream.linear.gather [hbm4b:s11+s3], $0x1400, $0x38;
	[tilespmem:$0x1E800] =	vst v63  }
0x30: {  	_ =	swait.ge [sflag:s18], $0x1400  }
0x31: {  	[sflag:s18] =	ssyncset.done $0x0  }
0x32: {  	[sflag:s18] =	ssyncadd.s32 $0xFFFFEC00  }
0x33: {  	[tilespmem:s20], [sflag:$0x5] =	stream.linear.gather [hbm4b:s12+s3], $0x1400, $0x38;
	[tilespmem:$0x1E800] =	vst v63  }
0x34: {  	_ =	swait.ge [sflag:s18], $0x1400  }
0x35: {  	[sflag:s18] =	ssyncset.done $0x0  }
0x36: {  	[sflag:s18] =	ssyncadd.s32 $0xFFFFEC00  }
0x37: {  	[tilespmem:s17], [sflag:$0x1] =	stream.indirect.gather [hbm4b:s4+s21], $0x80, s19, s21, $0xb8;
	[tilespmem:$0x1E800] =	vst v63  }
0x38: {  	_ = 	snop  }
0x39: {  	[tilespmem:s23], [sflag:$0x2] =	stream.indirect.gather [hbm4b:s4+s21], $0x80, s22, s21, $0xb8;
	[tilespmem:$0x1E800] =	vst v63  }
0x3a: {  	_ =	swait.ge [sflag:s24], $0x4000  }
0x3b: {  	[sflag:s24] =	ssyncset.done $0x0  }
0x3c: {  	s5 =	simm.s32 $0x15400;
	[sflag:s24] =	ssyncadd.s32 $0xFFFFC000  }
0x3d: {  	[spmem:s1] =	stream.indirect.scatter.add.f32 [tilespmem:s17], [sflag:$0x3], $0x80, s5, s21, $0xb8;
	[tilespmem:$0x1E800] =	vst v63  }
0x3e: {  	_ =	swait.ge [sflag:s25], $0x4000  }
0x3f: {  	[sflag:s25] =	ssyncset.done $0x0  }
0x40: {  	s2 =	simm.s32 $0x15480;
	[sflag:s25] =	ssyncadd.s32 $0xFFFFC000  }
0x41: {  	[spmem:s1] =	stream.indirect.scatter.add.f32 [tilespmem:s23], [sflag:$0x4], $0x80, s2, s21, $0xb8;
	[tilespmem:$0x1E800] =	vst v63  }
0x42: {  	_ =	swait.ge [sflag:s26], $0x4000  }
0x43: {  	[sflag:s26] =	ssyncset.done $0x0  }
0x44: {  	s5 =	simm.s32 $0x14100;
	[sflag:s26] =	ssyncadd.s32 $0xFFFFC000  }
0x45: {  	[tilespmem:s17], [sflag:$0x1] =	stream.indirect.gather [hbm4b:s4+s21], $0x80, s5, s21, $0xb8;
	[tilespmem:$0x1E800] =	vst v63  }
0x46: {  	_ =	swait.ge [sflag:s28], $0x4000  }
0x47: {  	[sflag:s28] =	ssyncset.done $0x0  }
0x48: {  	s0 =	simm.s32 $0x400;
	s2 =	simm.s32 $0x14180;
	[sflag:s28] =	ssyncadd.s32 $0xFFFFC000  }
.LBB2_2:
0x49: {  	[tilespmem:s23], [sflag:$0x2] =	stream.indirect.gather [hbm4b:s4+s21], $0x80, s2, s21, $0xb8;
	[tilespmem:$0x1E800] =	vst v63  }
0x4a: {  	s2 =	smov.u32 s0  }
0x4b: {  	p0 =	sne.s32 s0, $0x4800;
	s0 =	sadd.s32 $0x400, s0;
	_ =	swait.ge [sflag:s24], $0x4000  }
0x4c: {  	s2 =	sshra.s32 s2, $0x2;
	[sflag:s24] =	ssyncset.done $0x0  }
0x4d: {  	s5 =	sadd.s32 $0x15400, s2;
	[sflag:s24] =	ssyncadd.s32 $0xFFFFC000  }
0x4e: {  	[spmem:s1] =	stream.indirect.scatter.add.f32 [tilespmem:s17], [sflag:$0x3], $0x80, s5, s21, $0xb8;
	[tilespmem:$0x1E800] =	vst v63  }
0x4f: {  	_ =	swait.ge [sflag:s25], $0x4000  }
0x50: {  	[sflag:s25] =	ssyncset.done $0x0  }
0x51: {  	s5 =	sadd.s32 $0x15480, s2;
	[sflag:s25] =	ssyncadd.s32 $0xFFFFC000  }
0x52: {  	[spmem:s1] =	stream.indirect.scatter.add.f32 [tilespmem:s23], [sflag:$0x4], $0x80, s5, s21, $0xb8;
	[tilespmem:$0x1E800] =	vst v63  }
0x53: {  	_ =	swait.ge [sflag:s26], $0x4000  }
0x54: {  	[sflag:s26] =	ssyncset.done $0x0  }
.Ltmp0:
0x55: {  	s5 =	sadd.s32 $0x14100, s2;
	[sflag:s26] =	ssyncadd.s32 $0xFFFFC000;
	(pc) =	sbr.rel @p0 .LBB2_2-.Ltmp0, $4  }
0x56: {  	[tilespmem:s17], [sflag:$0x1] =	stream.indirect.gather [hbm4b:s4+s21], $0x80, s5, s21, $0xb8;
	[tilespmem:$0x1E800] =	vst v63  }
0x57: {  	_ =	swait.ge [sflag:s28], $0x4000  }
0x58: {  	[sflag:s28] =	ssyncset.done $0x0  }
0x59: {  	s2 =	sadd.s32 $0x14180, s2;
	[sflag:s28] =	ssyncadd.s32 $0xFFFFC000  }
0x5a: {  	[tilespmem:s23], [sflag:$0x2] =	stream.indirect.gather [hbm4b:s4+s21], $0x80, s2, s21, $0xb8;
	[tilespmem:$0x1E800] =	vst v63  }
0x5b: {  	_ =	swait.ge [sflag:s24], $0x4000  }
0x5c: {  	[sflag:s24] =	ssyncset.done $0x0  }
0x5d: {  	[sflag:s24] =	ssyncadd.s32 $0xFFFFC000  }
0x5e: {  	[spmem:s1] =	stream.indirect.scatter.add.f32 [tilespmem:s17], [sflag:$0x3], $0x80, s29, s21, $0xb8;
	[tilespmem:$0x1E800] =	vst v63  }
0x5f: {  	_ =	swait.ge [sflag:s25], $0x4000  }
0x60: {  	[sflag:s25] =	ssyncset.done $0x0  }
0x61: {  	[sflag:s25] =	ssyncadd.s32 $0xFFFFC000  }
0x62: {  	[spmem:s1] =	stream.indirect.scatter.add.f32 [tilespmem:s23], [sflag:$0x4], $0x80, s30, s21, $0xb8;
	[tilespmem:$0x1E800] =	vst v63  }
0x63: {  	_ =	swait.ge [sflag:s26], $0x4000  }
0x64: {  	[sflag:s26] =	ssyncset.done $0x0  }
0x65: {  	[sflag:s26] =	ssyncadd.s32 $0xFFFFC000  }
0x66: {  	_ =	swait.ge [sflag:s28], $0x4000  }
0x67: {  	[sflag:s28] =	ssyncset.done $0x0  }
0x68: {  	s0 =	simm.s32 $0x0;
	[sflag:s28] =	ssyncadd.s32 $0xFFFFC000  }
0x69: {  	[tilespmem:s19], [sflag:$0x5] =	stream.linear.gather [hbm4b:s13+s0], $0x1400, $0x38;
	[tilespmem:$0x1E800] =	vst v63  }
0x6a: {  	_ =	swait.ge [sflag:s18], $0x1400  }
0x6b: {  	[sflag:s18] =	ssyncset.done $0x0  }
0x6c: {  	[sflag:s18] =	ssyncadd.s32 $0xFFFFEC00  }
0x6d: {  	[tilespmem:s20], [sflag:$0x5] =	stream.linear.gather [hbm4b:s14+s0], $0x1400, $0x38;
	[tilespmem:$0x1E800] =	vst v63  }
0x6e: {  	_ =	swait.ge [sflag:s18], $0x1400  }
0x6f: {  	[sflag:s18] =	ssyncset.done $0x0  }
0x70: {  	[sflag:s18] =	ssyncadd.s32 $0xFFFFEC00  }
0x71: {  	[tilespmem:s17], [sflag:$0x1] =	stream.indirect.gather [hbm4b:s4+s21], $0x80, s19, s21, $0xb8;
	[tilespmem:$0x1E800] =	vst v63  }
0x72: {  	_ = 	snop  }
0x73: {  	[tilespmem:s23], [sflag:$0x2] =	stream.indirect.gather [hbm4b:s4+s21], $0x80, s22, s21, $0xb8;
	[tilespmem:$0x1E800] =	vst v63  }
0x74: {  	_ =	swait.ge [sflag:s24], $0x4000  }
0x75: {  	[sflag:s24] =	ssyncset.done $0x0  }
0x76: {  	s5 =	simm.s32 $0x15400;
	[sflag:s24] =	ssyncadd.s32 $0xFFFFC000  }
0x77: {  	[spmem:s1] =	stream.indirect.scatter.add.f32 [tilespmem:s17], [sflag:$0x3], $0x80, s5, s21, $0xb8;
	[tilespmem:$0x1E800] =	vst v63  }
0x78: {  	_ =	swait.ge [sflag:s25], $0x4000  }
0x79: {  	[sflag:s25] =	ssyncset.done $0x0  }
0x7a: {  	s2 =	simm.s32 $0x15480;
	[sflag:s25] =	ssyncadd.s32 $0xFFFFC000  }
0x7b: {  	[spmem:s1] =	stream.indirect.scatter.add.f32 [tilespmem:s23], [sflag:$0x4], $0x80, s2, s21, $0xb8;
	[tilespmem:$0x1E800] =	vst v63  }
0x7c: {  	_ =	swait.ge [sflag:s26], $0x4000  }
0x7d: {  	[sflag:s26] =	ssyncset.done $0x0  }
0x7e: {  	s5 =	simm.s32 $0x14100;
	[sflag:s26] =	ssyncadd.s32 $0xFFFFC000  }
0x7f: {  	[tilespmem:s17], [sflag:$0x1] =	stream.indirect.gather [hbm4b:s4+s21], $0x80, s5, s21, $0xb8;
	[tilespmem:$0x1E800] =	vst v63  }
0x80: {  	_ =	swait.ge [sflag:s28], $0x4000  }
0x81: {  	[sflag:s28] =	ssyncset.done $0x0  }
0x82: {  	s0 =	simm.s32 $0x400;
	s2 =	simm.s32 $0x14180;
	[sflag:s28] =	ssyncadd.s32 $0xFFFFC000  }
.LBB2_4:
0x83: {  	[tilespmem:s23], [sflag:$0x2] =	stream.indirect.gather [hbm4b:s4+s21], $0x80, s2, s21, $0xb8;
	[tilespmem:$0x1E800] =	vst v63  }
0x84: {  	s2 =	smov.u32 s0  }
0x85: {  	p0 =	sne.s32 s0, $0x4800;
	s0 =	sadd.s32 $0x400, s0;
	_ =	swait.ge [sflag:s24], $0x4000  }
0x86: {  	s2 =	sshra.s32 s2, $0x2;
	[sflag:s24] =	ssyncset.done $0x0  }
0x87: {  	s5 =	sadd.s32 $0x15400, s2;
	[sflag:s24] =	ssyncadd.s32 $0xFFFFC000  }
0x88: {  	[spmem:s1] =	stream.indirect.scatter.add.f32 [tilespmem:s17], [sflag:$0x3], $0x80, s5, s21, $0xb8;
	[tilespmem:$0x1E800] =	vst v63  }
0x89: {  	_ =	swait.ge [sflag:s25], $0x4000  }
0x8a: {  	[sflag:s25] =	ssyncset.done $0x0  }
0x8b: {  	s5 =	sadd.s32 $0x15480, s2;
	[sflag:s25] =	ssyncadd.s32 $0xFFFFC000  }
0x8c: {  	[spmem:s1] =	stream.indirect.scatter.add.f32 [tilespmem:s23], [sflag:$0x4], $0x80, s5, s21, $0xb8;
	[tilespmem:$0x1E800] =	vst v63  }
0x8d: {  	_ =	swait.ge [sflag:s26], $0x4000  }
0x8e: {  	[sflag:s26] =	ssyncset.done $0x0  }
.Ltmp1:
0x8f: {  	s5 =	sadd.s32 $0x14100, s2;
	[sflag:s26] =	ssyncadd.s32 $0xFFFFC000;
	(pc) =	sbr.rel @p0 .LBB2_4-.Ltmp1, $4  }
0x90: {  	[tilespmem:s17], [sflag:$0x1] =	stream.indirect.gather [hbm4b:s4+s21], $0x80, s5, s21, $0xb8;
	[tilespmem:$0x1E800] =	vst v63  }
0x91: {  	_ =	swait.ge [sflag:s28], $0x4000  }
0x92: {  	[sflag:s28] =	ssyncset.done $0x0  }
0x93: {  	s2 =	sadd.s32 $0x14180, s2;
	[sflag:s28] =	ssyncadd.s32 $0xFFFFC000  }
0x94: {  	[tilespmem:s23], [sflag:$0x2] =	stream.indirect.gather [hbm4b:s4+s21], $0x80, s2, s21, $0xb8;
	[tilespmem:$0x1E800] =	vst v63  }
0x95: {  	_ =	swait.ge [sflag:s24], $0x4000  }
0x96: {  	[sflag:s24] =	ssyncset.done $0x0  }
0x97: {  	[sflag:s24] =	ssyncadd.s32 $0xFFFFC000  }
0x98: {  	[spmem:s1] =	stream.indirect.scatter.add.f32 [tilespmem:s17], [sflag:$0x3], $0x80, s29, s21, $0xb8;
	[tilespmem:$0x1E800] =	vst v63  }
0x99: {  	_ =	swait.ge [sflag:s25], $0x4000  }
0x9a: {  	[sflag:s25] =	ssyncset.done $0x0  }
0x9b: {  	[sflag:s25] =	ssyncadd.s32 $0xFFFFC000  }
0x9c: {  	[spmem:s1] =	stream.indirect.scatter.add.f32 [tilespmem:s23], [sflag:$0x4], $0x80, s30, s21, $0xb8;
	[tilespmem:$0x1E800] =	vst v63  }
0x9d: {  	_ =	swait.ge [sflag:s26], $0x4000  }
0x9e: {  	[sflag:s26] =	ssyncset.done $0x0  }
0x9f: {  	[sflag:s26] =	ssyncadd.s32 $0xFFFFC000  }
0xa0: {  	s0 =	stileid.u32;
	_ =	swait.ge [sflag:s28], $0x4000  }
0xa1: {  	s5 =	sshrl.u32 s6, $0x3;
	s31 =	sadd.s32 $0x1, s31;
	[sflag:s28] =	ssyncset.done $0x0  }
0xa2: {  	s0 =	sshll.u32 s0, $0x6;
	p0 =	sne.s32 s31, s16;
	[sflag:s28] =	ssyncadd.s32 $0xFFFFC000  }
.Ltmp2:
0xa3: {  	s0 =	sor.u32 $0x1C05, s0;
	[bflag:$0x0] =	sbarrier.arrive $0xFFFF;
	(pc) =	sbr.rel @p0 .LBB2_1-.Ltmp2, $4  }
0xa4: {  	[hbm:s15], [sflag:s0] =	dma.local [spmem:s5], $0x2800  }
0xa5: {  	_ =	swait.ge [sflag:s18], $0x2800  }
0xa6: {  	[sflag:s18] =	ssyncset.done $0x0  }
0xa7: {  	[sflag:s18] =	ssyncadd.s32 $0xFFFFD800  }
0xa8: {  	_ =	sfence.sel $0x180000  }
0xa9: {  	[bflag:$0x0] =	sbarrier.arrive $0xFFFF  }
0xaa: {  	_ =	strace $0x9000004A  }
0xab: {  	s0 =	stileid.u32;
	[bflag:$0x2] =	sbarrier.arrive $0xFFFF  }
0xac: {  	p0 =	sne.s32 s0, $0x0;
	s0 =	rddreg [dreg:$0x3]  }
0xad: {  	s0 =	sadd.s32 @!p0 $0x100000, s0  }
0xae: {  	[sflag:s0] =	ssyncadd.tile.s32 @!p0 $0x1;
	_ =	shalt  }
.Lfunc_end2:
_tile_overlayer_lowered:
.L_overlay_start_2:
0xaf: {  	(tag) =	ssettag $0x2  }
0xb0: {  	s0 =	rddreg [dreg:$0x0];
	s2 =	stileid.u32  }
0xb1: {  	s1 =	rddreg [dreg:$0x1];
	p0 =	sne.s32 s2, $0x0  }
0xb2: {  	s3 =	rddreg [dreg:$0x2];
	[bflag:$0x3] =	sbarrier.arrive $0xFFFF;
	s2 =	simm.s32 @!p0 $0x1C05  }
0xb3: {  	[timem:s3], [sflag:s2] =	dma.local @!p0 [hbm:s0], s1  }
0xb4: {  	s0 =	simm.s32 @!p0 $0x5  }
0xb5: {  	_ =	swait.ge @!p0 [sflag:s0], s1  }
0xb6: {  	s1 =	ssub.s32 @!p0 $0x0, s1;
	[sflag:s0] =	ssyncset.done @!p0 $0x0  }
0xb7: {  	[sflag:s0] =	ssyncadd.s32 @!p0 s1  }
0xb8: {  	[bflag:$0x3] =	sbarrier.arrive $0xFFFF  }
0xb9: {  	_ =	shalt  }

// kernel: kernel.16.cloned.1.call-start
scs
__scs_entry_jumppad:
0x0: {  	(pc) =	sbr.rel $0x88, $3  }
0x1: {  	(tag) =	ssettag $0x0;
	lr =	simm.s32 $0x1  }
0x2: {  	[smem:$0x3F99] =	sst lr;
	_ =	strace $0xD0000000  }
0x3: {  	_ = 	snop  }
0x4: {  	_ = 	snop  }
0x5: {  	_ = 	snop  }
0x6: {  	_ = 	snop  }
0x7: {  	_ = 	snop  }
__scs_overlays_trampoline_lowered:
0x8: {  	[smem:$0x3FA8] =	sst s0  }
0x9: {  	[smem:$0x3FA9] =	sst s1  }
0xa: {  	[smem:$0x3FAA] =	sst s2  }
0xb: {  	[smem:$0x3FAB] =	sst s3  }
0xc: {  	[smem:$0x3FAC] =	sst s4  }
0xd: {  	[smem:$0x3FAD] =	sst s5  }
0xe: {  	[smem:$0x3FAE] =	sst s6  }
0xf: {  	[smem:$0x3FAF] =	sst s7  }
0x10: {  	[smem:$0x3FB0] =	sst s8  }
0x11: {  	[smem:$0x3FB1] =	sst s9;
	s0 =	simm.s32 @!p0 $0x0  }
0x12: {  	s1 =	sld [smem:$0x3F97];
	s0 =	simm.s32 @p0 $0x1  }
0x13: {  	[smem:$0x3FB2] =	sst s0;
	s0 =	simm.s32 @!p1 $0x0  }
0x14: {  	s2 =	sld [smem:$0x3F96];
	s0 =	simm.s32 @p1 $0x1  }
0x15: {  	[smem:$0x3FB3] =	sst s0;
	s0 =	simm.s32 @!p2 $0x0  }
0x16: {  	s3 =	sld [smem:$0x3FDB];
	s0 =	simm.s32 @p2 $0x1  }
0x17: {  	s4 =	simm.s32 $0x1BF5;
	[smem:$0x3FB5] =	sst s0  }
0x18: {  	s0 =	sld [smem:$0x3F98];
	_ =	swait.ge [sflag:s4], $0x0  }
0x19: {  	s7 =	sld [smem:$0x3F99]  }
0x1a: {  	s8 =	sadd.s32 $0xFFFFE003, lr  }
0x1b: {  	s9 =	sadd.s32 $0xFFFFFEF7, lr;
	s5 =	simm.s32 $0xFFFFFFFF;
	p2 =	slt.u32 s8, $0xFFFFF086  }
0x1c: {  	p1 =	slt.u32 s9, $0xF7A;
	s5 =	simm.s32 @!p2 $0x0  }
0x1d: {  	s5 =	simm.s32 @p1 $0x1;
	p0 =	seq.s32 s7, s2  }
0x1e: {  	s7 =	smul.u32 @!p0 $0xF7A, s2;
	p2 =	seq.s32 @!p0 s5, $0x0  }
0x1f: {  	s9 =	smul.u32 $0xF7A, s1;
	s8 =	simm.s32 @!p0 $0x1BF5;
	p2 =	por !p2, p0  }
0x20: {  	[sflag:s8] =	ssyncset.s32 @!p0 $0xFFFFF086;
	s6 =	sadd.s32 @!p0 s3, s7;
	s7 =	simm.s32 @!p0 $0x108  }
0x21: {  	s3 =	sadd.s32 s3, s9;
	s6 =	sadd.s32 @!p0 $0x88, s6;
	s7 =	simm.s32 @p2 $0x1082  }
0x22: {  	[simem:s7], [sflag:s8] =	dma.local @!p0 [hbm:s6], $0xF7A  }
0x23: {  	s9 =	sor.u32 $0xD0000000, s2;
	s6 =	simm.s32 $0x108;
	_ =	swait.ge @!p0 [sflag:s8], $0x0  }
0x24: {  	s3 =	sadd.s32 $0x88, s3;
	s6 =	simm.s32 @!p1 $0x1082;
	[sflag:s4] =	ssyncset.s32 $0xFFFFF086  }
0x25: {  	[simem:s6], [sflag:s4] =	dma.local [hbm:s3], $0xF7A  }
0x26: {  	[smem:$0x3F99] =	sst s1;
	(tag) =	ssettag s2;
	_ =	strace s9  }
0x27: {  	s1 =	sld [smem:$0x3FA9]  }
0x28: {  	s2 =	sld [smem:$0x3FAA]  }
0x29: {  	s4 =	sld [smem:$0x3FAC]  }
0x2a: {  	p0 =	seq.s32 s5, $0x0;
	s5 =	sld [smem:$0x3FAD]  }
0x2b: {  	s6 =	sld [smem:$0x3FAE]  }
0x2c: {  	s7 =	sld [smem:$0x3FAF]  }
0x2d: {  	s3 =	simm.s32 $0x108;
	s8 =	sld [smem:$0x3FB0]  }
0x2e: {  	s3 =	simm.s32 @!p0 $0x1082;
	s9 =	sld [smem:$0x3FB1]  }
0x2f: {  	lr =	sadd.s32 s0, s3;
	s0 =	sld [smem:$0x3FA8]  }
0x30: {  	s3 =	sld [smem:$0x3FAB]  }
0x31: {  	[smem:$0x3FB4] =	sst s10  }
0x32: {  	s10 =	sld [smem:$0x3FB2];
	_ =	sdelay $0x3  }
0x33: {  	p0 =	seq.s32 s10, $0x1;
	s10 =	sld [smem:$0x3FB4];
	_ =	sdelay $0x3  }
0x34: {  	[smem:$0x3FB4] =	sst s10  }
0x35: {  	s10 =	sld [smem:$0x3FB3];
	_ =	sdelay $0x3  }
0x36: {  	p1 =	seq.s32 s10, $0x1;
	s10 =	sld [smem:$0x3FB4];
	_ =	sdelay $0x3  }
0x37: {  	[smem:$0x3FB4] =	sst s10  }
0x38: {  	s10 =	sld [smem:$0x3FB5]  }
0x39: {  	_ = 	snop;
	(pc) =	sbr.ind lr, $3  }
0x3a: {  	_ = 	snop  }
0x3b: {  	_ = 	snop  }
0x3c: {  	p2 =	seq.s32 s10, $0x1;
	s10 =	sld [smem:$0x3FB4]  }
0x3d: {  	_ =	shalt  }
0x3e: {  	_ =	shalt  }
0x3f: {  	_ =	shalt  }
0x40: {  	_ =	shalt  }
0x41: {  	_ =	shalt  }
0x42: {  	_ =	shalt  }
0x43: {  	_ =	shalt  }
0x44: {  	_ =	shalt  }
0x45: {  	_ =	shalt  }
0x46: {  	_ =	shalt  }
0x47: {  	_ =	shalt  }
0x48: {  	_ =	shalt  }
0x49: {  	_ =	shalt  }
0x4a: {  	_ =	shalt  }
0x4b: {  	_ =	shalt  }
0x4c: {  	_ =	shalt  }
0x4d: {  	_ =	shalt  }
0x4e: {  	_ =	shalt  }
0x4f: {  	_ =	shalt  }
0x50: {  	_ =	shalt  }
0x51: {  	_ =	shalt  }
0x52: {  	_ =	shalt  }
0x53: {  	_ =	shalt  }
0x54: {  	_ =	shalt  }
0x55: {  	_ =	shalt  }
0x56: {  	_ =	shalt  }
0x57: {  	_ =	shalt  }
0x58: {  	_ =	shalt  }
0x59: {  	_ =	shalt  }
0x5a: {  	_ =	shalt  }
0x5b: {  	_ =	shalt  }
0x5c: {  	_ =	shalt  }
0x5d: {  	_ =	shalt  }
0x5e: {  	_ =	shalt  }
0x5f: {  	_ =	shalt  }
0x60: {  	_ =	shalt  }
0x61: {  	_ =	shalt  }
0x62: {  	_ =	shalt  }
0x63: {  	_ =	shalt  }
0x64: {  	_ =	shalt  }
0x65: {  	_ =	shalt  }
0x66: {  	_ =	shalt  }
0x67: {  	_ =	shalt  }
0x68: {  	_ =	shalt  }
0x69: {  	_ =	shalt  }
0x6a: {  	_ =	shalt  }
0x6b: {  	_ =	shalt  }
0x6c: {  	_ =	shalt  }
0x6d: {  	_ =	shalt  }
0x6e: {  	_ =	shalt  }
0x6f: {  	_ =	shalt  }
0x70: {  	_ =	shalt  }
0x71: {  	_ =	shalt  }
0x72: {  	_ =	shalt  }
0x73: {  	_ =	shalt  }
0x74: {  	_ =	shalt  }
0x75: {  	_ =	shalt  }
0x76: {  	_ =	shalt  }
0x77: {  	_ =	shalt  }
0x78: {  	_ =	shalt  }
0x79: {  	_ =	shalt  }
0x7a: {  	_ =	shalt  }
0x7b: {  	_ =	shalt  }
0x7c: {  	_ =	shalt  }
0x7d: {  	_ =	shalt  }
0x7e: {  	_ =	shalt  }
0x7f: {  	_ =	shalt  }
0x80: {  	_ =	shalt  }
0x81: {  	_ =	shalt  }
0x82: {  	_ =	shalt  }
0x83: {  	_ =	shalt  }
0x84: {  	_ =	shalt  }
0x85: {  	_ =	shalt  }
0x86: {  	_ =	shalt  }
0x87: {  	_ =	shalt  }
.Lfunc_end0:
.L_simem_size_0:
called_computation.2_lowered:
.L_overlay_start_0:
0x88: {  	s2 =	sld [smem:$0x3FD9]  }
0x89: {  	s3 =	sld [smem:$0x3FFE];
	_ =	sdelay $0x1  }
0x8a: {  	s1 =	srdreg.scid  }
0x8b: {  	s0 =	sand.u32 $0x1, s1  }
0x8c: {  	s14 =	sshll.u32 s0, $0xA;
	s2 =	sadd.s32 s3, s2  }
0x8d: {  	s2 =	sadd.s32 s2, s14  }
0x8e: {  	[smem:$0x3FC0] =	sst s2  }
0x8f: {  	_ = 	snop  }
0x90: {  	s2 =	sld [smem:$0x3FD0];
	_ =	sdelay $0x2  }
0x91: {  	s15 =	simm.s32 $0xA;
	s4 =	simm.s32 $0x10  }
0x92: {  	[smem:s4], [sflag:s15] =	dma.local [hbm:s2], $0x1  }
0x93: {  	_ =	swait.eq [sflag:s15], $0x1  }
0x94: {  	[sflag:s15] =	ssyncset.done $0x0  }
0x95: {  	[sflag:s15] =	ssyncadd.s32 $0xFFFFFFFF  }
0x96: {  	s16 =	sld [smem:$0x10];
	(tm) =	ssettm $0x1  }
0x97: {  	s17 =	sld [smem:$0x3FFB];
	_ =	sdelay $0x3  }
0x98: {  	_ =	strace s17  }
0x99: {  	s3 =	sld [smem:$0x3FFC];
	_ =	sdelay $0x3  }
0x9a: {  	_ =	strace s3  }
0x9b: {  	s3 =	sld [smem:$0x3FFD];
	_ =	sdelay $0x3  }
0x9c: {  	_ =	strace s3  }
0x9d: {  	_ =	strace $0x8FFFFFFF  }
0x9e: {  	s18 =	sld [smem:$0x3FDB];
	_ =	sdelay $0x1  }
0x9f: {  	s19 =	simm.s32 $_scs_section_size  }
0xa0: {  	s5 =	simm.s32 $_size__tile_overlayer_lowered;
	s6 =	simm.s32 $_tile_overlayer_lowered  }
0xa1: {  	s22 =	simm.s32 $0x1BFF;
	s21 =	sshll.u32 s6, $0x1;
	s3 =	sadd.s32 s19, s18  }
0xa2: {  	s7 =	simm.s32 $0x0;
	s20 =	sshll.u32 s5, $0x1;
	s5 =	sadd.s32 s21, s3  }
0xa3: {  	[timem:s7], [sflag:s22] =	dma.local [hbm:s5], s20  }
0xa4: {  	_ =	swait.ge [sflag:s22], s20  }
0xa5: {  	s4 =	ssub.s32 $0x0, s20;
	[sflag:s22] =	ssyncset.done $0x0  }
0xa6: {  	[sflag:s22] =	ssyncadd.s32 s4;
	_ =	sdelay $0x1  }
0xa7: {  	s23 =	simm.s32 $0x1B8B  }
0xa8: {  	_ =	swait.ge [sflag:s23], $0x1  }
0xa9: {  	[sflag:s23] =	ssyncset.done $0x0  }
0xaa: {  	s25 =	simm.s32 $0x1B8E;
	s24 =	sld [smem:$0x3FFE];
	[sflag:s23] =	ssyncadd.s32 $0xFFFFFFFF  }
0xab: {  	s26 =	simm.s32 $execute0_lowered;
	[smem:$0x3FD2] =	sst s25  }
0xac: {  	s5 =	sshll.u32 s26, $0x1;
	_ =	strace $0x8000004C;
	[dreg:$0x1] =	wrdreg $0xFFFFFFFF  }
0xad: {  	s28 =	simm.s32 $_size_execute0_lowered;
	s3 =	sadd.s32 s3, s5;
	[dreg:$0x0] =	wrdreg $0x0  }
0xae: {  	s5 =	sshll.u32 s28, $0x1;
	[dreg:$0x2] =	wrdreg s3  }
0xaf: {  	[dreg:$0x3] =	wrdreg s5  }
0xb0: {  	[dreg:$0x4] =	wrdreg $0xC0  }
0xb1: {  	_ =	task [dreg:s7], $0x5FFFF  }
0xb2: {  	[dreg:$0x1] =	wrdreg $0xFFFFFFFF  }
0xb3: {  	[dreg:$0x0] =	wrdreg $0x60  }
0xb4: {  	[dreg:$0x2] =	wrdreg s24  }
0xb5: {  	[dreg:$0x3] =	wrdreg s16  }
0xb6: {  	[dreg:$0x4] =	wrdreg $0x0  }
0xb7: {  	[dreg:$0x5] =	wrdreg $0x9  }
0xb8: {  	_ =	task.clear_ibuf [dreg:s7], $0x6FFFF;
	_ =	strace $0x9000004C  }
0xb9: {  	s29 =	simm.s32 $0x9;
	_ =	strace $0x8000004E  }
0xba: {  	_ =	swait.ge [sflag:s29], $0x1  }
0xbb: {  	[sflag:s29] =	ssyncadd.s32 $0xFFFFFFFF  }
0xbc: {  	_ =	strace $0x9000004E  }
0xbd: {  	_ =	sfence  }
0xbe: {  	s30 =	sld [smem:$0x0];
	_ =	sdelay $0x2  }
0xbf: {  	s31 =	sshll.u32 s1, $0xD;
	s1 =	sshrl.u32 s1, $0x2  }
0xc0: {  	s3 =	sand.u32 $0x4000, s31;
	s1 =	sadd.s32 s1, s30  }
0xc1: {  	s0 =	sor.u32 s3, s0;
	s1 =	sshll.u32 s1, $0x11  }
0xc2: {  	s0 =	sor.u32 s1, s0  }
0xc3: {  	s0 =	sadd.s32 $0x8F2B, s0  }
0xc4: {  	[sflag:s0] =	ssyncadd.remote.s32 $0x1  }
0xc5: {  	_ =	sfence.sel $0xFFFF  }
0xc6: {  	[dreg:$0x0] =	wrdreg $0xFFFFFFFF;
	(pc) =	sbr.abs _section_cstart, $3  }
0xc7: {  	[dreg:$0x1] =	wrdreg $0xFFFFFFFF  }
0xc8: {  	_ =	task.clear_ibuf [dreg:s7], $0x2FFFF;
	_ =	strace $0x9FFFFFFF  }
0xc9: {  	(tm) =	ssettm $0x7FFFFFFF  }
tec
execute0_lowered:
.L_overlay_start_1:
0x0: {  	(tag) =	ssettag $0x1  }
0x1: {  	s0 =	rddreg [dreg:$0x0]  }
0x2: {  	s2 =	rddreg [dreg:$0x1]  }
0x3: {  	s1 =	rddreg [dreg:$0x2]  }
0x4: {  	s3 =	srdreg.scid;
	s9 =	stileid.u32;
	s17 =	simm.s32 $0x16800  }
0x5: {  	s18 =	simm.s32 $0x5;
	s19 =	simm.s32 $0x14000;
	s20 =	simm.s32 $0x15400  }
0x6: {  	s21 =	simm.s32 $0x80;
	s22 =	simm.s32 $0x14080;
	s23 =	simm.s32 $0x1A800  }
0x7: {  	s28 =	simm.s32 $0x4;
	s29 =	simm.s32 $0x16700;
	s30 =	simm.s32 $0x16780  }
0x8: {  	s31 =	simm.s32 $0x0;
	s6 =	sand.u32 $0x1, s3;
	s3 =	simm.s32 $0x0  }
0x9: {  	s7 =	smul.u32 $0x14000, s9;
	s4 =	sadd.s32 $0xDA00, s0;
	s14 =	sadd.s32 $0x3A00, s0  }
0xa: {  	s24 =	sadd.s32 $0x35A00, s0;
	s8 =	smul.u32 $0x50000, s9;
	s9 =	sshll.u32 s9, $0x1  }
0xb: {  	s5 =	smul.u32 $0x140000, s6;
	[smem:$0x7FF] =	sst s3;
	s25 =	ssub.s32 $0x2, s6  }
0xc: {  	s9 =	sor.u32 s6, s9;
	_ =	strace $0x8000004D;
	[dreg:$0x4] =	wrdreg s24  }
0xd: {  	s10 =	sshrl.u32 s25, $0x1;
	s26 =	sshrl.u32 s8, $0x2;
	s11 =	smul.u32 $0x2800, s9  }
0xe: {  	s12 =	smul.u32 $0x500, s9;
	s24 =	simm.s32 $0x1;
	s7 =	sadd.s32 s7, s5  }
0xf: {  	s16 =	ssub.s32 s25, s10;
	s6 =	sadd.s32 s26, s1;
	s25 =	simm.s32 $0x2  }
0x10: {  	s26 =	simm.s32 $0x3;
	s7 =	sshrl.u32 s7, $0x3;
	s8 =	sadd.s32 $0x8000, s6  }
0x11: {  	s9 =	sadd.s32 $0xC000, s6;
	s10 =	sadd.s32 $0x10000, s6;
	s13 =	sshrl.u32 s11, $0x3  }
0x12: {  	s11 =	sadd.s32 s2, s12;
	s12 =	sadd.s32 s14, s12;
	s16 =	smax.u32 s16, $0x1  }
0x13: {  	s0 =	sadd.s32 s7, s0;
	s7 =	sadd.s32 $0x4000, s6;
	s15 =	sadd.s32 $0x280, s13  }
0x14: {  	s13 =	sadd.s32 s2, s15;
	s14 =	sadd.s32 s14, s15;
	s15 =	sadd.s32 $0x36200, s0  }
.LBB2_1:
0x15: {  	s0 =	rddreg [dreg:$0x4]  }
0x16: {  	[tilespmem:s17], [sflag:$0x5] =	stream.linear.gather [hbm4b:s0+s3], $0x4000, $0x38;
	[tilespmem:$0x1E800] =	vst v63  }
0x17: {  	_ =	swait.ge [sflag:s18], $0x4000  }
0x18: {  	[sflag:s18] =	ssyncset.done $0x0  }
0x19: {  	[sflag:s18] =	ssyncadd.s32 $0xFFFFC000  }
0x1a: {  	[spmem:s6] =	stream.linear.scatter [tilespmem:s17], [sflag:$0x5], $0x4000, $0x38;
	[tilespmem:$0x1E800] =	vst v63  }
0x1b: {  	_ =	swait.ge [sflag:s18], $0x4000  }
0x1c: {  	[sflag:s18] =	ssyncset.done $0x0  }
0x1d: {  	[sflag:s18] =	ssyncadd.s32 $0xFFFFC000  }
0x1e: {  	[spmem:s7] =	stream.linear.scatter [tilespmem:s17], [sflag:$0x5], $0x4000, $0x38;
	[tilespmem:$0x1E800] =	vst v63  }
0x1f: {  	_ =	swait.ge [sflag:s18], $0x4000  }
0x20: {  	[sflag:s18] =	ssyncset.done $0x0  }
0x21: {  	[sflag:s18] =	ssyncadd.s32 $0xFFFFC000  }
0x22: {  	[spmem:s8] =	stream.linear.scatter [tilespmem:s17], [sflag:$0x5], $0x4000, $0x38;
	[tilespmem:$0x1E800] =	vst v63  }
0x23: {  	_ =	swait.ge [sflag:s18], $0x4000  }
0x24: {  	[sflag:s18] =	ssyncset.done $0x0  }
0x25: {  	[sflag:s18] =	ssyncadd.s32 $0xFFFFC000  }
0x26: {  	[spmem:s9] =	stream.linear.scatter [tilespmem:s17], [sflag:$0x5], $0x4000, $0x38;
	[tilespmem:$0x1E800] =	vst v63  }
0x27: {  	_ =	swait.ge [sflag:s18], $0x4000  }
0x28: {  	[sflag:s18] =	ssyncset.done $0x0  }
0x29: {  	[sflag:s18] =	ssyncadd.s32 $0xFFFFC000  }
0x2a: {  	[spmem:s10] =	stream.linear.scatter [tilespmem:s17], [sflag:$0x5], $0x4000, $0x38;
	[tilespmem:$0x1E800] =	vst v63  }
0x2b: {  	_ =	swait.ge [sflag:s18], $0x4000  }
0x2c: {  	[sflag:s18] =	ssyncset.done $0x0  }
0x2d: {  	[sflag:s18] =	ssyncadd.s32 $0xFFFFC000  }
0x2e: {  	[bflag:$0x0] =	sbarrier.arrive $0xFFFF  }
0x2f: {  	[tilespmem:s19], [sflag:$0x5] =	stream.linear.gather [hbm4b:s11+s3], $0x1400, $0x38;
	[tilespmem:$0x1E800] =	vst v63  }
0x30: {  	_ =	swait.ge [sflag:s18], $0x1400  }
0x31: {  	[sflag:s18] =	ssyncset.done $0x0  }
0x32: {  	[sflag:s18] =	ssyncadd.s32 $0xFFFFEC00  }
0x33: {  	[tilespmem:s20], [sflag:$0x5] =	stream.linear.gather [hbm4b:s12+s3], $0x1400, $0x38;
	[tilespmem:$0x1E800] =	vst v63  }
0x34: {  	_ =	swait.ge [sflag:s18], $0x1400  }
0x35: {  	[sflag:s18] =	ssyncset.done $0x0  }
0x36: {  	[sflag:s18] =	ssyncadd.s32 $0xFFFFEC00  }
0x37: {  	[tilespmem:s17], [sflag:$0x1] =	stream.indirect.gather [hbm4b:s4+s21], $0x80, s19, s21, $0xb8;
	[tilespmem:$0x1E800] =	vst v63  }
0x38: {  	_ = 	snop  }
0x39: {  	[tilespmem:s23], [sflag:$0x2] =	stream.indirect.gather [hbm4b:s4+s21], $0x80, s22, s21, $0xb8;
	[tilespmem:$0x1E800] =	vst v63  }
0x3a: {  	_ =	swait.ge [sflag:s24], $0x4000  }
0x3b: {  	[sflag:s24] =	ssyncset.done $0x0  }
0x3c: {  	s5 =	simm.s32 $0x15400;
	[sflag:s24] =	ssyncadd.s32 $0xFFFFC000  }
0x3d: {  	[spmem:s1] =	stream.indirect.scatter.add.f32 [tilespmem:s17], [sflag:$0x3], $0x80, s5, s21, $0xb8;
	[tilespmem:$0x1E800] =	vst v63  }
0x3e: {  	_ =	swait.ge [sflag:s25], $0x4000  }
0x3f: {  	[sflag:s25] =	ssyncset.done $0x0  }
0x40: {  	s2 =	simm.s32 $0x15480;
	[sflag:s25] =	ssyncadd.s32 $0xFFFFC000  }
0x41: {  	[spmem:s1] =	stream.indirect.scatter.add.f32 [tilespmem:s23], [sflag:$0x4], $0x80, s2, s21, $0xb8;
	[tilespmem:$0x1E800] =	vst v63  }
0x42: {  	_ =	swait.ge [sflag:s26], $0x4000  }
0x43: {  	[sflag:s26] =	ssyncset.done $0x0  }
0x44: {  	s5 =	simm.s32 $0x14100;
	[sflag:s26] =	ssyncadd.s32 $0xFFFFC000  }
0x45: {  	[tilespmem:s17], [sflag:$0x1] =	stream.indirect.gather [hbm4b:s4+s21], $0x80, s5, s21, $0xb8;
	[tilespmem:$0x1E800] =	vst v63  }
0x46: {  	_ =	swait.ge [sflag:s28], $0x4000  }
0x47: {  	[sflag:s28] =	ssyncset.done $0x0  }
0x48: {  	s0 =	simm.s32 $0x400;
	s2 =	simm.s32 $0x14180;
	[sflag:s28] =	ssyncadd.s32 $0xFFFFC000  }
.LBB2_2:
0x49: {  	[tilespmem:s23], [sflag:$0x2] =	stream.indirect.gather [hbm4b:s4+s21], $0x80, s2, s21, $0xb8;
	[tilespmem:$0x1E800] =	vst v63  }
0x4a: {  	s2 =	smov.u32 s0  }
0x4b: {  	p0 =	sne.s32 s0, $0x4800;
	s0 =	sadd.s32 $0x400, s0;
	_ =	swait.ge [sflag:s24], $0x4000  }
0x4c: {  	s2 =	sshra.s32 s2, $0x2;
	[sflag:s24] =	ssyncset.done $0x0  }
0x4d: {  	s5 =	sadd.s32 $0x15400, s2;
	[sflag:s24] =	ssyncadd.s32 $0xFFFFC000  }
0x4e: {  	[spmem:s1] =	stream.indirect.scatter.add.f32 [tilespmem:s17], [sflag:$0x3], $0x80, s5, s21, $0xb8;
	[tilespmem:$0x1E800] =	vst v63  }
0x4f: {  	_ =	swait.ge [sflag:s25], $0x4000  }
0x50: {  	[sflag:s25] =	ssyncset.done $0x0  }
0x51: {  	s5 =	sadd.s32 $0x15480, s2;
	[sflag:s25] =	ssyncadd.s32 $0xFFFFC000  }
0x52: {  	[spmem:s1] =	stream.indirect.scatter.add.f32 [tilespmem:s23], [sflag:$0x4], $0x80, s5, s21, $0xb8;
	[tilespmem:$0x1E800] =	vst v63  }
0x53: {  	_ =	swait.ge [sflag:s26], $0x4000  }
0x54: {  	[sflag:s26] =	ssyncset.done $0x0  }
.Ltmp0:
0x55: {  	s5 =	sadd.s32 $0x14100, s2;
	[sflag:s26] =	ssyncadd.s32 $0xFFFFC000;
	(pc) =	sbr.rel @p0 .LBB2_2-.Ltmp0, $4  }
0x56: {  	[tilespmem:s17], [sflag:$0x1] =	stream.indirect.gather [hbm4b:s4+s21], $0x80, s5, s21, $0xb8;
	[tilespmem:$0x1E800] =	vst v63  }
0x57: {  	_ =	swait.ge [sflag:s28], $0x4000  }
0x58: {  	[sflag:s28] =	ssyncset.done $0x0  }
0x59: {  	s2 =	sadd.s32 $0x14180, s2;
	[sflag:s28] =	ssyncadd.s32 $0xFFFFC000  }
0x5a: {  	[tilespmem:s23], [sflag:$0x2] =	stream.indirect.gather [hbm4b:s4+s21], $0x80, s2, s21, $0xb8;
	[tilespmem:$0x1E800] =	vst v63  }
0x5b: {  	_ =	swait.ge [sflag:s24], $0x4000  }
0x5c: {  	[sflag:s24] =	ssyncset.done $0x0  }
0x5d: {  	[sflag:s24] =	ssyncadd.s32 $0xFFFFC000  }
0x5e: {  	[spmem:s1] =	stream.indirect.scatter.add.f32 [tilespmem:s17], [sflag:$0x3], $0x80, s29, s21, $0xb8;
	[tilespmem:$0x1E800] =	vst v63  }
0x5f: {  	_ =	swait.ge [sflag:s25], $0x4000  }
0x60: {  	[sflag:s25] =	ssyncset.done $0x0  }
0x61: {  	[sflag:s25] =	ssyncadd.s32 $0xFFFFC000  }
0x62: {  	[spmem:s1] =	stream.indirect.scatter.add.f32 [tilespmem:s23], [sflag:$0x4], $0x80, s30, s21, $0xb8;
	[tilespmem:$0x1E800] =	vst v63  }
0x63: {  	_ =	swait.ge [sflag:s26], $0x4000  }
0x64: {  	[sflag:s26] =	ssyncset.done $0x0  }
0x65: {  	[sflag:s26] =	ssyncadd.s32 $0xFFFFC000  }
0x66: {  	_ =	swait.ge [sflag:s28], $0x4000  }
0x67: {  	[sflag:s28] =	ssyncset.done $0x0  }
0x68: {  	s0 =	simm.s32 $0x0;
	[sflag:s28] =	ssyncadd.s32 $0xFFFFC000  }
0x69: {  	[tilespmem:s19], [sflag:$0x5] =	stream.linear.gather [hbm4b:s13+s0], $0x1400, $0x38;
	[tilespmem:$0x1E800] =	vst v63  }
0x6a: {  	_ =	swait.ge [sflag:s18], $0x1400  }
0x6b: {  	[sflag:s18] =	ssyncset.done $0x0  }
0x6c: {  	[sflag:s18] =	ssyncadd.s32 $0xFFFFEC00  }
0x6d: {  	[tilespmem:s20], [sflag:$0x5] =	stream.linear.gather [hbm4b:s14+s0], $0x1400, $0x38;
	[tilespmem:$0x1E800] =	vst v63  }
0x6e: {  	_ =	swait.ge [sflag:s18], $0x1400  }
0x6f: {  	[sflag:s18] =	ssyncset.done $0x0  }
0x70: {  	[sflag:s18] =	ssyncadd.s32 $0xFFFFEC00  }
0x71: {  	[tilespmem:s17], [sflag:$0x1] =	stream.indirect.gather [hbm4b:s4+s21], $0x80, s19, s21, $0xb8;
	[tilespmem:$0x1E800] =	vst v63  }
0x72: {  	_ = 	snop  }
0x73: {  	[tilespmem:s23], [sflag:$0x2] =	stream.indirect.gather [hbm4b:s4+s21], $0x80, s22, s21, $0xb8;
	[tilespmem:$0x1E800] =	vst v63  }
0x74: {  	_ =	swait.ge [sflag:s24], $0x4000  }
0x75: {  	[sflag:s24] =	ssyncset.done $0x0  }
0x76: {  	s5 =	simm.s32 $0x15400;
	[sflag:s24] =	ssyncadd.s32 $0xFFFFC000  }
0x77: {  	[spmem:s1] =	stream.indirect.scatter.add.f32 [tilespmem:s17], [sflag:$0x3], $0x80, s5, s21, $0xb8;
	[tilespmem:$0x1E800] =	vst v63  }
0x78: {  	_ =	swait.ge [sflag:s25], $0x4000  }
0x79: {  	[sflag:s25] =	ssyncset.done $0x0  }
0x7a: {  	s2 =	simm.s32 $0x15480;
	[sflag:s25] =	ssyncadd.s32 $0xFFFFC000  }
0x7b: {  	[spmem:s1] =	stream.indirect.scatter.add.f32 [tilespmem:s23], [sflag:$0x4], $0x80, s2, s21, $0xb8;
	[tilespmem:$0x1E800] =	vst v63  }
0x7c: {  	_ =	swait.ge [sflag:s26], $0x4000  }
0x7d: {  	[sflag:s26] =	ssyncset.done $0x0  }
0x7e: {  	s5 =	simm.s32 $0x14100;
	[sflag:s26] =	ssyncadd.s32 $0xFFFFC000  }
0x7f: {  	[tilespmem:s17], [sflag:$0x1] =	stream.indirect.gather [hbm4b:s4+s21], $0x80, s5, s21, $0xb8;
	[tilespmem:$0x1E800] =	vst v63  }
0x80: {  	_ =	swait.ge [sflag:s28], $0x4000  }
0x81: {  	[sflag:s28] =	ssyncset.done $0x0  }
0x82: {  	s0 =	simm.s32 $0x400;
	s2 =	simm.s32 $0x14180;
	[sflag:s28] =	ssyncadd.s32 $0xFFFFC000  }
.LBB2_4:
0x83: {  	[tilespmem:s23], [sflag:$0x2] =	stream.indirect.gather [hbm4b:s4+s21], $0x80, s2, s21, $0xb8;
	[tilespmem:$0x1E800] =	vst v63  }
0x84: {  	s2 =	smov.u32 s0  }
0x85: {  	p0 =	sne.s32 s0, $0x4800;
	s0 =	sadd.s32 $0x400, s0;
	_ =	swait.ge [sflag:s24], $0x4000  }
0x86: {  	s2 =	sshra.s32 s2, $0x2;
	[sflag:s24] =	ssyncset.done $0x0  }
0x87: {  	s5 =	sadd.s32 $0x15400, s2;
	[sflag:s24] =	ssyncadd.s32 $0xFFFFC000  }
0x88: {  	[spmem:s1] =	stream.indirect.scatter.add.f32 [tilespmem:s17], [sflag:$0x3], $0x80, s5, s21, $0xb8;
	[tilespmem:$0x1E800] =	vst v63  }
0x89: {  	_ =	swait.ge [sflag:s25], $0x4000  }
0x8a: {  	[sflag:s25] =	ssyncset.done $0x0  }
0x8b: {  	s5 =	sadd.s32 $0x15480, s2;
	[sflag:s25] =	ssyncadd.s32 $0xFFFFC000  }
0x8c: {  	[spmem:s1] =	stream.indirect.scatter.add.f32 [tilespmem:s23], [sflag:$0x4], $0x80, s5, s21, $0xb8;
	[tilespmem:$0x1E800] =	vst v63  }
0x8d: {  	_ =	swait.ge [sflag:s26], $0x4000  }
0x8e: {  	[sflag:s26] =	ssyncset.done $0x0  }
.Ltmp1:
0x8f: {  	s5 =	sadd.s32 $0x14100, s2;
	[sflag:s26] =	ssyncadd.s32 $0xFFFFC000;
	(pc) =	sbr.rel @p0 .LBB2_4-.Ltmp1, $4  }
0x90: {  	[tilespmem:s17], [sflag:$0x1] =	stream.indirect.gather [hbm4b:s4+s21], $0x80, s5, s21, $0xb8;
	[tilespmem:$0x1E800] =	vst v63  }
0x91: {  	_ =	swait.ge [sflag:s28], $0x4000  }
0x92: {  	[sflag:s28] =	ssyncset.done $0x0  }
0x93: {  	s2 =	sadd.s32 $0x14180, s2;
	[sflag:s28] =	ssyncadd.s32 $0xFFFFC000  }
0x94: {  	[tilespmem:s23], [sflag:$0x2] =	stream.indirect.gather [hbm4b:s4+s21], $0x80, s2, s21, $0xb8;
	[tilespmem:$0x1E800] =	vst v63  }
0x95: {  	_ =	swait.ge [sflag:s24], $0x4000  }
0x96: {  	[sflag:s24] =	ssyncset.done $0x0  }
0x97: {  	[sflag:s24] =	ssyncadd.s32 $0xFFFFC000  }
0x98: {  	[spmem:s1] =	stream.indirect.scatter.add.f32 [tilespmem:s17], [sflag:$0x3], $0x80, s29, s21, $0xb8;
	[tilespmem:$0x1E800] =	vst v63  }
0x99: {  	_ =	swait.ge [sflag:s25], $0x4000  }
0x9a: {  	[sflag:s25] =	ssyncset.done $0x0  }
0x9b: {  	[sflag:s25] =	ssyncadd.s32 $0xFFFFC000  }
0x9c: {  	[spmem:s1] =	stream.indirect.scatter.add.f32 [tilespmem:s23], [sflag:$0x4], $0x80, s30, s21, $0xb8;
	[tilespmem:$0x1E800] =	vst v63  }
0x9d: {  	_ =	swait.ge [sflag:s26], $0x4000  }
0x9e: {  	[sflag:s26] =	ssyncset.done $0x0  }
0x9f: {  	[sflag:s26] =	ssyncadd.s32 $0xFFFFC000  }
0xa0: {  	s0 =	stileid.u32;
	_ =	swait.ge [sflag:s28], $0x4000  }
0xa1: {  	s5 =	sshrl.u32 s6, $0x3;
	s31 =	sadd.s32 $0x1, s31;
	[sflag:s28] =	ssyncset.done $0x0  }
0xa2: {  	s0 =	sshll.u32 s0, $0x6;
	p0 =	sne.s32 s31, s16;
	[sflag:s28] =	ssyncadd.s32 $0xFFFFC000  }
.Ltmp2:
0xa3: {  	s0 =	sor.u32 $0x1C05, s0;
	[bflag:$0x0] =	sbarrier.arrive $0xFFFF;
	(pc) =	sbr.rel @p0 .LBB2_1-.Ltmp2, $4  }
0xa4: {  	[hbm:s15], [sflag:s0] =	dma.local [spmem:s5], $0x2800  }
0xa5: {  	_ =	swait.ge [sflag:s18], $0x2800  }
0xa6: {  	[sflag:s18] =	ssyncset.done $0x0  }
0xa7: {  	[sflag:s18] =	ssyncadd.s32 $0xFFFFD800  }
0xa8: {  	_ =	sfence.sel $0x180000  }
0xa9: {  	[bflag:$0x0] =	sbarrier.arrive $0xFFFF  }
0xaa: {  	_ =	strace $0x9000004D  }
0xab: {  	s0 =	stileid.u32;
	[bflag:$0x2] =	sbarrier.arrive $0xFFFF  }
0xac: {  	p0 =	sne.s32 s0, $0x0;
	s0 =	rddreg [dreg:$0x3]  }
0xad: {  	s0 =	sadd.s32 @!p0 $0x100000, s0  }
0xae: {  	[sflag:s0] =	ssyncadd.tile.s32 @!p0 $0x1;
	_ =	shalt  }
.Lfunc_end2:
_tile_overlayer_lowered:
.L_overlay_start_2:
0xaf: {  	(tag) =	ssettag $0x2  }
0xb0: {  	s0 =	rddreg [dreg:$0x0];
	s2 =	stileid.u32  }
0xb1: {  	s1 =	rddreg [dreg:$0x1];
	p0 =	sne.s32 s2, $0x0  }
0xb2: {  	s3 =	rddreg [dreg:$0x2];
	[bflag:$0x3] =	sbarrier.arrive $0xFFFF;
	s2 =	simm.s32 @!p0 $0x1C05  }
0xb3: {  	[timem:s3], [sflag:s2] =	dma.local @!p0 [hbm:s0], s1  }
0xb4: {  	s0 =	simm.s32 @!p0 $0x5  }
0xb5: {  	_ =	swait.ge @!p0 [sflag:s0], s1  }
0xb6: {  	s1 =	ssub.s32 @!p0 $0x0, s1;
	[sflag:s0] =	ssyncset.done @!p0 $0x0  }
0xb7: {  	[sflag:s0] =	ssyncadd.s32 @!p0 s1  }
0xb8: {  	[bflag:$0x3] =	sbarrier.arrive $0xFFFF  }
0xb9: {  	_ =	shalt  }

// kernel: kernel.19.cloned.1.call-start
scs
__scs_entry_jumppad:
0x0: {  	(pc) =	sbr.rel $0x88, $3  }
0x1: {  	(tag) =	ssettag $0x0;
	lr =	simm.s32 $0x1  }
0x2: {  	[smem:$0x3F99] =	sst lr;
	_ =	strace $0xD0000000  }
0x3: {  	_ = 	snop  }
0x4: {  	_ = 	snop  }
0x5: {  	_ = 	snop  }
0x6: {  	_ = 	snop  }
0x7: {  	_ = 	snop  }
__scs_overlays_trampoline_lowered:
0x8: {  	[smem:$0x3FA8] =	sst s0  }
0x9: {  	[smem:$0x3FA9] =	sst s1  }
0xa: {  	[smem:$0x3FAA] =	sst s2  }
0xb: {  	[smem:$0x3FAB] =	sst s3  }
0xc: {  	[smem:$0x3FAC] =	sst s4  }
0xd: {  	[smem:$0x3FAD] =	sst s5  }
0xe: {  	[smem:$0x3FAE] =	sst s6  }
0xf: {  	[smem:$0x3FAF] =	sst s7  }
0x10: {  	[smem:$0x3FB0] =	sst s8  }
0x11: {  	[smem:$0x3FB1] =	sst s9;
	s0 =	simm.s32 @!p0 $0x0  }
0x12: {  	s1 =	sld [smem:$0x3F97];
	s0 =	simm.s32 @p0 $0x1  }
0x13: {  	[smem:$0x3FB2] =	sst s0;
	s0 =	simm.s32 @!p1 $0x0  }
0x14: {  	s2 =	sld [smem:$0x3F96];
	s0 =	simm.s32 @p1 $0x1  }
0x15: {  	[smem:$0x3FB3] =	sst s0;
	s0 =	simm.s32 @!p2 $0x0  }
0x16: {  	s3 =	sld [smem:$0x3FDB];
	s0 =	simm.s32 @p2 $0x1  }
0x17: {  	s4 =	simm.s32 $0x1BF5;
	[smem:$0x3FB5] =	sst s0  }
0x18: {  	s0 =	sld [smem:$0x3F98];
	_ =	swait.ge [sflag:s4], $0x0  }
0x19: {  	s7 =	sld [smem:$0x3F99]  }
0x1a: {  	s8 =	sadd.s32 $0xFFFFE003, lr  }
0x1b: {  	s9 =	sadd.s32 $0xFFFFFEF7, lr;
	s5 =	simm.s32 $0xFFFFFFFF;
	p2 =	slt.u32 s8, $0xFFFFF086  }
0x1c: {  	p1 =	slt.u32 s9, $0xF7A;
	s5 =	simm.s32 @!p2 $0x0  }
0x1d: {  	s5 =	simm.s32 @p1 $0x1;
	p0 =	seq.s32 s7, s2  }
0x1e: {  	s7 =	smul.u32 @!p0 $0xF7A, s2;
	p2 =	seq.s32 @!p0 s5, $0x0  }
0x1f: {  	s9 =	smul.u32 $0xF7A, s1;
	s8 =	simm.s32 @!p0 $0x1BF5;
	p2 =	por !p2, p0  }
0x20: {  	[sflag:s8] =	ssyncset.s32 @!p0 $0xFFFFF086;
	s6 =	sadd.s32 @!p0 s3, s7;
	s7 =	simm.s32 @!p0 $0x108  }
0x21: {  	s3 =	sadd.s32 s3, s9;
	s6 =	sadd.s32 @!p0 $0x88, s6;
	s7 =	simm.s32 @p2 $0x1082  }
0x22: {  	[simem:s7], [sflag:s8] =	dma.local @!p0 [hbm:s6], $0xF7A  }
0x23: {  	s9 =	sor.u32 $0xD0000000, s2;
	s6 =	simm.s32 $0x108;
	_ =	swait.ge @!p0 [sflag:s8], $0x0  }
0x24: {  	s3 =	sadd.s32 $0x88, s3;
	s6 =	simm.s32 @!p1 $0x1082;
	[sflag:s4] =	ssyncset.s32 $0xFFFFF086  }
0x25: {  	[simem:s6], [sflag:s4] =	dma.local [hbm:s3], $0xF7A  }
0x26: {  	[smem:$0x3F99] =	sst s1;
	(tag) =	ssettag s2;
	_ =	strace s9  }
0x27: {  	s1 =	sld [smem:$0x3FA9]  }
0x28: {  	s2 =	sld [smem:$0x3FAA]  }
0x29: {  	s4 =	sld [smem:$0x3FAC]  }
0x2a: {  	p0 =	seq.s32 s5, $0x0;
	s5 =	sld [smem:$0x3FAD]  }
0x2b: {  	s6 =	sld [smem:$0x3FAE]  }
0x2c: {  	s7 =	sld [smem:$0x3FAF]  }
0x2d: {  	s3 =	simm.s32 $0x108;
	s8 =	sld [smem:$0x3FB0]  }
0x2e: {  	s3 =	simm.s32 @!p0 $0x1082;
	s9 =	sld [smem:$0x3FB1]  }
0x2f: {  	lr =	sadd.s32 s0, s3;
	s0 =	sld [smem:$0x3FA8]  }
0x30: {  	s3 =	sld [smem:$0x3FAB]  }
0x31: {  	[smem:$0x3FB4] =	sst s10  }
0x32: {  	s10 =	sld [smem:$0x3FB2];
	_ =	sdelay $0x3  }
0x33: {  	p0 =	seq.s32 s10, $0x1;
	s10 =	sld [smem:$0x3FB4];
	_ =	sdelay $0x3  }
0x34: {  	[smem:$0x3FB4] =	sst s10  }
0x35: {  	s10 =	sld [smem:$0x3FB3];
	_ =	sdelay $0x3  }
0x36: {  	p1 =	seq.s32 s10, $0x1;
	s10 =	sld [smem:$0x3FB4];
	_ =	sdelay $0x3  }
0x37: {  	[smem:$0x3FB4] =	sst s10  }
0x38: {  	s10 =	sld [smem:$0x3FB5]  }
0x39: {  	_ = 	snop;
	(pc) =	sbr.ind lr, $3  }
0x3a: {  	_ = 	snop  }
0x3b: {  	_ = 	snop  }
0x3c: {  	p2 =	seq.s32 s10, $0x1;
	s10 =	sld [smem:$0x3FB4]  }
0x3d: {  	_ =	shalt  }
0x3e: {  	_ =	shalt  }
0x3f: {  	_ =	shalt  }
0x40: {  	_ =	shalt  }
0x41: {  	_ =	shalt  }
0x42: {  	_ =	shalt  }
0x43: {  	_ =	shalt  }
0x44: {  	_ =	shalt  }
0x45: {  	_ =	shalt  }
0x46: {  	_ =	shalt  }
0x47: {  	_ =	shalt  }
0x48: {  	_ =	shalt  }
0x49: {  	_ =	shalt  }
0x4a: {  	_ =	shalt  }
0x4b: {  	_ =	shalt  }
0x4c: {  	_ =	shalt  }
0x4d: {  	_ =	shalt  }
0x4e: {  	_ =	shalt  }
0x4f: {  	_ =	shalt  }
0x50: {  	_ =	shalt  }
0x51: {  	_ =	shalt  }
0x52: {  	_ =	shalt  }
0x53: {  	_ =	shalt  }
0x54: {  	_ =	shalt  }
0x55: {  	_ =	shalt  }
0x56: {  	_ =	shalt  }
0x57: {  	_ =	shalt  }
0x58: {  	_ =	shalt  }
0x59: {  	_ =	shalt  }
0x5a: {  	_ =	shalt  }
0x5b: {  	_ =	shalt  }
0x5c: {  	_ =	shalt  }
0x5d: {  	_ =	shalt  }
0x5e: {  	_ =	shalt  }
0x5f: {  	_ =	shalt  }
0x60: {  	_ =	shalt  }
0x61: {  	_ =	shalt  }
0x62: {  	_ =	shalt  }
0x63: {  	_ =	shalt  }
0x64: {  	_ =	shalt  }
0x65: {  	_ =	shalt  }
0x66: {  	_ =	shalt  }
0x67: {  	_ =	shalt  }
0x68: {  	_ =	shalt  }
0x69: {  	_ =	shalt  }
0x6a: {  	_ =	shalt  }
0x6b: {  	_ =	shalt  }
0x6c: {  	_ =	shalt  }
0x6d: {  	_ =	shalt  }
0x6e: {  	_ =	shalt  }
0x6f: {  	_ =	shalt  }
0x70: {  	_ =	shalt  }
0x71: {  	_ =	shalt  }
0x72: {  	_ =	shalt  }
0x73: {  	_ =	shalt  }
0x74: {  	_ =	shalt  }
0x75: {  	_ =	shalt  }
0x76: {  	_ =	shalt  }
0x77: {  	_ =	shalt  }
0x78: {  	_ =	shalt  }
0x79: {  	_ =	shalt  }
0x7a: {  	_ =	shalt  }
0x7b: {  	_ =	shalt  }
0x7c: {  	_ =	shalt  }
0x7d: {  	_ =	shalt  }
0x7e: {  	_ =	shalt  }
0x7f: {  	_ =	shalt  }
0x80: {  	_ =	shalt  }
0x81: {  	_ =	shalt  }
0x82: {  	_ =	shalt  }
0x83: {  	_ =	shalt  }
0x84: {  	_ =	shalt  }
0x85: {  	_ =	shalt  }
0x86: {  	_ =	shalt  }
0x87: {  	_ =	shalt  }
.Lfunc_end0:
.L_simem_size_0:
called_computation.3_lowered:
.L_overlay_start_0:
0x88: {  	s2 =	sld [smem:$0x3FD9]  }
0x89: {  	s3 =	sld [smem:$0x3FFE];
	_ =	sdelay $0x1  }
0x8a: {  	s1 =	srdreg.scid  }
0x8b: {  	s0 =	sand.u32 $0x1, s1  }
0x8c: {  	s14 =	sshll.u32 s0, $0xA;
	s2 =	sadd.s32 s3, s2  }
0x8d: {  	s2 =	sadd.s32 s2, s14  }
0x8e: {  	[smem:$0x3FC0] =	sst s2  }
0x8f: {  	_ = 	snop  }
0x90: {  	s2 =	sld [smem:$0x3FD0];
	_ =	sdelay $0x2  }
0x91: {  	s15 =	simm.s32 $0xA;
	s4 =	simm.s32 $0x10  }
0x92: {  	[smem:s4], [sflag:s15] =	dma.local [hbm:s2], $0x1  }
0x93: {  	_ =	swait.eq [sflag:s15], $0x1  }
0x94: {  	[sflag:s15] =	ssyncset.done $0x0  }
0x95: {  	[sflag:s15] =	ssyncadd.s32 $0xFFFFFFFF  }
0x96: {  	s16 =	sld [smem:$0x10];
	(tm) =	ssettm $0x1  }
0x97: {  	s17 =	sld [smem:$0x3FFB];
	_ =	sdelay $0x3  }
0x98: {  	_ =	strace s17  }
0x99: {  	s3 =	sld [smem:$0x3FFC];
	_ =	sdelay $0x3  }
0x9a: {  	_ =	strace s3  }
0x9b: {  	s3 =	sld [smem:$0x3FFD];
	_ =	sdelay $0x3  }
0x9c: {  	_ =	strace s3  }
0x9d: {  	_ =	strace $0x8FFFFFFF  }
0x9e: {  	s18 =	sld [smem:$0x3FDB];
	_ =	sdelay $0x1  }
0x9f: {  	s19 =	simm.s32 $_scs_section_size  }
0xa0: {  	s5 =	simm.s32 $_size__tile_overlayer_lowered;
	s6 =	simm.s32 $_tile_overlayer_lowered  }
0xa1: {  	s22 =	simm.s32 $0x1BFF;
	s21 =	sshll.u32 s6, $0x1;
	s3 =	sadd.s32 s19, s18  }
0xa2: {  	s7 =	simm.s32 $0x0;
	s20 =	sshll.u32 s5, $0x1;
	s5 =	sadd.s32 s21, s3  }
0xa3: {  	[timem:s7], [sflag:s22] =	dma.local [hbm:s5], s20  }
0xa4: {  	_ =	swait.ge [sflag:s22], s20  }
0xa5: {  	s4 =	ssub.s32 $0x0, s20;
	[sflag:s22] =	ssyncset.done $0x0  }
0xa6: {  	[sflag:s22] =	ssyncadd.s32 s4;
	_ =	sdelay $0x1  }
0xa7: {  	s23 =	simm.s32 $0x1B8B  }
0xa8: {  	_ =	swait.ge [sflag:s23], $0x1  }
0xa9: {  	[sflag:s23] =	ssyncset.done $0x0  }
0xaa: {  	s25 =	simm.s32 $0x1B8E;
	s24 =	sld [smem:$0x3FFE];
	[sflag:s23] =	ssyncadd.s32 $0xFFFFFFFF  }
0xab: {  	s26 =	simm.s32 $execute0_lowered;
	[smem:$0x3FD2] =	sst s25  }
0xac: {  	s5 =	sshll.u32 s26, $0x1;
	_ =	strace $0x8000004F;
	[dreg:$0x1] =	wrdreg $0xFFFFFFFF  }
0xad: {  	s28 =	simm.s32 $_size_execute0_lowered;
	s3 =	sadd.s32 s3, s5;
	[dreg:$0x0] =	wrdreg $0x0  }
0xae: {  	s5 =	sshll.u32 s28, $0x1;
	[dreg:$0x2] =	wrdreg s3  }
0xaf: {  	[dreg:$0x3] =	wrdreg s5  }
0xb0: {  	[dreg:$0x4] =	wrdreg $0xC0  }
0xb1: {  	_ =	task [dreg:s7], $0x5FFFF  }
0xb2: {  	[dreg:$0x1] =	wrdreg $0xFFFFFFFF  }
0xb3: {  	[dreg:$0x0] =	wrdreg $0x60  }
0xb4: {  	[dreg:$0x2] =	wrdreg s24  }
0xb5: {  	[dreg:$0x3] =	wrdreg s16  }
0xb6: {  	[dreg:$0x4] =	wrdreg $0x0  }
0xb7: {  	[dreg:$0x5] =	wrdreg $0x9  }
0xb8: {  	_ =	task.clear_ibuf [dreg:s7], $0x6FFFF;
	_ =	strace $0x9000004F  }
0xb9: {  	s29 =	simm.s32 $0x9;
	_ =	strace $0x80000051  }
0xba: {  	_ =	swait.ge [sflag:s29], $0x1  }
0xbb: {  	[sflag:s29] =	ssyncadd.s32 $0xFFFFFFFF  }
0xbc: {  	_ =	strace $0x90000051  }
0xbd: {  	_ =	sfence  }
0xbe: {  	s30 =	sld [smem:$0x0];
	_ =	sdelay $0x2  }
0xbf: {  	s31 =	sshll.u32 s1, $0xD;
	s1 =	sshrl.u32 s1, $0x2  }
0xc0: {  	s3 =	sand.u32 $0x4000, s31;
	s1 =	sadd.s32 s1, s30  }
0xc1: {  	s0 =	sor.u32 s3, s0;
	s1 =	sshll.u32 s1, $0x11  }
0xc2: {  	s0 =	sor.u32 s1, s0  }
0xc3: {  	s0 =	sadd.s32 $0x8F2B, s0  }
0xc4: {  	[sflag:s0] =	ssyncadd.remote.s32 $0x1  }
0xc5: {  	_ =	sfence.sel $0xFFFF  }
0xc6: {  	[dreg:$0x0] =	wrdreg $0xFFFFFFFF;
	(pc) =	sbr.abs _section_cstart, $3  }
0xc7: {  	[dreg:$0x1] =	wrdreg $0xFFFFFFFF  }
0xc8: {  	_ =	task.clear_ibuf [dreg:s7], $0x2FFFF;
	_ =	strace $0x9FFFFFFF  }
0xc9: {  	(tm) =	ssettm $0x7FFFFFFF  }
tec
execute0_lowered:
.L_overlay_start_1:
0x0: {  	(tag) =	ssettag $0x1  }
0x1: {  	s0 =	rddreg [dreg:$0x0]  }
0x2: {  	s2 =	rddreg [dreg:$0x1]  }
0x3: {  	s1 =	rddreg [dreg:$0x2]  }
0x4: {  	s3 =	srdreg.scid;
	s9 =	stileid.u32;
	s17 =	simm.s32 $0x16800  }
0x5: {  	s18 =	simm.s32 $0x5;
	s19 =	simm.s32 $0x14000;
	s20 =	simm.s32 $0x15400  }
0x6: {  	s21 =	simm.s32 $0x80;
	s22 =	simm.s32 $0x14080;
	s23 =	simm.s32 $0x1A800  }
0x7: {  	s28 =	simm.s32 $0x4;
	s29 =	simm.s32 $0x16700;
	s30 =	simm.s32 $0x16780  }
0x8: {  	s31 =	simm.s32 $0x0;
	s6 =	sand.u32 $0x1, s3;
	s3 =	simm.s32 $0x0  }
0x9: {  	s7 =	smul.u32 $0x14000, s9;
	s4 =	sadd.s32 $0xDA00, s0;
	s14 =	sadd.s32 $0x3A00, s0  }
0xa: {  	s24 =	sadd.s32 $0x35A00, s0;
	s8 =	smul.u32 $0x50000, s9;
	s9 =	sshll.u32 s9, $0x1  }
0xb: {  	s5 =	smul.u32 $0x140000, s6;
	[smem:$0x7FF] =	sst s3;
	s25 =	ssub.s32 $0x2, s6  }
0xc: {  	s9 =	sor.u32 s6, s9;
	_ =	strace $0x80000050;
	[dreg:$0x4] =	wrdreg s24  }
0xd: {  	s10 =	sshrl.u32 s25, $0x1;
	s26 =	sshrl.u32 s8, $0x2;
	s11 =	smul.u32 $0x2800, s9  }
0xe: {  	s12 =	smul.u32 $0x500, s9;
	s24 =	simm.s32 $0x1;
	s7 =	sadd.s32 s7, s5  }
0xf: {  	s16 =	ssub.s32 s25, s10;
	s6 =	sadd.s32 s26, s1;
	s25 =	simm.s32 $0x2  }
0x10: {  	s26 =	simm.s32 $0x3;
	s7 =	sshrl.u32 s7, $0x3;
	s8 =	sadd.s32 $0x8000, s6  }
0x11: {  	s9 =	sadd.s32 $0xC000, s6;
	s10 =	sadd.s32 $0x10000, s6;
	s13 =	sshrl.u32 s11, $0x3  }
0x12: {  	s11 =	sadd.s32 s2, s12;
	s12 =	sadd.s32 s14, s12;
	s16 =	smax.u32 s16, $0x1  }
0x13: {  	s0 =	sadd.s32 s7, s0;
	s7 =	sadd.s32 $0x4000, s6;
	s15 =	sadd.s32 $0x280, s13  }
0x14: {  	s13 =	sadd.s32 s2, s15;
	s14 =	sadd.s32 s14, s15;
	s15 =	sadd.s32 $0x36200, s0  }
.LBB2_1:
0x15: {  	s0 =	rddreg [dreg:$0x4]  }
0x16: {  	[tilespmem:s17], [sflag:$0x5] =	stream.linear.gather [hbm4b:s0+s3], $0x4000, $0x38;
	[tilespmem:$0x1E800] =	vst v63  }
0x17: {  	_ =	swait.ge [sflag:s18], $0x4000  }
0x18: {  	[sflag:s18] =	ssyncset.done $0x0  }
0x19: {  	[sflag:s18] =	ssyncadd.s32 $0xFFFFC000  }
0x1a: {  	[spmem:s6] =	stream.linear.scatter [tilespmem:s17], [sflag:$0x5], $0x4000, $0x38;
	[tilespmem:$0x1E800] =	vst v63  }
0x1b: {  	_ =	swait.ge [sflag:s18], $0x4000  }
0x1c: {  	[sflag:s18] =	ssyncset.done $0x0  }
0x1d: {  	[sflag:s18] =	ssyncadd.s32 $0xFFFFC000  }
0x1e: {  	[spmem:s7] =	stream.linear.scatter [tilespmem:s17], [sflag:$0x5], $0x4000, $0x38;
	[tilespmem:$0x1E800] =	vst v63  }
0x1f: {  	_ =	swait.ge [sflag:s18], $0x4000  }
0x20: {  	[sflag:s18] =	ssyncset.done $0x0  }
0x21: {  	[sflag:s18] =	ssyncadd.s32 $0xFFFFC000  }
0x22: {  	[spmem:s8] =	stream.linear.scatter [tilespmem:s17], [sflag:$0x5], $0x4000, $0x38;
	[tilespmem:$0x1E800] =	vst v63  }
0x23: {  	_ =	swait.ge [sflag:s18], $0x4000  }
0x24: {  	[sflag:s18] =	ssyncset.done $0x0  }
0x25: {  	[sflag:s18] =	ssyncadd.s32 $0xFFFFC000  }
0x26: {  	[spmem:s9] =	stream.linear.scatter [tilespmem:s17], [sflag:$0x5], $0x4000, $0x38;
	[tilespmem:$0x1E800] =	vst v63  }
0x27: {  	_ =	swait.ge [sflag:s18], $0x4000  }
0x28: {  	[sflag:s18] =	ssyncset.done $0x0  }
0x29: {  	[sflag:s18] =	ssyncadd.s32 $0xFFFFC000  }
0x2a: {  	[spmem:s10] =	stream.linear.scatter [tilespmem:s17], [sflag:$0x5], $0x4000, $0x38;
	[tilespmem:$0x1E800] =	vst v63  }
0x2b: {  	_ =	swait.ge [sflag:s18], $0x4000  }
0x2c: {  	[sflag:s18] =	ssyncset.done $0x0  }
0x2d: {  	[sflag:s18] =	ssyncadd.s32 $0xFFFFC000  }
0x2e: {  	[bflag:$0x0] =	sbarrier.arrive $0xFFFF  }
0x2f: {  	[tilespmem:s19], [sflag:$0x5] =	stream.linear.gather [hbm4b:s11+s3], $0x1400, $0x38;
	[tilespmem:$0x1E800] =	vst v63  }
0x30: {  	_ =	swait.ge [sflag:s18], $0x1400  }
0x31: {  	[sflag:s18] =	ssyncset.done $0x0  }
0x32: {  	[sflag:s18] =	ssyncadd.s32 $0xFFFFEC00  }
0x33: {  	[tilespmem:s20], [sflag:$0x5] =	stream.linear.gather [hbm4b:s12+s3], $0x1400, $0x38;
	[tilespmem:$0x1E800] =	vst v63  }
0x34: {  	_ =	swait.ge [sflag:s18], $0x1400  }
0x35: {  	[sflag:s18] =	ssyncset.done $0x0  }
0x36: {  	[sflag:s18] =	ssyncadd.s32 $0xFFFFEC00  }
0x37: {  	[tilespmem:s17], [sflag:$0x1] =	stream.indirect.gather [hbm4b:s4+s21], $0x80, s19, s21, $0xb8;
	[tilespmem:$0x1E800] =	vst v63  }
0x38: {  	_ = 	snop  }
0x39: {  	[tilespmem:s23], [sflag:$0x2] =	stream.indirect.gather [hbm4b:s4+s21], $0x80, s22, s21, $0xb8;
	[tilespmem:$0x1E800] =	vst v63  }
0x3a: {  	_ =	swait.ge [sflag:s24], $0x4000  }
0x3b: {  	[sflag:s24] =	ssyncset.done $0x0  }
0x3c: {  	s5 =	simm.s32 $0x15400;
	[sflag:s24] =	ssyncadd.s32 $0xFFFFC000  }
0x3d: {  	[spmem:s1] =	stream.indirect.scatter.add.f32 [tilespmem:s17], [sflag:$0x3], $0x80, s5, s21, $0xb8;
	[tilespmem:$0x1E800] =	vst v63  }
0x3e: {  	_ =	swait.ge [sflag:s25], $0x4000  }
0x3f: {  	[sflag:s25] =	ssyncset.done $0x0  }
0x40: {  	s2 =	simm.s32 $0x15480;
	[sflag:s25] =	ssyncadd.s32 $0xFFFFC000  }
0x41: {  	[spmem:s1] =	stream.indirect.scatter.add.f32 [tilespmem:s23], [sflag:$0x4], $0x80, s2, s21, $0xb8;
	[tilespmem:$0x1E800] =	vst v63  }
0x42: {  	_ =	swait.ge [sflag:s26], $0x4000  }
0x43: {  	[sflag:s26] =	ssyncset.done $0x0  }
0x44: {  	s5 =	simm.s32 $0x14100;
	[sflag:s26] =	ssyncadd.s32 $0xFFFFC000  }
0x45: {  	[tilespmem:s17], [sflag:$0x1] =	stream.indirect.gather [hbm4b:s4+s21], $0x80, s5, s21, $0xb8;
	[tilespmem:$0x1E800] =	vst v63  }
0x46: {  	_ =	swait.ge [sflag:s28], $0x4000  }
0x47: {  	[sflag:s28] =	ssyncset.done $0x0  }
0x48: {  	s0 =	simm.s32 $0x400;
	s2 =	simm.s32 $0x14180;
	[sflag:s28] =	ssyncadd.s32 $0xFFFFC000  }
.LBB2_2:
0x49: {  	[tilespmem:s23], [sflag:$0x2] =	stream.indirect.gather [hbm4b:s4+s21], $0x80, s2, s21, $0xb8;
	[tilespmem:$0x1E800] =	vst v63  }
0x4a: {  	s2 =	smov.u32 s0  }
0x4b: {  	p0 =	sne.s32 s0, $0x4800;
	s0 =	sadd.s32 $0x400, s0;
	_ =	swait.ge [sflag:s24], $0x4000  }
0x4c: {  	s2 =	sshra.s32 s2, $0x2;
	[sflag:s24] =	ssyncset.done $0x0  }
0x4d: {  	s5 =	sadd.s32 $0x15400, s2;
	[sflag:s24] =	ssyncadd.s32 $0xFFFFC000  }
0x4e: {  	[spmem:s1] =	stream.indirect.scatter.add.f32 [tilespmem:s17], [sflag:$0x3], $0x80, s5, s21, $0xb8;
	[tilespmem:$0x1E800] =	vst v63  }
0x4f: {  	_ =	swait.ge [sflag:s25], $0x4000  }
0x50: {  	[sflag:s25] =	ssyncset.done $0x0  }
0x51: {  	s5 =	sadd.s32 $0x15480, s2;
	[sflag:s25] =	ssyncadd.s32 $0xFFFFC000  }
0x52: {  	[spmem:s1] =	stream.indirect.scatter.add.f32 [tilespmem:s23], [sflag:$0x4], $0x80, s5, s21, $0xb8;
	[tilespmem:$0x1E800] =	vst v63  }
0x53: {  	_ =	swait.ge [sflag:s26], $0x4000  }
0x54: {  	[sflag:s26] =	ssyncset.done $0x0  }
.Ltmp0:
0x55: {  	s5 =	sadd.s32 $0x14100, s2;
	[sflag:s26] =	ssyncadd.s32 $0xFFFFC000;
	(pc) =	sbr.rel @p0 .LBB2_2-.Ltmp0, $4  }
0x56: {  	[tilespmem:s17], [sflag:$0x1] =	stream.indirect.gather [hbm4b:s4+s21], $0x80, s5, s21, $0xb8;
	[tilespmem:$0x1E800] =	vst v63  }
0x57: {  	_ =	swait.ge [sflag:s28], $0x4000  }
0x58: {  	[sflag:s28] =	ssyncset.done $0x0  }
0x59: {  	s2 =	sadd.s32 $0x14180, s2;
	[sflag:s28] =	ssyncadd.s32 $0xFFFFC000  }
0x5a: {  	[tilespmem:s23], [sflag:$0x2] =	stream.indirect.gather [hbm4b:s4+s21], $0x80, s2, s21, $0xb8;
	[tilespmem:$0x1E800] =	vst v63  }
0x5b: {  	_ =	swait.ge [sflag:s24], $0x4000  }
0x5c: {  	[sflag:s24] =	ssyncset.done $0x0  }
0x5d: {  	[sflag:s24] =	ssyncadd.s32 $0xFFFFC000  }
0x5e: {  	[spmem:s1] =	stream.indirect.scatter.add.f32 [tilespmem:s17], [sflag:$0x3], $0x80, s29, s21, $0xb8;
	[tilespmem:$0x1E800] =	vst v63  }
0x5f: {  	_ =	swait.ge [sflag:s25], $0x4000  }
0x60: {  	[sflag:s25] =	ssyncset.done $0x0  }
0x61: {  	[sflag:s25] =	ssyncadd.s32 $0xFFFFC000  }
0x62: {  	[spmem:s1] =	stream.indirect.scatter.add.f32 [tilespmem:s23], [sflag:$0x4], $0x80, s30, s21, $0xb8;
	[tilespmem:$0x1E800] =	vst v63  }
0x63: {  	_ =	swait.ge [sflag:s26], $0x4000  }
0x64: {  	[sflag:s26] =	ssyncset.done $0x0  }
0x65: {  	[sflag:s26] =	ssyncadd.s32 $0xFFFFC000  }
0x66: {  	_ =	swait.ge [sflag:s28], $0x4000  }
0x67: {  	[sflag:s28] =	ssyncset.done $0x0  }
0x68: {  	s0 =	simm.s32 $0x0;
	[sflag:s28] =	ssyncadd.s32 $0xFFFFC000  }
0x69: {  	[tilespmem:s19], [sflag:$0x5] =	stream.linear.gather [hbm4b:s13+s0], $0x1400, $0x38;
	[tilespmem:$0x1E800] =	vst v63  }
0x6a: {  	_ =	swait.ge [sflag:s18], $0x1400  }
0x6b: {  	[sflag:s18] =	ssyncset.done $0x0  }
0x6c: {  	[sflag:s18] =	ssyncadd.s32 $0xFFFFEC00  }
0x6d: {  	[tilespmem:s20], [sflag:$0x5] =	stream.linear.gather [hbm4b:s14+s0], $0x1400, $0x38;
	[tilespmem:$0x1E800] =	vst v63  }
0x6e: {  	_ =	swait.ge [sflag:s18], $0x1400  }
0x6f: {  	[sflag:s18] =	ssyncset.done $0x0  }
0x70: {  	[sflag:s18] =	ssyncadd.s32 $0xFFFFEC00  }
0x71: {  	[tilespmem:s17], [sflag:$0x1] =	stream.indirect.gather [hbm4b:s4+s21], $0x80, s19, s21, $0xb8;
	[tilespmem:$0x1E800] =	vst v63  }
0x72: {  	_ = 	snop  }
0x73: {  	[tilespmem:s23], [sflag:$0x2] =	stream.indirect.gather [hbm4b:s4+s21], $0x80, s22, s21, $0xb8;
	[tilespmem:$0x1E800] =	vst v63  }
0x74: {  	_ =	swait.ge [sflag:s24], $0x4000  }
0x75: {  	[sflag:s24] =	ssyncset.done $0x0  }
0x76: {  	s5 =	simm.s32 $0x15400;
	[sflag:s24] =	ssyncadd.s32 $0xFFFFC000  }
0x77: {  	[spmem:s1] =	stream.indirect.scatter.add.f32 [tilespmem:s17], [sflag:$0x3], $0x80, s5, s21, $0xb8;
	[tilespmem:$0x1E800] =	vst v63  }
0x78: {  	_ =	swait.ge [sflag:s25], $0x4000  }
0x79: {  	[sflag:s25] =	ssyncset.done $0x0  }
0x7a: {  	s2 =	simm.s32 $0x15480;
	[sflag:s25] =	ssyncadd.s32 $0xFFFFC000  }
0x7b: {  	[spmem:s1] =	stream.indirect.scatter.add.f32 [tilespmem:s23], [sflag:$0x4], $0x80, s2, s21, $0xb8;
	[tilespmem:$0x1E800] =	vst v63  }
0x7c: {  	_ =	swait.ge [sflag:s26], $0x4000  }
0x7d: {  	[sflag:s26] =	ssyncset.done $0x0  }
0x7e: {  	s5 =	simm.s32 $0x14100;
	[sflag:s26] =	ssyncadd.s32 $0xFFFFC000  }
0x7f: {  	[tilespmem:s17], [sflag:$0x1] =	stream.indirect.gather [hbm4b:s4+s21], $0x80, s5, s21, $0xb8;
	[tilespmem:$0x1E800] =	vst v63  }
0x80: {  	_ =	swait.ge [sflag:s28], $0x4000  }
0x81: {  	[sflag:s28] =	ssyncset.done $0x0  }
0x82: {  	s0 =	simm.s32 $0x400;
	s2 =	simm.s32 $0x14180;
	[sflag:s28] =	ssyncadd.s32 $0xFFFFC000  }
.LBB2_4:
0x83: {  	[tilespmem:s23], [sflag:$0x2] =	stream.indirect.gather [hbm4b:s4+s21], $0x80, s2, s21, $0xb8;
	[tilespmem:$0x1E800] =	vst v63  }
0x84: {  	s2 =	smov.u32 s0  }
0x85: {  	p0 =	sne.s32 s0, $0x4800;
	s0 =	sadd.s32 $0x400, s0;
	_ =	swait.ge [sflag:s24], $0x4000  }
0x86: {  	s2 =	sshra.s32 s2, $0x2;
	[sflag:s24] =	ssyncset.done $0x0  }
0x87: {  	s5 =	sadd.s32 $0x15400, s2;
	[sflag:s24] =	ssyncadd.s32 $0xFFFFC000  }
0x88: {  	[spmem:s1] =	stream.indirect.scatter.add.f32 [tilespmem:s17], [sflag:$0x3], $0x80, s5, s21, $0xb8;
	[tilespmem:$0x1E800] =	vst v63  }
0x89: {  	_ =	swait.ge [sflag:s25], $0x4000  }
0x8a: {  	[sflag:s25] =	ssyncset.done $0x0  }
0x8b: {  	s5 =	sadd.s32 $0x15480, s2;
	[sflag:s25] =	ssyncadd.s32 $0xFFFFC000  }
0x8c: {  	[spmem:s1] =	stream.indirect.scatter.add.f32 [tilespmem:s23], [sflag:$0x4], $0x80, s5, s21, $0xb8;
	[tilespmem:$0x1E800] =	vst v63  }
0x8d: {  	_ =	swait.ge [sflag:s26], $0x4000  }
0x8e: {  	[sflag:s26] =	ssyncset.done $0x0  }
.Ltmp1:
0x8f: {  	s5 =	sadd.s32 $0x14100, s2;
	[sflag:s26] =	ssyncadd.s32 $0xFFFFC000;
	(pc) =	sbr.rel @p0 .LBB2_4-.Ltmp1, $4  }
0x90: {  	[tilespmem:s17], [sflag:$0x1] =	stream.indirect.gather [hbm4b:s4+s21], $0x80, s5, s21, $0xb8;
	[tilespmem:$0x1E800] =	vst v63  }
0x91: {  	_ =	swait.ge [sflag:s28], $0x4000  }
0x92: {  	[sflag:s28] =	ssyncset.done $0x0  }
0x93: {  	s2 =	sadd.s32 $0x14180, s2;
	[sflag:s28] =	ssyncadd.s32 $0xFFFFC000  }
0x94: {  	[tilespmem:s23], [sflag:$0x2] =	stream.indirect.gather [hbm4b:s4+s21], $0x80, s2, s21, $0xb8;
	[tilespmem:$0x1E800] =	vst v63  }
0x95: {  	_ =	swait.ge [sflag:s24], $0x4000  }
0x96: {  	[sflag:s24] =	ssyncset.done $0x0  }
0x97: {  	[sflag:s24] =	ssyncadd.s32 $0xFFFFC000  }
0x98: {  	[spmem:s1] =	stream.indirect.scatter.add.f32 [tilespmem:s17], [sflag:$0x3], $0x80, s29, s21, $0xb8;
	[tilespmem:$0x1E800] =	vst v63  }
0x99: {  	_ =	swait.ge [sflag:s25], $0x4000  }
0x9a: {  	[sflag:s25] =	ssyncset.done $0x0  }
0x9b: {  	[sflag:s25] =	ssyncadd.s32 $0xFFFFC000  }
0x9c: {  	[spmem:s1] =	stream.indirect.scatter.add.f32 [tilespmem:s23], [sflag:$0x4], $0x80, s30, s21, $0xb8;
	[tilespmem:$0x1E800] =	vst v63  }
0x9d: {  	_ =	swait.ge [sflag:s26], $0x4000  }
0x9e: {  	[sflag:s26] =	ssyncset.done $0x0  }
0x9f: {  	[sflag:s26] =	ssyncadd.s32 $0xFFFFC000  }
0xa0: {  	s0 =	stileid.u32;
	_ =	swait.ge [sflag:s28], $0x4000  }
0xa1: {  	s5 =	sshrl.u32 s6, $0x3;
	s31 =	sadd.s32 $0x1, s31;
	[sflag:s28] =	ssyncset.done $0x0  }
0xa2: {  	s0 =	sshll.u32 s0, $0x6;
	p0 =	sne.s32 s31, s16;
	[sflag:s28] =	ssyncadd.s32 $0xFFFFC000  }
.Ltmp2:
0xa3: {  	s0 =	sor.u32 $0x1C05, s0;
	[bflag:$0x0] =	sbarrier.arrive $0xFFFF;
	(pc) =	sbr.rel @p0 .LBB2_1-.Ltmp2, $4  }
0xa4: {  	[hbm:s15], [sflag:s0] =	dma.local [spmem:s5], $0x2800  }
0xa5: {  	_ =	swait.ge [sflag:s18], $0x2800  }
0xa6: {  	[sflag:s18] =	ssyncset.done $0x0  }
0xa7: {  	[sflag:s18] =	ssyncadd.s32 $0xFFFFD800  }
0xa8: {  	_ =	sfence.sel $0x180000  }
0xa9: {  	[bflag:$0x0] =	sbarrier.arrive $0xFFFF  }
0xaa: {  	_ =	strace $0x90000050  }
0xab: {  	s0 =	stileid.u32;
	[bflag:$0x2] =	sbarrier.arrive $0xFFFF  }
0xac: {  	p0 =	sne.s32 s0, $0x0;
	s0 =	rddreg [dreg:$0x3]  }
0xad: {  	s0 =	sadd.s32 @!p0 $0x100000, s0  }
0xae: {  	[sflag:s0] =	ssyncadd.tile.s32 @!p0 $0x1;
	_ =	shalt  }
.Lfunc_end2:
_tile_overlayer_lowered:
.L_overlay_start_2:
0xaf: {  	(tag) =	ssettag $0x2  }
0xb0: {  	s0 =	rddreg [dreg:$0x0];
	s2 =	stileid.u32  }
0xb1: {  	s1 =	rddreg [dreg:$0x1];
	p0 =	sne.s32 s2, $0x0  }
0xb2: {  	s3 =	rddreg [dreg:$0x2];
	[bflag:$0x3] =	sbarrier.arrive $0xFFFF;
	s2 =	simm.s32 @!p0 $0x1C05  }
0xb3: {  	[timem:s3], [sflag:s2] =	dma.local @!p0 [hbm:s0], s1  }
0xb4: {  	s0 =	simm.s32 @!p0 $0x5  }
0xb5: {  	_ =	swait.ge @!p0 [sflag:s0], s1  }
0xb6: {  	s1 =	ssub.s32 @!p0 $0x0, s1;
	[sflag:s0] =	ssyncset.done @!p0 $0x0  }
0xb7: {  	[sflag:s0] =	ssyncadd.s32 @!p0 s1  }
0xb8: {  	[bflag:$0x3] =	sbarrier.arrive $0xFFFF  }
0xb9: {  	_ =	shalt  }

</sc_bundles>
